<compile_context>
chip_gen: v7x
topology: tpu7x:2x2x1
jax: 0.10.2.dev20260603
libtpu: 0.0.44.dev20260713+nightly
codegen_flags: <defaults>
</compile_context>

<pallas_src>
import functools

import jax
import jax.numpy as jnp
from jax import lax
from jax.experimental import pallas as pl
from jax.experimental.pallas import tpu as pltpu
from jax.experimental.pallas import tpu_sc as plsc

N = 100000
HIDDEN = 512
KV = HIDDEN // 16

NS = 6400
NT = N - NS

BLK = 4680
NBUF = 3
NBLK = NT // BLK

NW = 32
PSC = NS // NW
CH = 40
NCH = PSC // CH
GSTARTS = (0, 16, CH - 16)


def _tc_body(h_hbm, w_ref, b_ref, out_ref, buf, sems):
    i = pl.program_id(0)

    def start(block, slot):
        pltpu.make_async_copy(
            h_hbm.at[pl.ds(block * BLK, BLK), :],
            buf.at[slot],
            sems.at[slot],
        ).start()

    @pl.when(i == 0)
    def _prime():
        for k in range(NBUF):
            start(k, k)

    slot = lax.rem(i, NBUF)
    pltpu.make_async_copy(
        h_hbm.at[pl.ds(i * BLK, BLK), :], buf.at[slot], sems.at[slot]
    ).wait()

    h = jnp.maximum(buf[slot], 0.0)
    y = lax.dot_general(
        w_ref[...], h, (((0,), (1,)), ((), ())),
        preferred_element_type=jnp.float32,
    )
    out_ref[...] = (y + b_ref[0, 0]).reshape(1, 8, BLK // 8)

    nxt = i + NBUF

    @pl.when(nxt < NBLK)
    def _refill():
        start(nxt, slot)


def _perm(v, idx):
    return lax.gather(
        v,
        idx.reshape(16, 1),
        lax.GatherDimensionNumbers(
            offset_dims=(), collapsed_slice_dims=(0,), start_index_map=(0,)
        ),
        slice_sizes=(1,),
        mode=lax.GatherScatterMode.PROMISE_IN_BOUNDS,
    )


def _sc_body(h_hbm, w_hbm, out_hbm, buf, w_v, tr, out_stage, sems, osem):
    info = plsc.get_sparse_core_info()
    nc = info.num_cores
    wid = lax.axis_index("s") * nc + lax.axis_index("c")
    base = NT + wid * PSC

    pltpu.sync_copy(w_hbm, w_v)

    def start(c, slot):
        pltpu.make_async_copy(
            h_hbm.at[pl.ds(base + c * CH, CH), :],
            buf.at[slot],
            sems.at[slot],
        ).start()

    start(0, 0)

    lanes = lax.iota(jnp.int32, 16)

    def chunk_body(c, carry):
        slot = lax.rem(c, 2)

        @pl.when(c + 1 < NCH)
        def _():
            start(c + 1, 1 - slot)

        pltpu.make_async_copy(
            h_hbm.at[pl.ds(base + c * CH, CH), :],
            buf.at[slot],
            sems.at[slot],
        ).wait()

        for g0 in GSTARTS:
            def kstep(j, accs):
                wv = w_v[pl.ds(j * 16, 16)]
                new_accs = []
                for r in range(16):
                    hv = buf[slot, g0 + r, pl.ds(j * 16, 16)]
                    new_accs.append(accs[r] + jnp.maximum(hv, 0.0) * wv)
                return tuple(new_accs)

            zero = jnp.zeros((16,), jnp.float32)
            accs = lax.fori_loop(0, KV, kstep, (zero,) * 16)

            tot = jnp.zeros((16,), jnp.float32)
            for r in range(16):
                s = accs[r]
                for sh in (8, 4, 2, 1):
                    s = s + _perm(s, jnp.bitwise_xor(lanes, sh))
                tot = jnp.where(lanes == r, s, tot)
            out_stage[pl.ds(c * CH + g0, 16)] = tot

        return carry

    lax.fori_loop(0, NCH, chunk_body, 0)

    copy = pltpu.make_async_copy(out_stage, out_hbm.at[wid], osem)
    copy.start()
    copy.wait()


_sc_call = functools.partial(
    pl.kernel,
    mesh=plsc.VectorSubcoreMesh(core_axis_name="c", subcore_axis_name="s"),
    out_type=jax.ShapeDtypeStruct((NW, PSC), jnp.float32),
    scratch_types=[
        pltpu.VMEM((2, CH, HIDDEN), jnp.float32),
        pltpu.VMEM((HIDDEN,), jnp.float32),
        pltpu.VMEM((16, 16), jnp.float32),
        pltpu.VMEM((PSC,), jnp.float32),
        pltpu.SemaphoreType.DMA((2,)),
        pltpu.SemaphoreType.DMA,
    ],
)


def kernel(h_0, W_node, b_node):
    b2 = b_node.reshape(1, 1)
    out_tc = pl.pallas_call(
        _tc_body,
        grid=(NBLK,),
        in_specs=[
            pl.BlockSpec(memory_space=pl.ANY),
            pl.BlockSpec((HIDDEN, 1), lambda i: (0, 0)),
            pl.BlockSpec(memory_space=pltpu.SMEM),
        ],
        out_specs=pl.BlockSpec((1, 8, BLK // 8), lambda i: (i, 0, 0)),
        out_shape=jax.ShapeDtypeStruct((NBLK, 8, BLK // 8), jnp.float32),
        scratch_shapes=[
            pltpu.VMEM((NBUF, BLK, HIDDEN), jnp.float32),
            pltpu.SemaphoreType.DMA((NBUF,)),
        ],
        compiler_params=pltpu.CompilerParams(
            dimension_semantics=("arbitrary",),
        ),
    )(h_0, W_node, b2)

    out_sc = _sc_call(_sc_body)(h_0, W_node.reshape(HIDDEN))

    top = out_tc.reshape(NT, 1)
    bot = out_sc.reshape(NS, 1) + b_node[0]
    return jnp.concatenate([top, bot], axis=0)

# --- scband reference (transcript-rebuilt; emitter-appended) ---
"""Pipeline reference for scband-recurrent-gcn-33071248179768 (READ-ONLY COPY).

The authoritative reference and input builder live on the scoring server;
editing this copy changes nothing except your own understanding.
"""

import jax, jax.numpy as jnp
import numpy as np

N = 100000
HIDDEN = 512

def setup_inputs(seed: int = 0) -> dict:
    key = jax.random.key(seed)
    k1, k2 = jax.random.split(key)
    h_0 = jax.random.normal(k1, (N, HIDDEN), dtype=jnp.float32)
    # node_regressor ~ lin_node = nn.Linear(hidden_dim, 1) (do_node_regression=True)
    # xavier_uniform init for weight, zeros for bias
    limit = float(np.sqrt(6.0 / (HIDDEN + 1)))
    W_node = jax.random.uniform(k2, (HIDDEN, 1), dtype=jnp.float32, minval=-limit, maxval=limit)
    b_node = jnp.zeros((1,), dtype=jnp.float32)
    return {"h_0": h_0, "W_node": W_node, "b_node": b_node}

def reference(h_0, W_node, b_node):
    # forward(h_0): h_1 = relu(h_0); out = node_regressor(h_1)
    h_1 = jax.nn.relu(h_0)
    out = h_1 @ W_node + b_node
    return out

if __name__ == "__main__":
    import jax
    _d = setup_inputs()
    print(jax.jit(kernel)(*tuple(_d.values())))

</pallas_src>

<mosaic_0001>
#map = affine_map<(d0, d1) -> (0, 0)>
#map1 = affine_map<(d0, d1) -> (0)>
module attributes {stable_mosaic.version = 14 : i64} {
  func.func @_sc_body(%arg0: i32, %arg1: i32, %arg2: memref<100000x512xf32, #tpu.memory_space<hbm>>, %arg3: memref<512xf32, #tpu.memory_space<hbm>>, %arg4: memref<32x200xf32, #tpu.memory_space<hbm>>, %arg5: memref<2x40x512xf32, #tpu.memory_space<vmem>>, %arg6: memref<512xf32, #tpu.memory_space<vmem>>, %arg7: memref<16x16xf32, #tpu.memory_space<vmem>>, %arg8: memref<200xf32, #tpu.memory_space<vmem>>, %arg9: memref<2x!tpu.dma_semaphore, #tpu.memory_space<semaphore_mem>>, %arg10: memref<!tpu.dma_semaphore, #tpu.memory_space<semaphore_mem>>) attributes {dimension_semantics = [#tpu.dimension_semantics<core_parallel>, #tpu.dimension_semantics<subcore_parallel>], iteration_bounds = array<i64: 2, 16>, scalar_prefetch = 0 : i64, scratch_operands = 6 : i64, tpu.core_type = #tpu.core_type<sc_vector_subcore>, window_params = [{transform_indices = #map}, {transform_indices = #map1}, {transform_indices = #map}]} {
    %mul3A = arith.constant 2 : i32
    %mul3A_0 = arith.muli %arg1, %mul3A : i32
    %add3A = arith.addi %mul3A_0, %arg0 : i32
    %mul3A_1 = arith.constant 200 : i32
    %mul3A_2 = arith.muli %add3A, %mul3A_1 : i32
    %add3A_3 = arith.constant 93600 : i32
    %add3A_4 = arith.addi %add3A_3, %mul3A_2 : i32
    "tpu.region"() ({
      %run_scoped3A = tpu.sem_alloc : memref<!tpu.dma_semaphore, #tpu.memory_space<semaphore_mem>>
      tpu.enqueue_dma source(%arg3 : memref<512xf32, #tpu.memory_space<hbm>>) target(%arg6 : memref<512xf32, #tpu.memory_space<vmem>>) target_semaphore(%run_scoped3A : memref<!tpu.dma_semaphore, #tpu.memory_space<semaphore_mem>>)
      tpu.wait_dma2 semaphore(%run_scoped3A : memref<!tpu.dma_semaphore, #tpu.memory_space<semaphore_mem>>) src(%arg3 : memref<512xf32, #tpu.memory_space<hbm>>) dst(%arg6 : memref<512xf32, #tpu.memory_space<vmem>>)
      tpu.yield
    }) : () -> ()
    %add3A_5 = arith.constant 0 : i32
    %add3A_6 = arith.addi %add3A_4, %add3A_5 : i32
    %dma_start3A = arith.constant 0 : i32
    %dma_start3A_7 = arith.constant 0 : i32
    %dma_start3A_8 = arith.constant 0 : i32
    %dma_start3A_9 = arith.constant 0 : i32
    %dma_start3A_10 = tpu.memref_slice %arg5[%dma_start3A, %dma_start3A_8, %dma_start3A_9] : memref<2x40x512xf32, #tpu.memory_space<vmem>> -> memref<1x40x512xf32, #tpu.memory_space<vmem>>
    %dma_start3A_11 = tpu.memref_squeeze %dma_start3A_10 : memref<1x40x512xf32, #tpu.memory_space<vmem>> -> memref<40x512xf32, #tpu.memory_space<vmem>>
    %dma_start3A_12 = arith.constant 0 : i32
    %dma_start3A_13 = tpu.memref_slice %arg2[%add3A_6, %dma_start3A_12] : memref<100000x512xf32, #tpu.memory_space<hbm>> -> memref<40x512xf32, #tpu.memory_space<hbm>>
    %dma_start3A_14 = tpu.memref_slice %arg9[%dma_start3A_7] : memref<2x!tpu.dma_semaphore, #tpu.memory_space<semaphore_mem>> -> memref<1x!tpu.dma_semaphore, #tpu.memory_space<semaphore_mem>>
    %dma_start3A_15 = tpu.memref_squeeze %dma_start3A_14 : memref<1x!tpu.dma_semaphore, #tpu.memory_space<semaphore_mem>> -> memref<!tpu.dma_semaphore, #tpu.memory_space<semaphore_mem>>
    %dma_start3A_16 = arith.constant 0 : i32
    %dma_start3A_17 = arith.constant 0 : i32
    %dma_start3A_18 = tpu.memref_slice %arg5[%dma_start3A, %dma_start3A_16, %dma_start3A_17] : memref<2x40x512xf32, #tpu.memory_space<vmem>> -> memref<1x40x512xf32, #tpu.memory_space<vmem>>
    %dma_start3A_19 = tpu.memref_squeeze %dma_start3A_18 : memref<1x40x512xf32, #tpu.memory_space<vmem>> -> memref<40x512xf32, #tpu.memory_space<vmem>>
    %dma_start3A_20 = arith.constant 0 : i32
    %dma_start3A_21 = tpu.memref_slice %arg2[%add3A_6, %dma_start3A_20] : memref<100000x512xf32, #tpu.memory_space<hbm>> -> memref<40x512xf32, #tpu.memory_space<hbm>>
    tpu.enqueue_dma source(%dma_start3A_21 : memref<40x512xf32, #tpu.memory_space<hbm>>) target(%dma_start3A_19 : memref<40x512xf32, #tpu.memory_space<vmem>>) target_semaphore(%dma_start3A_15 : memref<!tpu.dma_semaphore, #tpu.memory_space<semaphore_mem>>)
    %iota3A = tpu.iota {dimensions = array<i32: 0>} : vector<16xi32>
    %scan3A = arith.constant 0 : i32
    %scan3A_22 = arith.constant 0 : i32
    %scan3A_23 = arith.constant 5 : i32
    %scan3A_24 = arith.addi %scan3A_22, %scan3A_23 : i32
    %scan3A_25 = arith.constant 1 : i32
    scf.for %scan3A_38 = %scan3A_22 to %scan3A_24 step %scan3A_25  : i32 {
      %rem3A = arith.constant 2 : i32
      %rem3A_39 = arith.remsi %scan3A_38, %rem3A : i32
      %add3A_40 = arith.constant 1 : i32
      %add3A_41 = arith.addi %scan3A_38, %add3A_40 : i32
      %lt3A = arith.constant 5 : i32
      %lt3A_42 = arith.cmpi slt, %add3A_41, %lt3A : i32
      %convert_element_type3A = arith.extui %lt3A_42 : i1 to i32
      %cond3A = arith.constant 0 : i32
      %cond3A_43 = arith.cmpi ne, %convert_element_type3A, %cond3A : i32
      scf.if %cond3A_43 {
        %add3A_1644 = arith.constant 1 : i32
        %add3A_1645 = arith.addi %scan3A_38, %add3A_1644 : i32
        %sub3A = arith.constant 1 : i32
        %sub3A_1646 = arith.subi %sub3A, %rem3A_39 : i32
        %mul3A_1647 = arith.constant 40 : i32
        %mul3A_1648 = arith.muli %add3A_1645, %mul3A_1647 : i32
        %add3A_1649 = arith.addi %add3A_4, %mul3A_1648 : i32
        %dma_start3A_1650 = arith.constant 0 : i32
        %dma_start3A_1651 = arith.constant 0 : i32
        %dma_start3A_1652 = tpu.memref_slice %arg5[%sub3A_1646, %dma_start3A_1650, %dma_start3A_1651] : memref<2x40x512xf32, #tpu.memory_space<vmem>> -> memref<1x40x512xf32, #tpu.memory_space<vmem>>
        %dma_start3A_1653 = tpu.memref_squeeze %dma_start3A_1652 : memref<1x40x512xf32, #tpu.memory_space<vmem>> -> memref<40x512xf32, #tpu.memory_space<vmem>>
        %dma_start3A_1654 = arith.constant 0 : i32
        %dma_start3A_1655 = tpu.memref_slice %arg2[%add3A_1649, %dma_start3A_1654] : memref<100000x512xf32, #tpu.memory_space<hbm>> -> memref<40x512xf32, #tpu.memory_space<hbm>>
        %dma_start3A_1656 = tpu.memref_slice %arg9[%sub3A_1646] : memref<2x!tpu.dma_semaphore, #tpu.memory_space<semaphore_mem>> -> memref<1x!tpu.dma_semaphore, #tpu.memory_space<semaphore_mem>>
        %dma_start3A_1657 = tpu.memref_squeeze %dma_start3A_1656 : memref<1x!tpu.dma_semaphore, #tpu.memory_space<semaphore_mem>> -> memref<!tpu.dma_semaphore, #tpu.memory_space<semaphore_mem>>
        %dma_start3A_1658 = arith.constant 0 : i32
        %dma_start3A_1659 = arith.constant 0 : i32
        %dma_start3A_1660 = tpu.memref_slice %arg5[%sub3A_1646, %dma_start3A_1658, %dma_start3A_1659] : memref<2x40x512xf32, #tpu.memory_space<vmem>> -> memref<1x40x512xf32, #tpu.memory_space<vmem>>
        %dma_start3A_1661 = tpu.memref_squeeze %dma_start3A_1660 : memref<1x40x512xf32, #tpu.memory_space<vmem>> -> memref<40x512xf32, #tpu.memory_space<vmem>>
        %dma_start3A_1662 = arith.constant 0 : i32
        %dma_start3A_1663 = tpu.memref_slice %arg2[%add3A_1649, %dma_start3A_1662] : memref<100000x512xf32, #tpu.memory_space<hbm>> -> memref<40x512xf32, #tpu.memory_space<hbm>>
        tpu.enqueue_dma source(%dma_start3A_1663 : memref<40x512xf32, #tpu.memory_space<hbm>>) target(%dma_start3A_1661 : memref<40x512xf32, #tpu.memory_space<vmem>>) target_semaphore(%dma_start3A_1657 : memref<!tpu.dma_semaphore, #tpu.memory_space<semaphore_mem>>)
      } else {
      }
      %mul3A_44 = arith.constant 40 : i32
      %mul3A_45 = arith.muli %scan3A_38, %mul3A_44 : i32
      %add3A_46 = arith.addi %add3A_4, %mul3A_45 : i32
      %dma_wait3A_47 = arith.constant 0 : i32
      %dma_wait3A_48 = arith.constant 0 : i32
      %dma_wait3A_49 = tpu.memref_slice %arg5[%rem3A_39, %dma_wait3A_47, %dma_wait3A_48] : memref<2x40x512xf32, #tpu.memory_space<vmem>> -> memref<1x40x512xf32, #tpu.memory_space<vmem>>
      %dma_wait3A_50 = tpu.memref_squeeze %dma_wait3A_49 : memref<1x40x512xf32, #tpu.memory_space<vmem>> -> memref<40x512xf32, #tpu.memory_space<vmem>>
      %dma_wait3A_51 = arith.constant 0 : i32
      %dma_wait3A_52 = tpu.memref_slice %arg2[%add3A_46, %dma_wait3A_51] : memref<100000x512xf32, #tpu.memory_space<hbm>> -> memref<40x512xf32, #tpu.memory_space<hbm>>
      %dma_wait3A_53 = tpu.memref_slice %arg9[%rem3A_39] : memref<2x!tpu.dma_semaphore, #tpu.memory_space<semaphore_mem>> -> memref<1x!tpu.dma_semaphore, #tpu.memory_space<semaphore_mem>>
      %dma_wait3A_54 = tpu.memref_squeeze %dma_wait3A_53 : memref<1x!tpu.dma_semaphore, #tpu.memory_space<semaphore_mem>> -> memref<!tpu.dma_semaphore, #tpu.memory_space<semaphore_mem>>
      %dma_wait3A_55 = arith.constant 0 : i32
      %dma_wait3A_56 = arith.constant 0 : i32
      %dma_wait3A_57 = tpu.memref_slice %arg5[%rem3A_39, %dma_wait3A_55, %dma_wait3A_56] : memref<2x40x512xf32, #tpu.memory_space<vmem>> -> memref<1x40x512xf32, #tpu.memory_space<vmem>>
      %dma_wait3A_58 = tpu.memref_squeeze %dma_wait3A_57 : memref<1x40x512xf32, #tpu.memory_space<vmem>> -> memref<40x512xf32, #tpu.memory_space<vmem>>
      %dma_wait3A_59 = arith.constant 0 : i32
      %dma_wait3A_60 = tpu.memref_slice %arg2[%add3A_46, %dma_wait3A_59] : memref<100000x512xf32, #tpu.memory_space<hbm>> -> memref<40x512xf32, #tpu.memory_space<hbm>>
      tpu.wait_dma2 semaphore(%dma_wait3A_54 : memref<!tpu.dma_semaphore, #tpu.memory_space<semaphore_mem>>) src(%dma_wait3A_60 : memref<40x512xf32, #tpu.memory_space<hbm>>) dst(%dma_wait3A_58 : memref<40x512xf32, #tpu.memory_space<vmem>>)
      %broadcast_in_dim3A = arith.constant 0.000000e+00 : f32
      %broadcast_in_dim3A_61 = vector.broadcast %broadcast_in_dim3A : f32 to vector<16xf32>
      %scan3A_62 = arith.constant 0 : i32
      %scan3A_63 = arith.constant 32 : i32
      %scan3A_64 = arith.addi %scan3A_62, %scan3A_63 : i32
      %scan3A_65 = arith.constant 1 : i32
      %scan3A_66:16 = scf.for %scan3A_1644 = %scan3A_62 to %scan3A_64 step %scan3A_65 iter_args(%scan3A_1645 = %broadcast_in_dim3A_61, %scan3A_1646 = %broadcast_in_dim3A_61, %scan3A_1647 = %broadcast_in_dim3A_61, %scan3A_1648 = %broadcast_in_dim3A_61, %scan3A_1649 = %broadcast_in_dim3A_61, %scan3A_1650 = %broadcast_in_dim3A_61, %scan3A_1651 = %broadcast_in_dim3A_61, %scan3A_1652 = %broadcast_in_dim3A_61, %scan3A_1653 = %broadcast_in_dim3A_61, %scan3A_1654 = %broadcast_in_dim3A_61, %scan3A_1655 = %broadcast_in_dim3A_61, %scan3A_1656 = %broadcast_in_dim3A_61, %scan3A_1657 = %broadcast_in_dim3A_61, %scan3A_1658 = %broadcast_in_dim3A_61, %scan3A_1659 = %broadcast_in_dim3A_61, %scan3A_1660 = %broadcast_in_dim3A_61) -> (vector<16xf32>, vector<16xf32>, vector<16xf32>, vector<16xf32>, vector<16xf32>, vector<16xf32>, vector<16xf32>, vector<16xf32>, vector<16xf32>, vector<16xf32>, vector<16xf32>, vector<16xf32>, vector<16xf32>, vector<16xf32>, vector<16xf32>, vector<16xf32>)  : i32 {
        %mul3A_1661 = arith.constant 16 : i32
        %mul3A_1662 = arith.muli %scan3A_1644, %mul3A_1661 : i32
        %get3A = arith.index_cast %mul3A_1662 : i32 to index
        %get3A_1663 = tpu.vector_load %arg6[%get3A] {strides = array<i32>} : memref<512xf32, #tpu.memory_space<vmem>>, vector<16xf32>,
        %get3A_1664 = vector.shape_cast %get3A_1663 : vector<16xf32> to vector<16xf32>
        %mul3A_1665 = arith.constant 16 : i32
        %mul3A_1666 = arith.muli %scan3A_1644, %mul3A_1665 : i32
        %get3A_1667 = arith.constant 0 : i32
        %get3A_1668 = arith.index_cast %rem3A_39 : i32 to index
        %get3A_1669 = arith.index_cast %get3A_1667 : i32 to index
        %get3A_1670 = arith.index_cast %mul3A_1666 : i32 to index
        %get3A_1671 = tpu.vector_load %arg5[%get3A_1668, %get3A_1669, %get3A_1670] {strides = array<i32>} : memref<2x40x512xf32, #tpu.memory_space<vmem>>, vector<1x1x16xf32>,
        %get3A_1672 = vector.shape_cast %get3A_1671 : vector<1x1x16xf32> to vector<16xf32>
        %max3A = arith.constant 0.000000e+00 : f32
        %max3A_1673 = vector.broadcast %max3A : f32 to vector<16xf32>
        %max3A_1674 = arith.maximumf %get3A_1672, %max3A_1673 : vector<16xf32>
        %mul3A_1675 = arith.mulf %max3A_1674, %get3A_1664 : vector<16xf32>
        %add3A_1676 = arith.addf %scan3A_1645, %mul3A_1675 : vector<16xf32>
        %mul3A_1677 = arith.constant 16 : i32
        %mul3A_1678 = arith.muli %scan3A_1644, %mul3A_1677 : i32
        %get3A_1679 = arith.constant 1 : i32
        %get3A_1680 = arith.index_cast %rem3A_39 : i32 to index
        %get3A_1681 = arith.index_cast %get3A_1679 : i32 to index
        %get3A_1682 = arith.index_cast %mul3A_1678 : i32 to index
        %get3A_1683 = tpu.vector_load %arg5[%get3A_1680, %get3A_1681, %get3A_1682] {strides = array<i32>} : memref<2x40x512xf32, #tpu.memory_space<vmem>>, vector<1x1x16xf32>,
        %get3A_1684 = vector.shape_cast %get3A_1683 : vector<1x1x16xf32> to vector<16xf32>
        %max3A_1685 = arith.constant 0.000000e+00 : f32
        %max3A_1686 = vector.broadcast %max3A_1685 : f32 to vector<16xf32>
        %max3A_1687 = arith.maximumf %get3A_1684, %max3A_1686 : vector<16xf32>
        %mul3A_1688 = arith.mulf %max3A_1687, %get3A_1664 : vector<16xf32>
        %add3A_1689 = arith.addf %scan3A_1646, %mul3A_1688 : vector<16xf32>
        %mul3A_1690 = arith.constant 16 : i32
        %mul3A_1691 = arith.muli %scan3A_1644, %mul3A_1690 : i32
        %get3A_1692 = arith.constant 2 : i32
        %get3A_1693 = arith.index_cast %rem3A_39 : i32 to index
        %get3A_1694 = arith.index_cast %get3A_1692 : i32 to index
        %get3A_1695 = arith.index_cast %mul3A_1691 : i32 to index
        %get3A_1696 = tpu.vector_load %arg5[%get3A_1693, %get3A_1694, %get3A_1695] {strides = array<i32>} : memref<2x40x512xf32, #tpu.memory_space<vmem>>, vector<1x1x16xf32>,
        %get3A_1697 = vector.shape_cast %get3A_1696 : vector<1x1x16xf32> to vector<16xf32>
        %max3A_1698 = arith.constant 0.000000e+00 : f32
        %max3A_1699 = vector.broadcast %max3A_1698 : f32 to vector<16xf32>
        %max3A_1700 = arith.maximumf %get3A_1697, %max3A_1699 : vector<16xf32>
        %mul3A_1701 = arith.mulf %max3A_1700, %get3A_1664 : vector<16xf32>
        %add3A_1702 = arith.addf %scan3A_1647, %mul3A_1701 : vector<16xf32>
        %mul3A_1703 = arith.constant 16 : i32
        %mul3A_1704 = arith.muli %scan3A_1644, %mul3A_1703 : i32
        %get3A_1705 = arith.constant 3 : i32
        %get3A_1706 = arith.index_cast %rem3A_39 : i32 to index
        %get3A_1707 = arith.index_cast %get3A_1705 : i32 to index
        %get3A_1708 = arith.index_cast %mul3A_1704 : i32 to index
        %get3A_1709 = tpu.vector_load %arg5[%get3A_1706, %get3A_1707, %get3A_1708] {strides = array<i32>} : memref<2x40x512xf32, #tpu.memory_space<vmem>>, vector<1x1x16xf32>,
        %get3A_1710 = vector.shape_cast %get3A_1709 : vector<1x1x16xf32> to vector<16xf32>
        %max3A_1711 = arith.constant 0.000000e+00 : f32
        %max3A_1712 = vector.broadcast %max3A_1711 : f32 to vector<16xf32>
        %max3A_1713 = arith.maximumf %get3A_1710, %max3A_1712 : vector<16xf32>
        %mul3A_1714 = arith.mulf %max3A_1713, %get3A_1664 : vector<16xf32>
        %add3A_1715 = arith.addf %scan3A_1648, %mul3A_1714 : vector<16xf32>
        %mul3A_1716 = arith.constant 16 : i32
        %mul3A_1717 = arith.muli %scan3A_1644, %mul3A_1716 : i32
        %get3A_1718 = arith.constant 4 : i32
        %get3A_1719 = arith.index_cast %rem3A_39 : i32 to index
        %get3A_1720 = arith.index_cast %get3A_1718 : i32 to index
        %get3A_1721 = arith.index_cast %mul3A_1717 : i32 to index
        %get3A_1722 = tpu.vector_load %arg5[%get3A_1719, %get3A_1720, %get3A_1721] {strides = array<i32>} : memref<2x40x512xf32, #tpu.memory_space<vmem>>, vector<1x1x16xf32>,
        %get3A_1723 = vector.shape_cast %get3A_1722 : vector<1x1x16xf32> to vector<16xf32>
        %max3A_1724 = arith.constant 0.000000e+00 : f32
        %max3A_1725 = vector.broadcast %max3A_1724 : f32 to vector<16xf32>
        %max3A_1726 = arith.maximumf %get3A_1723, %max3A_1725 : vector<16xf32>
        %mul3A_1727 = arith.mulf %max3A_1726, %get3A_1664 : vector<16xf32>
        %add3A_1728 = arith.addf %scan3A_1649, %mul3A_1727 : vector<16xf32>
        %mul3A_1729 = arith.constant 16 : i32
        %mul3A_1730 = arith.muli %scan3A_1644, %mul3A_1729 : i32
        %get3A_1731 = arith.constant 5 : i32
        %get3A_1732 = arith.index_cast %rem3A_39 : i32 to index
        %get3A_1733 = arith.index_cast %get3A_1731 : i32 to index
        %get3A_1734 = arith.index_cast %mul3A_1730 : i32 to index
        %get3A_1735 = tpu.vector_load %arg5[%get3A_1732, %get3A_1733, %get3A_1734] {strides = array<i32>} : memref<2x40x512xf32, #tpu.memory_space<vmem>>, vector<1x1x16xf32>,
        %get3A_1736 = vector.shape_cast %get3A_1735 : vector<1x1x16xf32> to vector<16xf32>
        %max3A_1737 = arith.constant 0.000000e+00 : f32
        %max3A_1738 = vector.broadcast %max3A_1737 : f32 to vector<16xf32>
        %max3A_1739 = arith.maximumf %get3A_1736, %max3A_1738 : vector<16xf32>
        %mul3A_1740 = arith.mulf %max3A_1739, %get3A_1664 : vector<16xf32>
        %add3A_1741 = arith.addf %scan3A_1650, %mul3A_1740 : vector<16xf32>
        %mul3A_1742 = arith.constant 16 : i32
        %mul3A_1743 = arith.muli %scan3A_1644, %mul3A_1742 : i32
        %get3A_1744 = arith.constant 6 : i32
        %get3A_1745 = arith.index_cast %rem3A_39 : i32 to index
        %get3A_1746 = arith.index_cast %get3A_1744 : i32 to index
        %get3A_1747 = arith.index_cast %mul3A_1743 : i32 to index
        %get3A_1748 = tpu.vector_load %arg5[%get3A_1745, %get3A_1746, %get3A_1747] {strides = array<i32>} : memref<2x40x512xf32, #tpu.memory_space<vmem>>, vector<1x1x16xf32>,
        %get3A_1749 = vector.shape_cast %get3A_1748 : vector<1x1x16xf32> to vector<16xf32>
        %max3A_1750 = arith.constant 0.000000e+00 : f32
        %max3A_1751 = vector.broadcast %max3A_1750 : f32 to vector<16xf32>
        %max3A_1752 = arith.maximumf %get3A_1749, %max3A_1751 : vector<16xf32>
        %mul3A_1753 = arith.mulf %max3A_1752, %get3A_1664 : vector<16xf32>
        %add3A_1754 = arith.addf %scan3A_1651, %mul3A_1753 : vector<16xf32>
        %mul3A_1755 = arith.constant 16 : i32
        %mul3A_1756 = arith.muli %scan3A_1644, %mul3A_1755 : i32
        %get3A_1757 = arith.constant 7 : i32
        %get3A_1758 = arith.index_cast %rem3A_39 : i32 to index
        %get3A_1759 = arith.index_cast %get3A_1757 : i32 to index
        %get3A_1760 = arith.index_cast %mul3A_1756 : i32 to index
        %get3A_1761 = tpu.vector_load %arg5[%get3A_1758, %get3A_1759, %get3A_1760] {strides = array<i32>} : memref<2x40x512xf32, #tpu.memory_space<vmem>>, vector<1x1x16xf32>,
        %get3A_1762 = vector.shape_cast %get3A_1761 : vector<1x1x16xf32> to vector<16xf32>
        %max3A_1763 = arith.constant 0.000000e+00 : f32
        %max3A_1764 = vector.broadcast %max3A_1763 : f32 to vector<16xf32>
        %max3A_1765 = arith.maximumf %get3A_1762, %max3A_1764 : vector<16xf32>
        %mul3A_1766 = arith.mulf %max3A_1765, %get3A_1664 : vector<16xf32>
        %add3A_1767 = arith.addf %scan3A_1652, %mul3A_1766 : vector<16xf32>
        %mul3A_1768 = arith.constant 16 : i32
        %mul3A_1769 = arith.muli %scan3A_1644, %mul3A_1768 : i32
        %get3A_1770 = arith.constant 8 : i32
        %get3A_1771 = arith.index_cast %rem3A_39 : i32 to index
        %get3A_1772 = arith.index_cast %get3A_1770 : i32 to index
        %get3A_1773 = arith.index_cast %mul3A_1769 : i32 to index
        %get3A_1774 = tpu.vector_load %arg5[%get3A_1771, %get3A_1772, %get3A_1773] {strides = array<i32>} : memref<2x40x512xf32, #tpu.memory_space<vmem>>, vector<1x1x16xf32>,
        %get3A_1775 = vector.shape_cast %get3A_1774 : vector<1x1x16xf32> to vector<16xf32>
        %max3A_1776 = arith.constant 0.000000e+00 : f32
        %max3A_1777 = vector.broadcast %max3A_1776 : f32 to vector<16xf32>
        %max3A_1778 = arith.maximumf %get3A_1775, %max3A_1777 : vector<16xf32>
        %mul3A_1779 = arith.mulf %max3A_1778, %get3A_1664 : vector<16xf32>
        %add3A_1780 = arith.addf %scan3A_1653, %mul3A_1779 : vector<16xf32>
        %mul3A_1781 = arith.constant 16 : i32
        %mul3A_1782 = arith.muli %scan3A_1644, %mul3A_1781 : i32
        %get3A_1783 = arith.constant 9 : i32
        %get3A_1784 = arith.index_cast %rem3A_39 : i32 to index
        %get3A_1785 = arith.index_cast %get3A_1783 : i32 to index
        %get3A_1786 = arith.index_cast %mul3A_1782 : i32 to index
        %get3A_1787 = tpu.vector_load %arg5[%get3A_1784, %get3A_1785, %get3A_1786] {strides = array<i32>} : memref<2x40x512xf32, #tpu.memory_space<vmem>>, vector<1x1x16xf32>,
        %get3A_1788 = vector.shape_cast %get3A_1787 : vector<1x1x16xf32> to vector<16xf32>
        %max3A_1789 = arith.constant 0.000000e+00 : f32
        %max3A_1790 = vector.broadcast %max3A_1789 : f32 to vector<16xf32>
        %max3A_1791 = arith.maximumf %get3A_1788, %max3A_1790 : vector<16xf32>
        %mul3A_1792 = arith.mulf %max3A_1791, %get3A_1664 : vector<16xf32>
        %add3A_1793 = arith.addf %scan3A_1654, %mul3A_1792 : vector<16xf32>
        %mul3A_1794 = arith.constant 16 : i32
        %mul3A_1795 = arith.muli %scan3A_1644, %mul3A_1794 : i32
        %get3A_1796 = arith.constant 10 : i32
        %get3A_1797 = arith.index_cast %rem3A_39 : i32 to index
        %get3A_1798 = arith.index_cast %get3A_1796 : i32 to index
        %get3A_1799 = arith.index_cast %mul3A_1795 : i32 to index
        %get3A_1800 = tpu.vector_load %arg5[%get3A_1797, %get3A_1798, %get3A_1799] {strides = array<i32>} : memref<2x40x512xf32, #tpu.memory_space<vmem>>, vector<1x1x16xf32>,
        %get3A_1801 = vector.shape_cast %get3A_1800 : vector<1x1x16xf32> to vector<16xf32>
        %max3A_1802 = arith.constant 0.000000e+00 : f32
        %max3A_1803 = vector.broadcast %max3A_1802 : f32 to vector<16xf32>
        %max3A_1804 = arith.maximumf %get3A_1801, %max3A_1803 : vector<16xf32>
        %mul3A_1805 = arith.mulf %max3A_1804, %get3A_1664 : vector<16xf32>
        %add3A_1806 = arith.addf %scan3A_1655, %mul3A_1805 : vector<16xf32>
        %mul3A_1807 = arith.constant 16 : i32
        %mul3A_1808 = arith.muli %scan3A_1644, %mul3A_1807 : i32
        %get3A_1809 = arith.constant 11 : i32
        %get3A_1810 = arith.index_cast %rem3A_39 : i32 to index
        %get3A_1811 = arith.index_cast %get3A_1809 : i32 to index
        %get3A_1812 = arith.index_cast %mul3A_1808 : i32 to index
        %get3A_1813 = tpu.vector_load %arg5[%get3A_1810, %get3A_1811, %get3A_1812] {strides = array<i32>} : memref<2x40x512xf32, #tpu.memory_space<vmem>>, vector<1x1x16xf32>,
        %get3A_1814 = vector.shape_cast %get3A_1813 : vector<1x1x16xf32> to vector<16xf32>
        %max3A_1815 = arith.constant 0.000000e+00 : f32
        %max3A_1816 = vector.broadcast %max3A_1815 : f32 to vector<16xf32>
        %max3A_1817 = arith.maximumf %get3A_1814, %max3A_1816 : vector<16xf32>
        %mul3A_1818 = arith.mulf %max3A_1817, %get3A_1664 : vector<16xf32>
        %add3A_1819 = arith.addf %scan3A_1656, %mul3A_1818 : vector<16xf32>
        %mul3A_1820 = arith.constant 16 : i32
        %mul3A_1821 = arith.muli %scan3A_1644, %mul3A_1820 : i32
        %get3A_1822 = arith.constant 12 : i32
        %get3A_1823 = arith.index_cast %rem3A_39 : i32 to index
        %get3A_1824 = arith.index_cast %get3A_1822 : i32 to index
        %get3A_1825 = arith.index_cast %mul3A_1821 : i32 to index
        %get3A_1826 = tpu.vector_load %arg5[%get3A_1823, %get3A_1824, %get3A_1825] {strides = array<i32>} : memref<2x40x512xf32, #tpu.memory_space<vmem>>, vector<1x1x16xf32>,
        %get3A_1827 = vector.shape_cast %get3A_1826 : vector<1x1x16xf32> to vector<16xf32>
        %max3A_1828 = arith.constant 0.000000e+00 : f32
        %max3A_1829 = vector.broadcast %max3A_1828 : f32 to vector<16xf32>
        %max3A_1830 = arith.maximumf %get3A_1827, %max3A_1829 : vector<16xf32>
        %mul3A_1831 = arith.mulf %max3A_1830, %get3A_1664 : vector<16xf32>
        %add3A_1832 = arith.addf %scan3A_1657, %mul3A_1831 : vector<16xf32>
        %mul3A_1833 = arith.constant 16 : i32
        %mul3A_1834 = arith.muli %scan3A_1644, %mul3A_1833 : i32
        %get3A_1835 = arith.constant 13 : i32
        %get3A_1836 = arith.index_cast %rem3A_39 : i32 to index
        %get3A_1837 = arith.index_cast %get3A_1835 : i32 to index
        %get3A_1838 = arith.index_cast %mul3A_1834 : i32 to index
        %get3A_1839 = tpu.vector_load %arg5[%get3A_1836, %get3A_1837, %get3A_1838] {strides = array<i32>} : memref<2x40x512xf32, #tpu.memory_space<vmem>>, vector<1x1x16xf32>,
        %get3A_1840 = vector.shape_cast %get3A_1839 : vector<1x1x16xf32> to vector<16xf32>
        %max3A_1841 = arith.constant 0.000000e+00 : f32
        %max3A_1842 = vector.broadcast %max3A_1841 : f32 to vector<16xf32>
        %max3A_1843 = arith.maximumf %get3A_1840, %max3A_1842 : vector<16xf32>
        %mul3A_1844 = arith.mulf %max3A_1843, %get3A_1664 : vector<16xf32>
        %add3A_1845 = arith.addf %scan3A_1658, %mul3A_1844 : vector<16xf32>
        %mul3A_1846 = arith.constant 16 : i32
        %mul3A_1847 = arith.muli %scan3A_1644, %mul3A_1846 : i32
        %get3A_1848 = arith.constant 14 : i32
        %get3A_1849 = arith.index_cast %rem3A_39 : i32 to index
        %get3A_1850 = arith.index_cast %get3A_1848 : i32 to index
        %get3A_1851 = arith.index_cast %mul3A_1847 : i32 to index
        %get3A_1852 = tpu.vector_load %arg5[%get3A_1849, %get3A_1850, %get3A_1851] {strides = array<i32>} : memref<2x40x512xf32, #tpu.memory_space<vmem>>, vector<1x1x16xf32>,
        %get3A_1853 = vector.shape_cast %get3A_1852 : vector<1x1x16xf32> to vector<16xf32>
        %max3A_1854 = arith.constant 0.000000e+00 : f32
        %max3A_1855 = vector.broadcast %max3A_1854 : f32 to vector<16xf32>
        %max3A_1856 = arith.maximumf %get3A_1853, %max3A_1855 : vector<16xf32>
        %mul3A_1857 = arith.mulf %max3A_1856, %get3A_1664 : vector<16xf32>
        %add3A_1858 = arith.addf %scan3A_1659, %mul3A_1857 : vector<16xf32>
        %mul3A_1859 = arith.constant 16 : i32
        %mul3A_1860 = arith.muli %scan3A_1644, %mul3A_1859 : i32
        %get3A_1861 = arith.constant 15 : i32
        %get3A_1862 = arith.index_cast %rem3A_39 : i32 to index
        %get3A_1863 = arith.index_cast %get3A_1861 : i32 to index
        %get3A_1864 = arith.index_cast %mul3A_1860 : i32 to index
        %get3A_1865 = tpu.vector_load %arg5[%get3A_1862, %get3A_1863, %get3A_1864] {strides = array<i32>} : memref<2x40x512xf32, #tpu.memory_space<vmem>>, vector<1x1x16xf32>,
        %get3A_1866 = vector.shape_cast %get3A_1865 : vector<1x1x16xf32> to vector<16xf32>
        %max3A_1867 = arith.constant 0.000000e+00 : f32
        %max3A_1868 = vector.broadcast %max3A_1867 : f32 to vector<16xf32>
        %max3A_1869 = arith.maximumf %get3A_1866, %max3A_1868 : vector<16xf32>
        %mul3A_1870 = arith.mulf %max3A_1869, %get3A_1664 : vector<16xf32>
        %add3A_1871 = arith.addf %scan3A_1660, %mul3A_1870 : vector<16xf32>
        scf.yield %add3A_1676, %add3A_1689, %add3A_1702, %add3A_1715, %add3A_1728, %add3A_1741, %add3A_1754, %add3A_1767, %add3A_1780, %add3A_1793, %add3A_1806, %add3A_1819, %add3A_1832, %add3A_1845, %add3A_1858, %add3A_1871 : vector<16xf32>, vector<16xf32>, vector<16xf32>, vector<16xf32>, vector<16xf32>, vector<16xf32>, vector<16xf32>, vector<16xf32>, vector<16xf32>, vector<16xf32>, vector<16xf32>, vector<16xf32>, vector<16xf32>, vector<16xf32>, vector<16xf32>, vector<16xf32>
      }
      %scan3A_67 = arith.constant 32 : i32
      %broadcast_in_dim3A_68 = arith.constant 0.000000e+00 : f32
      %broadcast_in_dim3A_69 = vector.broadcast %broadcast_in_dim3A_68 : f32 to vector<16xf32>
      %xor3A = arith.constant 8 : i32
      %xor3A_70 = vector.broadcast %xor3A : i32 to vector<16xi32>
      %xor3A_71 = arith.xori %iota3A, %xor3A_70 : vector<16xi32>
      %reshape3A = vector.shape_cast %xor3A_71 : vector<16xi32> to vector<16x1xi32>
      %gather3A = vector.shape_cast %reshape3A : vector<16x1xi32> to vector<16xi32>
      %gather3A_72 = tpu.dynamic_gather %scan3A_66#0[%gather3A] in [0] : vector<16xf32>, vector<16xi32> -> vector<16xf32>
      %add3A_73 = arith.addf %scan3A_66#0, %gather3A_72 : vector<16xf32>
      %xor3A_74 = arith.constant 4 : i32
      %xor3A_75 = vector.broadcast %xor3A_74 : i32 to vector<16xi32>
      %xor3A_76 = arith.xori %iota3A, %xor3A_75 : vector<16xi32>
      %reshape3A_77 = vector.shape_cast %xor3A_76 : vector<16xi32> to vector<16x1xi32>
      %gather3A_78 = vector.shape_cast %reshape3A_77 : vector<16x1xi32> to vector<16xi32>
      %gather3A_79 = tpu.dynamic_gather %add3A_73[%gather3A_78] in [0] : vector<16xf32>, vector<16xi32> -> vector<16xf32>
      %add3A_80 = arith.addf %add3A_73, %gather3A_79 : vector<16xf32>
      %xor3A_81 = arith.constant 2 : i32
      %xor3A_82 = vector.broadcast %xor3A_81 : i32 to vector<16xi32>
      %xor3A_83 = arith.xori %iota3A, %xor3A_82 : vector<16xi32>
      %reshape3A_84 = vector.shape_cast %xor3A_83 : vector<16xi32> to vector<16x1xi32>
      %gather3A_85 = vector.shape_cast %reshape3A_84 : vector<16x1xi32> to vector<16xi32>
      %gather3A_86 = tpu.dynamic_gather %add3A_80[%gather3A_85] in [0] : vector<16xf32>, vector<16xi32> -> vector<16xf32>
      %add3A_87 = arith.addf %add3A_80, %gather3A_86 : vector<16xf32>
      %xor3A_88 = arith.constant 1 : i32
      %xor3A_89 = vector.broadcast %xor3A_88 : i32 to vector<16xi32>
      %xor3A_90 = arith.xori %iota3A, %xor3A_89 : vector<16xi32>
      %reshape3A_91 = vector.shape_cast %xor3A_90 : vector<16xi32> to vector<16x1xi32>
      %gather3A_92 = vector.shape_cast %reshape3A_91 : vector<16x1xi32> to vector<16xi32>
      %gather3A_93 = tpu.dynamic_gather %add3A_87[%gather3A_92] in [0] : vector<16xf32>, vector<16xi32> -> vector<16xf32>
      %add3A_94 = arith.addf %add3A_87, %gather3A_93 : vector<16xf32>
      %eq3A = arith.constant 0 : i32
      %eq3A_95 = vector.broadcast %eq3A : i32 to vector<16xi32>
      %eq3A_96 = arith.cmpi eq, %iota3A, %eq3A_95 : vector<16xi32>
      %select_n3A = arith.select %eq3A_96, %add3A_94, %broadcast_in_dim3A_69 : vector<16xi1>, vector<16xf32>
      %xor3A_97 = arith.constant 8 : i32
      %xor3A_98 = vector.broadcast %xor3A_97 : i32 to vector<16xi32>
      %xor3A_99 = arith.xori %iota3A, %xor3A_98 : vector<16xi32>
      %reshape3A_100 = vector.shape_cast %xor3A_99 : vector<16xi32> to vector<16x1xi32>
      %gather3A_101 = vector.shape_cast %reshape3A_100 : vector<16x1xi32> to vector<16xi32>
      %gather3A_102 = tpu.dynamic_gather %scan3A_66#1[%gather3A_101] in [0] : vector<16xf32>, vector<16xi32> -> vector<16xf32>
      %add3A_103 = arith.addf %scan3A_66#1, %gather3A_102 : vector<16xf32>
      %xor3A_104 = arith.constant 4 : i32
      %xor3A_105 = vector.broadcast %xor3A_104 : i32 to vector<16xi32>
      %xor3A_106 = arith.xori %iota3A, %xor3A_105 : vector<16xi32>
      %reshape3A_107 = vector.shape_cast %xor3A_106 : vector<16xi32> to vector<16x1xi32>
      %gather3A_108 = vector.shape_cast %reshape3A_107 : vector<16x1xi32> to vector<16xi32>
      %gather3A_109 = tpu.dynamic_gather %add3A_103[%gather3A_108] in [0] : vector<16xf32>, vector<16xi32> -> vector<16xf32>
      %add3A_110 = arith.addf %add3A_103, %gather3A_109 : vector<16xf32>
      %xor3A_111 = arith.constant 2 : i32
      %xor3A_112 = vector.broadcast %xor3A_111 : i32 to vector<16xi32>
      %xor3A_113 = arith.xori %iota3A, %xor3A_112 : vector<16xi32>
      %reshape3A_114 = vector.shape_cast %xor3A_113 : vector<16xi32> to vector<16x1xi32>
      %gather3A_115 = vector.shape_cast %reshape3A_114 : vector<16x1xi32> to vector<16xi32>
      %gather3A_116 = tpu.dynamic_gather %add3A_110[%gather3A_115] in [0] : vector<16xf32>, vector<16xi32> -> vector<16xf32>
      %add3A_117 = arith.addf %add3A_110, %gather3A_116 : vector<16xf32>
      %xor3A_118 = arith.constant 1 : i32
      %xor3A_119 = vector.broadcast %xor3A_118 : i32 to vector<16xi32>
      %xor3A_120 = arith.xori %iota3A, %xor3A_119 : vector<16xi32>
      %reshape3A_121 = vector.shape_cast %xor3A_120 : vector<16xi32> to vector<16x1xi32>
      %gather3A_122 = vector.shape_cast %reshape3A_121 : vector<16x1xi32> to vector<16xi32>
      %gather3A_123 = tpu.dynamic_gather %add3A_117[%gather3A_122] in [0] : vector<16xf32>, vector<16xi32> -> vector<16xf32>
      %add3A_124 = arith.addf %add3A_117, %gather3A_123 : vector<16xf32>
      %eq3A_125 = arith.constant 1 : i32
      %eq3A_126 = vector.broadcast %eq3A_125 : i32 to vector<16xi32>
      %eq3A_127 = arith.cmpi eq, %iota3A, %eq3A_126 : vector<16xi32>
      %select_n3A_128 = arith.select %eq3A_127, %add3A_124, %select_n3A : vector<16xi1>, vector<16xf32>
      %xor3A_129 = arith.constant 8 : i32
      %xor3A_130 = vector.broadcast %xor3A_129 : i32 to vector<16xi32>
      %xor3A_131 = arith.xori %iota3A, %xor3A_130 : vector<16xi32>
      %reshape3A_132 = vector.shape_cast %xor3A_131 : vector<16xi32> to vector<16x1xi32>
      %gather3A_133 = vector.shape_cast %reshape3A_132 : vector<16x1xi32> to vector<16xi32>
      %gather3A_134 = tpu.dynamic_gather %scan3A_66#2[%gather3A_133] in [0] : vector<16xf32>, vector<16xi32> -> vector<16xf32>
      %add3A_135 = arith.addf %scan3A_66#2, %gather3A_134 : vector<16xf32>
      %xor3A_136 = arith.constant 4 : i32
      %xor3A_137 = vector.broadcast %xor3A_136 : i32 to vector<16xi32>
      %xor3A_138 = arith.xori %iota3A, %xor3A_137 : vector<16xi32>
      %reshape3A_139 = vector.shape_cast %xor3A_138 : vector<16xi32> to vector<16x1xi32>
      %gather3A_140 = vector.shape_cast %reshape3A_139 : vector<16x1xi32> to vector<16xi32>
      %gather3A_141 = tpu.dynamic_gather %add3A_135[%gather3A_140] in [0] : vector<16xf32>, vector<16xi32> -> vector<16xf32>
      %add3A_142 = arith.addf %add3A_135, %gather3A_141 : vector<16xf32>
      %xor3A_143 = arith.constant 2 : i32
      %xor3A_144 = vector.broadcast %xor3A_143 : i32 to vector<16xi32>
      %xor3A_145 = arith.xori %iota3A, %xor3A_144 : vector<16xi32>
      %reshape3A_146 = vector.shape_cast %xor3A_145 : vector<16xi32> to vector<16x1xi32>
      %gather3A_147 = vector.shape_cast %reshape3A_146 : vector<16x1xi32> to vector<16xi32>
      %gather3A_148 = tpu.dynamic_gather %add3A_142[%gather3A_147] in [0] : vector<16xf32>, vector<16xi32> -> vector<16xf32>
      %add3A_149 = arith.addf %add3A_142, %gather3A_148 : vector<16xf32>
      %xor3A_150 = arith.constant 1 : i32
      %xor3A_151 = vector.broadcast %xor3A_150 : i32 to vector<16xi32>
      %xor3A_152 = arith.xori %iota3A, %xor3A_151 : vector<16xi32>
      %reshape3A_153 = vector.shape_cast %xor3A_152 : vector<16xi32> to vector<16x1xi32>
      %gather3A_154 = vector.shape_cast %reshape3A_153 : vector<16x1xi32> to vector<16xi32>
      %gather3A_155 = tpu.dynamic_gather %add3A_149[%gather3A_154] in [0] : vector<16xf32>, vector<16xi32> -> vector<16xf32>
      %add3A_156 = arith.addf %add3A_149, %gather3A_155 : vector<16xf32>
      %eq3A_157 = arith.constant 2 : i32
      %eq3A_158 = vector.broadcast %eq3A_157 : i32 to vector<16xi32>
      %eq3A_159 = arith.cmpi eq, %iota3A, %eq3A_158 : vector<16xi32>
      %select_n3A_160 = arith.select %eq3A_159, %add3A_156, %select_n3A_128 : vector<16xi1>, vector<16xf32>
      %xor3A_161 = arith.constant 8 : i32
      %xor3A_162 = vector.broadcast %xor3A_161 : i32 to vector<16xi32>
      %xor3A_163 = arith.xori %iota3A, %xor3A_162 : vector<16xi32>
      %reshape3A_164 = vector.shape_cast %xor3A_163 : vector<16xi32> to vector<16x1xi32>
      %gather3A_165 = vector.shape_cast %reshape3A_164 : vector<16x1xi32> to vector<16xi32>
      %gather3A_166 = tpu.dynamic_gather %scan3A_66#3[%gather3A_165] in [0] : vector<16xf32>, vector<16xi32> -> vector<16xf32>
      %add3A_167 = arith.addf %scan3A_66#3, %gather3A_166 : vector<16xf32>
      %xor3A_168 = arith.constant 4 : i32
      %xor3A_169 = vector.broadcast %xor3A_168 : i32 to vector<16xi32>
      %xor3A_170 = arith.xori %iota3A, %xor3A_169 : vector<16xi32>
      %reshape3A_171 = vector.shape_cast %xor3A_170 : vector<16xi32> to vector<16x1xi32>
      %gather3A_172 = vector.shape_cast %reshape3A_171 : vector<16x1xi32> to vector<16xi32>
      %gather3A_173 = tpu.dynamic_gather %add3A_167[%gather3A_172] in [0] : vector<16xf32>, vector<16xi32> -> vector<16xf32>
      %add3A_174 = arith.addf %add3A_167, %gather3A_173 : vector<16xf32>
      %xor3A_175 = arith.constant 2 : i32
      %xor3A_176 = vector.broadcast %xor3A_175 : i32 to vector<16xi32>
      %xor3A_177 = arith.xori %iota3A, %xor3A_176 : vector<16xi32>
      %reshape3A_178 = vector.shape_cast %xor3A_177 : vector<16xi32> to vector<16x1xi32>
      %gather3A_179 = vector.shape_cast %reshape3A_178 : vector<16x1xi32> to vector<16xi32>
      %gather3A_180 = tpu.dynamic_gather %add3A_174[%gather3A_179] in [0] : vector<16xf32>, vector<16xi32> -> vector<16xf32>
      %add3A_181 = arith.addf %add3A_174, %gather3A_180 : vector<16xf32>
      %xor3A_182 = arith.constant 1 : i32
      %xor3A_183 = vector.broadcast %xor3A_182 : i32 to vector<16xi32>
      %xor3A_184 = arith.xori %iota3A, %xor3A_183 : vector<16xi32>
      %reshape3A_185 = vector.shape_cast %xor3A_184 : vector<16xi32> to vector<16x1xi32>
      %gather3A_186 = vector.shape_cast %reshape3A_185 : vector<16x1xi32> to vector<16xi32>
      %gather3A_187 = tpu.dynamic_gather %add3A_181[%gather3A_186] in [0] : vector<16xf32>, vector<16xi32> -> vector<16xf32>
      %add3A_188 = arith.addf %add3A_181, %gather3A_187 : vector<16xf32>
      %eq3A_189 = arith.constant 3 : i32
      %eq3A_190 = vector.broadcast %eq3A_189 : i32 to vector<16xi32>
      %eq3A_191 = arith.cmpi eq, %iota3A, %eq3A_190 : vector<16xi32>
      %select_n3A_192 = arith.select %eq3A_191, %add3A_188, %select_n3A_160 : vector<16xi1>, vector<16xf32>
      %xor3A_193 = arith.constant 8 : i32
      %xor3A_194 = vector.broadcast %xor3A_193 : i32 to vector<16xi32>
      %xor3A_195 = arith.xori %iota3A, %xor3A_194 : vector<16xi32>
      %reshape3A_196 = vector.shape_cast %xor3A_195 : vector<16xi32> to vector<16x1xi32>
      %gather3A_197 = vector.shape_cast %reshape3A_196 : vector<16x1xi32> to vector<16xi32>
      %gather3A_198 = tpu.dynamic_gather %scan3A_66#4[%gather3A_197] in [0] : vector<16xf32>, vector<16xi32> -> vector<16xf32>
      %add3A_199 = arith.addf %scan3A_66#4, %gather3A_198 : vector<16xf32>
      %xor3A_200 = arith.constant 4 : i32
      %xor3A_201 = vector.broadcast %xor3A_200 : i32 to vector<16xi32>
      %xor3A_202 = arith.xori %iota3A, %xor3A_201 : vector<16xi32>
      %reshape3A_203 = vector.shape_cast %xor3A_202 : vector<16xi32> to vector<16x1xi32>
      %gather3A_204 = vector.shape_cast %reshape3A_203 : vector<16x1xi32> to vector<16xi32>
      %gather3A_205 = tpu.dynamic_gather %add3A_199[%gather3A_204] in [0] : vector<16xf32>, vector<16xi32> -> vector<16xf32>
      %add3A_206 = arith.addf %add3A_199, %gather3A_205 : vector<16xf32>
      %xor3A_207 = arith.constant 2 : i32
      %xor3A_208 = vector.broadcast %xor3A_207 : i32 to vector<16xi32>
      %xor3A_209 = arith.xori %iota3A, %xor3A_208 : vector<16xi32>
      %reshape3A_210 = vector.shape_cast %xor3A_209 : vector<16xi32> to vector<16x1xi32>
      %gather3A_211 = vector.shape_cast %reshape3A_210 : vector<16x1xi32> to vector<16xi32>
      %gather3A_212 = tpu.dynamic_gather %add3A_206[%gather3A_211] in [0] : vector<16xf32>, vector<16xi32> -> vector<16xf32>
      %add3A_213 = arith.addf %add3A_206, %gather3A_212 : vector<16xf32>
      %xor3A_214 = arith.constant 1 : i32
      %xor3A_215 = vector.broadcast %xor3A_214 : i32 to vector<16xi32>
      %xor3A_216 = arith.xori %iota3A, %xor3A_215 : vector<16xi32>
      %reshape3A_217 = vector.shape_cast %xor3A_216 : vector<16xi32> to vector<16x1xi32>
      %gather3A_218 = vector.shape_cast %reshape3A_217 : vector<16x1xi32> to vector<16xi32>
      %gather3A_219 = tpu.dynamic_gather %add3A_213[%gather3A_218] in [0] : vector<16xf32>, vector<16xi32> -> vector<16xf32>
      %add3A_220 = arith.addf %add3A_213, %gather3A_219 : vector<16xf32>
      %eq3A_221 = arith.constant 4 : i32
      %eq3A_222 = vector.broadcast %eq3A_221 : i32 to vector<16xi32>
      %eq3A_223 = arith.cmpi eq, %iota3A, %eq3A_222 : vector<16xi32>
      %select_n3A_224 = arith.select %eq3A_223, %add3A_220, %select_n3A_192 : vector<16xi1>, vector<16xf32>
      %xor3A_225 = arith.constant 8 : i32
      %xor3A_226 = vector.broadcast %xor3A_225 : i32 to vector<16xi32>
      %xor3A_227 = arith.xori %iota3A, %xor3A_226 : vector<16xi32>
      %reshape3A_228 = vector.shape_cast %xor3A_227 : vector<16xi32> to vector<16x1xi32>
      %gather3A_229 = vector.shape_cast %reshape3A_228 : vector<16x1xi32> to vector<16xi32>
      %gather3A_230 = tpu.dynamic_gather %scan3A_66#5[%gather3A_229] in [0] : vector<16xf32>, vector<16xi32> -> vector<16xf32>
      %add3A_231 = arith.addf %scan3A_66#5, %gather3A_230 : vector<16xf32>
      %xor3A_232 = arith.constant 4 : i32
      %xor3A_233 = vector.broadcast %xor3A_232 : i32 to vector<16xi32>
      %xor3A_234 = arith.xori %iota3A, %xor3A_233 : vector<16xi32>
      %reshape3A_235 = vector.shape_cast %xor3A_234 : vector<16xi32> to vector<16x1xi32>
      %gather3A_236 = vector.shape_cast %reshape3A_235 : vector<16x1xi32> to vector<16xi32>
      %gather3A_237 = tpu.dynamic_gather %add3A_231[%gather3A_236] in [0] : vector<16xf32>, vector<16xi32> -> vector<16xf32>
      %add3A_238 = arith.addf %add3A_231, %gather3A_237 : vector<16xf32>
      %xor3A_239 = arith.constant 2 : i32
      %xor3A_240 = vector.broadcast %xor3A_239 : i32 to vector<16xi32>
      %xor3A_241 = arith.xori %iota3A, %xor3A_240 : vector<16xi32>
      %reshape3A_242 = vector.shape_cast %xor3A_241 : vector<16xi32> to vector<16x1xi32>
      %gather3A_243 = vector.shape_cast %reshape3A_242 : vector<16x1xi32> to vector<16xi32>
      %gather3A_244 = tpu.dynamic_gather %add3A_238[%gather3A_243] in [0] : vector<16xf32>, vector<16xi32> -> vector<16xf32>
      %add3A_245 = arith.addf %add3A_238, %gather3A_244 : vector<16xf32>
      %xor3A_246 = arith.constant 1 : i32
      %xor3A_247 = vector.broadcast %xor3A_246 : i32 to vector<16xi32>
      %xor3A_248 = arith.xori %iota3A, %xor3A_247 : vector<16xi32>
      %reshape3A_249 = vector.shape_cast %xor3A_248 : vector<16xi32> to vector<16x1xi32>
      %gather3A_250 = vector.shape_cast %reshape3A_249 : vector<16x1xi32> to vector<16xi32>
      %gather3A_251 = tpu.dynamic_gather %add3A_245[%gather3A_250] in [0] : vector<16xf32>, vector<16xi32> -> vector<16xf32>
      %add3A_252 = arith.addf %add3A_245, %gather3A_251 : vector<16xf32>
      %eq3A_253 = arith.constant 5 : i32
      %eq3A_254 = vector.broadcast %eq3A_253 : i32 to vector<16xi32>
      %eq3A_255 = arith.cmpi eq, %iota3A, %eq3A_254 : vector<16xi32>
      %select_n3A_256 = arith.select %eq3A_255, %add3A_252, %select_n3A_224 : vector<16xi1>, vector<16xf32>
      %xor3A_257 = arith.constant 8 : i32
      %xor3A_258 = vector.broadcast %xor3A_257 : i32 to vector<16xi32>
      %xor3A_259 = arith.xori %iota3A, %xor3A_258 : vector<16xi32>
      %reshape3A_260 = vector.shape_cast %xor3A_259 : vector<16xi32> to vector<16x1xi32>
      %gather3A_261 = vector.shape_cast %reshape3A_260 : vector<16x1xi32> to vector<16xi32>
      %gather3A_262 = tpu.dynamic_gather %scan3A_66#6[%gather3A_261] in [0] : vector<16xf32>, vector<16xi32> -> vector<16xf32>
      %add3A_263 = arith.addf %scan3A_66#6, %gather3A_262 : vector<16xf32>
      %xor3A_264 = arith.constant 4 : i32
      %xor3A_265 = vector.broadcast %xor3A_264 : i32 to vector<16xi32>
      %xor3A_266 = arith.xori %iota3A, %xor3A_265 : vector<16xi32>
      %reshape3A_267 = vector.shape_cast %xor3A_266 : vector<16xi32> to vector<16x1xi32>
      %gather3A_268 = vector.shape_cast %reshape3A_267 : vector<16x1xi32> to vector<16xi32>
      %gather3A_269 = tpu.dynamic_gather %add3A_263[%gather3A_268] in [0] : vector<16xf32>, vector<16xi32> -> vector<16xf32>
      %add3A_270 = arith.addf %add3A_263, %gather3A_269 : vector<16xf32>
      %xor3A_271 = arith.constant 2 : i32
      %xor3A_272 = vector.broadcast %xor3A_271 : i32 to vector<16xi32>
      %xor3A_273 = arith.xori %iota3A, %xor3A_272 : vector<16xi32>
      %reshape3A_274 = vector.shape_cast %xor3A_273 : vector<16xi32> to vector<16x1xi32>
      %gather3A_275 = vector.shape_cast %reshape3A_274 : vector<16x1xi32> to vector<16xi32>
      %gather3A_276 = tpu.dynamic_gather %add3A_270[%gather3A_275] in [0] : vector<16xf32>, vector<16xi32> -> vector<16xf32>
      %add3A_277 = arith.addf %add3A_270, %gather3A_276 : vector<16xf32>
      %xor3A_278 = arith.constant 1 : i32
      %xor3A_279 = vector.broadcast %xor3A_278 : i32 to vector<16xi32>
      %xor3A_280 = arith.xori %iota3A, %xor3A_279 : vector<16xi32>
      %reshape3A_281 = vector.shape_cast %xor3A_280 : vector<16xi32> to vector<16x1xi32>
      %gather3A_282 = vector.shape_cast %reshape3A_281 : vector<16x1xi32> to vector<16xi32>
      %gather3A_283 = tpu.dynamic_gather %add3A_277[%gather3A_282] in [0] : vector<16xf32>, vector<16xi32> -> vector<16xf32>
      %add3A_284 = arith.addf %add3A_277, %gather3A_283 : vector<16xf32>
      %eq3A_285 = arith.constant 6 : i32
      %eq3A_286 = vector.broadcast %eq3A_285 : i32 to vector<16xi32>
      %eq3A_287 = arith.cmpi eq, %iota3A, %eq3A_286 : vector<16xi32>
      %select_n3A_288 = arith.select %eq3A_287, %add3A_284, %select_n3A_256 : vector<16xi1>, vector<16xf32>
      %xor3A_289 = arith.constant 8 : i32
      %xor3A_290 = vector.broadcast %xor3A_289 : i32 to vector<16xi32>
      %xor3A_291 = arith.xori %iota3A, %xor3A_290 : vector<16xi32>
      %reshape3A_292 = vector.shape_cast %xor3A_291 : vector<16xi32> to vector<16x1xi32>
      %gather3A_293 = vector.shape_cast %reshape3A_292 : vector<16x1xi32> to vector<16xi32>
      %gather3A_294 = tpu.dynamic_gather %scan3A_66#7[%gather3A_293] in [0] : vector<16xf32>, vector<16xi32> -> vector<16xf32>
      %add3A_295 = arith.addf %scan3A_66#7, %gather3A_294 : vector<16xf32>
      %xor3A_296 = arith.constant 4 : i32
      %xor3A_297 = vector.broadcast %xor3A_296 : i32 to vector<16xi32>
      %xor3A_298 = arith.xori %iota3A, %xor3A_297 : vector<16xi32>
      %reshape3A_299 = vector.shape_cast %xor3A_298 : vector<16xi32> to vector<16x1xi32>
      %gather3A_300 = vector.shape_cast %reshape3A_299 : vector<16x1xi32> to vector<16xi32>
      %gather3A_301 = tpu.dynamic_gather %add3A_295[%gather3A_300] in [0] : vector<16xf32>, vector<16xi32> -> vector<16xf32>
      %add3A_302 = arith.addf %add3A_295, %gather3A_301 : vector<16xf32>
      %xor3A_303 = arith.constant 2 : i32
      %xor3A_304 = vector.broadcast %xor3A_303 : i32 to vector<16xi32>
      %xor3A_305 = arith.xori %iota3A, %xor3A_304 : vector<16xi32>
      %reshape3A_306 = vector.shape_cast %xor3A_305 : vector<16xi32> to vector<16x1xi32>
      %gather3A_307 = vector.shape_cast %reshape3A_306 : vector<16x1xi32> to vector<16xi32>
      %gather3A_308 = tpu.dynamic_gather %add3A_302[%gather3A_307] in [0] : vector<16xf32>, vector<16xi32> -> vector<16xf32>
      %add3A_309 = arith.addf %add3A_302, %gather3A_308 : vector<16xf32>
      %xor3A_310 = arith.constant 1 : i32
      %xor3A_311 = vector.broadcast %xor3A_310 : i32 to vector<16xi32>
      %xor3A_312 = arith.xori %iota3A, %xor3A_311 : vector<16xi32>
      %reshape3A_313 = vector.shape_cast %xor3A_312 : vector<16xi32> to vector<16x1xi32>
      %gather3A_314 = vector.shape_cast %reshape3A_313 : vector<16x1xi32> to vector<16xi32>
      %gather3A_315 = tpu.dynamic_gather %add3A_309[%gather3A_314] in [0] : vector<16xf32>, vector<16xi32> -> vector<16xf32>
      %add3A_316 = arith.addf %add3A_309, %gather3A_315 : vector<16xf32>
      %eq3A_317 = arith.constant 7 : i32
      %eq3A_318 = vector.broadcast %eq3A_317 : i32 to vector<16xi32>
      %eq3A_319 = arith.cmpi eq, %iota3A, %eq3A_318 : vector<16xi32>
      %select_n3A_320 = arith.select %eq3A_319, %add3A_316, %select_n3A_288 : vector<16xi1>, vector<16xf32>
      %xor3A_321 = arith.constant 8 : i32
      %xor3A_322 = vector.broadcast %xor3A_321 : i32 to vector<16xi32>
      %xor3A_323 = arith.xori %iota3A, %xor3A_322 : vector<16xi32>
      %reshape3A_324 = vector.shape_cast %xor3A_323 : vector<16xi32> to vector<16x1xi32>
      %gather3A_325 = vector.shape_cast %reshape3A_324 : vector<16x1xi32> to vector<16xi32>
      %gather3A_326 = tpu.dynamic_gather %scan3A_66#8[%gather3A_325] in [0] : vector<16xf32>, vector<16xi32> -> vector<16xf32>
      %add3A_327 = arith.addf %scan3A_66#8, %gather3A_326 : vector<16xf32>
      %xor3A_328 = arith.constant 4 : i32
      %xor3A_329 = vector.broadcast %xor3A_328 : i32 to vector<16xi32>
      %xor3A_330 = arith.xori %iota3A, %xor3A_329 : vector<16xi32>
      %reshape3A_331 = vector.shape_cast %xor3A_330 : vector<16xi32> to vector<16x1xi32>
      %gather3A_332 = vector.shape_cast %reshape3A_331 : vector<16x1xi32> to vector<16xi32>
      %gather3A_333 = tpu.dynamic_gather %add3A_327[%gather3A_332] in [0] : vector<16xf32>, vector<16xi32> -> vector<16xf32>
      %add3A_334 = arith.addf %add3A_327, %gather3A_333 : vector<16xf32>
      %xor3A_335 = arith.constant 2 : i32
      %xor3A_336 = vector.broadcast %xor3A_335 : i32 to vector<16xi32>
      %xor3A_337 = arith.xori %iota3A, %xor3A_336 : vector<16xi32>
      %reshape3A_338 = vector.shape_cast %xor3A_337 : vector<16xi32> to vector<16x1xi32>
      %gather3A_339 = vector.shape_cast %reshape3A_338 : vector<16x1xi32> to vector<16xi32>
      %gather3A_340 = tpu.dynamic_gather %add3A_334[%gather3A_339] in [0] : vector<16xf32>, vector<16xi32> -> vector<16xf32>
      %add3A_341 = arith.addf %add3A_334, %gather3A_340 : vector<16xf32>
      %xor3A_342 = arith.constant 1 : i32
      %xor3A_343 = vector.broadcast %xor3A_342 : i32 to vector<16xi32>
      %xor3A_344 = arith.xori %iota3A, %xor3A_343 : vector<16xi32>
      %reshape3A_345 = vector.shape_cast %xor3A_344 : vector<16xi32> to vector<16x1xi32>
      %gather3A_346 = vector.shape_cast %reshape3A_345 : vector<16x1xi32> to vector<16xi32>
      %gather3A_347 = tpu.dynamic_gather %add3A_341[%gather3A_346] in [0] : vector<16xf32>, vector<16xi32> -> vector<16xf32>
      %add3A_348 = arith.addf %add3A_341, %gather3A_347 : vector<16xf32>
      %eq3A_349 = arith.constant 8 : i32
      %eq3A_350 = vector.broadcast %eq3A_349 : i32 to vector<16xi32>
      %eq3A_351 = arith.cmpi eq, %iota3A, %eq3A_350 : vector<16xi32>
      %select_n3A_352 = arith.select %eq3A_351, %add3A_348, %select_n3A_320 : vector<16xi1>, vector<16xf32>
      %xor3A_353 = arith.constant 8 : i32
      %xor3A_354 = vector.broadcast %xor3A_353 : i32 to vector<16xi32>
      %xor3A_355 = arith.xori %iota3A, %xor3A_354 : vector<16xi32>
      %reshape3A_356 = vector.shape_cast %xor3A_355 : vector<16xi32> to vector<16x1xi32>
      %gather3A_357 = vector.shape_cast %reshape3A_356 : vector<16x1xi32> to vector<16xi32>
      %gather3A_358 = tpu.dynamic_gather %scan3A_66#9[%gather3A_357] in [0] : vector<16xf32>, vector<16xi32> -> vector<16xf32>
      %add3A_359 = arith.addf %scan3A_66#9, %gather3A_358 : vector<16xf32>
      %xor3A_360 = arith.constant 4 : i32
      %xor3A_361 = vector.broadcast %xor3A_360 : i32 to vector<16xi32>
      %xor3A_362 = arith.xori %iota3A, %xor3A_361 : vector<16xi32>
      %reshape3A_363 = vector.shape_cast %xor3A_362 : vector<16xi32> to vector<16x1xi32>
      %gather3A_364 = vector.shape_cast %reshape3A_363 : vector<16x1xi32> to vector<16xi32>
      %gather3A_365 = tpu.dynamic_gather %add3A_359[%gather3A_364] in [0] : vector<16xf32>, vector<16xi32> -> vector<16xf32>
      %add3A_366 = arith.addf %add3A_359, %gather3A_365 : vector<16xf32>
      %xor3A_367 = arith.constant 2 : i32
      %xor3A_368 = vector.broadcast %xor3A_367 : i32 to vector<16xi32>
      %xor3A_369 = arith.xori %iota3A, %xor3A_368 : vector<16xi32>
      %reshape3A_370 = vector.shape_cast %xor3A_369 : vector<16xi32> to vector<16x1xi32>
      %gather3A_371 = vector.shape_cast %reshape3A_370 : vector<16x1xi32> to vector<16xi32>
      %gather3A_372 = tpu.dynamic_gather %add3A_366[%gather3A_371] in [0] : vector<16xf32>, vector<16xi32> -> vector<16xf32>
      %add3A_373 = arith.addf %add3A_366, %gather3A_372 : vector<16xf32>
      %xor3A_374 = arith.constant 1 : i32
      %xor3A_375 = vector.broadcast %xor3A_374 : i32 to vector<16xi32>
      %xor3A_376 = arith.xori %iota3A, %xor3A_375 : vector<16xi32>
      %reshape3A_377 = vector.shape_cast %xor3A_376 : vector<16xi32> to vector<16x1xi32>
      %gather3A_378 = vector.shape_cast %reshape3A_377 : vector<16x1xi32> to vector<16xi32>
      %gather3A_379 = tpu.dynamic_gather %add3A_373[%gather3A_378] in [0] : vector<16xf32>, vector<16xi32> -> vector<16xf32>
      %add3A_380 = arith.addf %add3A_373, %gather3A_379 : vector<16xf32>
      %eq3A_381 = arith.constant 9 : i32
      %eq3A_382 = vector.broadcast %eq3A_381 : i32 to vector<16xi32>
      %eq3A_383 = arith.cmpi eq, %iota3A, %eq3A_382 : vector<16xi32>
      %select_n3A_384 = arith.select %eq3A_383, %add3A_380, %select_n3A_352 : vector<16xi1>, vector<16xf32>
      %xor3A_385 = arith.constant 8 : i32
      %xor3A_386 = vector.broadcast %xor3A_385 : i32 to vector<16xi32>
      %xor3A_387 = arith.xori %iota3A, %xor3A_386 : vector<16xi32>
      %reshape3A_388 = vector.shape_cast %xor3A_387 : vector<16xi32> to vector<16x1xi32>
      %gather3A_389 = vector.shape_cast %reshape3A_388 : vector<16x1xi32> to vector<16xi32>
      %gather3A_390 = tpu.dynamic_gather %scan3A_66#10[%gather3A_389] in [0] : vector<16xf32>, vector<16xi32> -> vector<16xf32>
      %add3A_391 = arith.addf %scan3A_66#10, %gather3A_390 : vector<16xf32>
      %xor3A_392 = arith.constant 4 : i32
      %xor3A_393 = vector.broadcast %xor3A_392 : i32 to vector<16xi32>
      %xor3A_394 = arith.xori %iota3A, %xor3A_393 : vector<16xi32>
      %reshape3A_395 = vector.shape_cast %xor3A_394 : vector<16xi32> to vector<16x1xi32>
      %gather3A_396 = vector.shape_cast %reshape3A_395 : vector<16x1xi32> to vector<16xi32>
      %gather3A_397 = tpu.dynamic_gather %add3A_391[%gather3A_396] in [0] : vector<16xf32>, vector<16xi32> -> vector<16xf32>
      %add3A_398 = arith.addf %add3A_391, %gather3A_397 : vector<16xf32>
      %xor3A_399 = arith.constant 2 : i32
      %xor3A_400 = vector.broadcast %xor3A_399 : i32 to vector<16xi32>
      %xor3A_401 = arith.xori %iota3A, %xor3A_400 : vector<16xi32>
      %reshape3A_402 = vector.shape_cast %xor3A_401 : vector<16xi32> to vector<16x1xi32>
      %gather3A_403 = vector.shape_cast %reshape3A_402 : vector<16x1xi32> to vector<16xi32>
      %gather3A_404 = tpu.dynamic_gather %add3A_398[%gather3A_403] in [0] : vector<16xf32>, vector<16xi32> -> vector<16xf32>
      %add3A_405 = arith.addf %add3A_398, %gather3A_404 : vector<16xf32>
      %xor3A_406 = arith.constant 1 : i32
      %xor3A_407 = vector.broadcast %xor3A_406 : i32 to vector<16xi32>
      %xor3A_408 = arith.xori %iota3A, %xor3A_407 : vector<16xi32>
      %reshape3A_409 = vector.shape_cast %xor3A_408 : vector<16xi32> to vector<16x1xi32>
      %gather3A_410 = vector.shape_cast %reshape3A_409 : vector<16x1xi32> to vector<16xi32>
      %gather3A_411 = tpu.dynamic_gather %add3A_405[%gather3A_410] in [0] : vector<16xf32>, vector<16xi32> -> vector<16xf32>
      %add3A_412 = arith.addf %add3A_405, %gather3A_411 : vector<16xf32>
      %eq3A_413 = arith.constant 10 : i32
      %eq3A_414 = vector.broadcast %eq3A_413 : i32 to vector<16xi32>
      %eq3A_415 = arith.cmpi eq, %iota3A, %eq3A_414 : vector<16xi32>
      %select_n3A_416 = arith.select %eq3A_415, %add3A_412, %select_n3A_384 : vector<16xi1>, vector<16xf32>
      %xor3A_417 = arith.constant 8 : i32
      %xor3A_418 = vector.broadcast %xor3A_417 : i32 to vector<16xi32>
      %xor3A_419 = arith.xori %iota3A, %xor3A_418 : vector<16xi32>
      %reshape3A_420 = vector.shape_cast %xor3A_419 : vector<16xi32> to vector<16x1xi32>
      %gather3A_421 = vector.shape_cast %reshape3A_420 : vector<16x1xi32> to vector<16xi32>
      %gather3A_422 = tpu.dynamic_gather %scan3A_66#11[%gather3A_421] in [0] : vector<16xf32>, vector<16xi32> -> vector<16xf32>
      %add3A_423 = arith.addf %scan3A_66#11, %gather3A_422 : vector<16xf32>
      %xor3A_424 = arith.constant 4 : i32
      %xor3A_425 = vector.broadcast %xor3A_424 : i32 to vector<16xi32>
      %xor3A_426 = arith.xori %iota3A, %xor3A_425 : vector<16xi32>
      %reshape3A_427 = vector.shape_cast %xor3A_426 : vector<16xi32> to vector<16x1xi32>
      %gather3A_428 = vector.shape_cast %reshape3A_427 : vector<16x1xi32> to vector<16xi32>
      %gather3A_429 = tpu.dynamic_gather %add3A_423[%gather3A_428] in [0] : vector<16xf32>, vector<16xi32> -> vector<16xf32>
      %add3A_430 = arith.addf %add3A_423, %gather3A_429 : vector<16xf32>
      %xor3A_431 = arith.constant 2 : i32
      %xor3A_432 = vector.broadcast %xor3A_431 : i32 to vector<16xi32>
      %xor3A_433 = arith.xori %iota3A, %xor3A_432 : vector<16xi32>
      %reshape3A_434 = vector.shape_cast %xor3A_433 : vector<16xi32> to vector<16x1xi32>
      %gather3A_435 = vector.shape_cast %reshape3A_434 : vector<16x1xi32> to vector<16xi32>
      %gather3A_436 = tpu.dynamic_gather %add3A_430[%gather3A_435] in [0] : vector<16xf32>, vector<16xi32> -> vector<16xf32>
      %add3A_437 = arith.addf %add3A_430, %gather3A_436 : vector<16xf32>
      %xor3A_438 = arith.constant 1 : i32
      %xor3A_439 = vector.broadcast %xor3A_438 : i32 to vector<16xi32>
      %xor3A_440 = arith.xori %iota3A, %xor3A_439 : vector<16xi32>
      %reshape3A_441 = vector.shape_cast %xor3A_440 : vector<16xi32> to vector<16x1xi32>
      %gather3A_442 = vector.shape_cast %reshape3A_441 : vector<16x1xi32> to vector<16xi32>
      %gather3A_443 = tpu.dynamic_gather %add3A_437[%gather3A_442] in [0] : vector<16xf32>, vector<16xi32> -> vector<16xf32>
      %add3A_444 = arith.addf %add3A_437, %gather3A_443 : vector<16xf32>
      %eq3A_445 = arith.constant 11 : i32
      %eq3A_446 = vector.broadcast %eq3A_445 : i32 to vector<16xi32>
      %eq3A_447 = arith.cmpi eq, %iota3A, %eq3A_446 : vector<16xi32>
      %select_n3A_448 = arith.select %eq3A_447, %add3A_444, %select_n3A_416 : vector<16xi1>, vector<16xf32>
      %xor3A_449 = arith.constant 8 : i32
      %xor3A_450 = vector.broadcast %xor3A_449 : i32 to vector<16xi32>
      %xor3A_451 = arith.xori %iota3A, %xor3A_450 : vector<16xi32>
      %reshape3A_452 = vector.shape_cast %xor3A_451 : vector<16xi32> to vector<16x1xi32>
      %gather3A_453 = vector.shape_cast %reshape3A_452 : vector<16x1xi32> to vector<16xi32>
      %gather3A_454 = tpu.dynamic_gather %scan3A_66#12[%gather3A_453] in [0] : vector<16xf32>, vector<16xi32> -> vector<16xf32>
      %add3A_455 = arith.addf %scan3A_66#12, %gather3A_454 : vector<16xf32>
      %xor3A_456 = arith.constant 4 : i32
      %xor3A_457 = vector.broadcast %xor3A_456 : i32 to vector<16xi32>
      %xor3A_458 = arith.xori %iota3A, %xor3A_457 : vector<16xi32>
      %reshape3A_459 = vector.shape_cast %xor3A_458 : vector<16xi32> to vector<16x1xi32>
      %gather3A_460 = vector.shape_cast %reshape3A_459 : vector<16x1xi32> to vector<16xi32>
      %gather3A_461 = tpu.dynamic_gather %add3A_455[%gather3A_460] in [0] : vector<16xf32>, vector<16xi32> -> vector<16xf32>
      %add3A_462 = arith.addf %add3A_455, %gather3A_461 : vector<16xf32>
      %xor3A_463 = arith.constant 2 : i32
      %xor3A_464 = vector.broadcast %xor3A_463 : i32 to vector<16xi32>
      %xor3A_465 = arith.xori %iota3A, %xor3A_464 : vector<16xi32>
      %reshape3A_466 = vector.shape_cast %xor3A_465 : vector<16xi32> to vector<16x1xi32>
      %gather3A_467 = vector.shape_cast %reshape3A_466 : vector<16x1xi32> to vector<16xi32>
      %gather3A_468 = tpu.dynamic_gather %add3A_462[%gather3A_467] in [0] : vector<16xf32>, vector<16xi32> -> vector<16xf32>
      %add3A_469 = arith.addf %add3A_462, %gather3A_468 : vector<16xf32>
      %xor3A_470 = arith.constant 1 : i32
      %xor3A_471 = vector.broadcast %xor3A_470 : i32 to vector<16xi32>
      %xor3A_472 = arith.xori %iota3A, %xor3A_471 : vector<16xi32>
      %reshape3A_473 = vector.shape_cast %xor3A_472 : vector<16xi32> to vector<16x1xi32>
      %gather3A_474 = vector.shape_cast %reshape3A_473 : vector<16x1xi32> to vector<16xi32>
      %gather3A_475 = tpu.dynamic_gather %add3A_469[%gather3A_474] in [0] : vector<16xf32>, vector<16xi32> -> vector<16xf32>
      %add3A_476 = arith.addf %add3A_469, %gather3A_475 : vector<16xf32>
      %eq3A_477 = arith.constant 12 : i32
      %eq3A_478 = vector.broadcast %eq3A_477 : i32 to vector<16xi32>
      %eq3A_479 = arith.cmpi eq, %iota3A, %eq3A_478 : vector<16xi32>
      %select_n3A_480 = arith.select %eq3A_479, %add3A_476, %select_n3A_448 : vector<16xi1>, vector<16xf32>
      %xor3A_481 = arith.constant 8 : i32
      %xor3A_482 = vector.broadcast %xor3A_481 : i32 to vector<16xi32>
      %xor3A_483 = arith.xori %iota3A, %xor3A_482 : vector<16xi32>
      %reshape3A_484 = vector.shape_cast %xor3A_483 : vector<16xi32> to vector<16x1xi32>
      %gather3A_485 = vector.shape_cast %reshape3A_484 : vector<16x1xi32> to vector<16xi32>
      %gather3A_486 = tpu.dynamic_gather %scan3A_66#13[%gather3A_485] in [0] : vector<16xf32>, vector<16xi32> -> vector<16xf32>
      %add3A_487 = arith.addf %scan3A_66#13, %gather3A_486 : vector<16xf32>
      %xor3A_488 = arith.constant 4 : i32
      %xor3A_489 = vector.broadcast %xor3A_488 : i32 to vector<16xi32>
      %xor3A_490 = arith.xori %iota3A, %xor3A_489 : vector<16xi32>
      %reshape3A_491 = vector.shape_cast %xor3A_490 : vector<16xi32> to vector<16x1xi32>
      %gather3A_492 = vector.shape_cast %reshape3A_491 : vector<16x1xi32> to vector<16xi32>
      %gather3A_493 = tpu.dynamic_gather %add3A_487[%gather3A_492] in [0] : vector<16xf32>, vector<16xi32> -> vector<16xf32>
      %add3A_494 = arith.addf %add3A_487, %gather3A_493 : vector<16xf32>
      %xor3A_495 = arith.constant 2 : i32
      %xor3A_496 = vector.broadcast %xor3A_495 : i32 to vector<16xi32>
      %xor3A_497 = arith.xori %iota3A, %xor3A_496 : vector<16xi32>
      %reshape3A_498 = vector.shape_cast %xor3A_497 : vector<16xi32> to vector<16x1xi32>
      %gather3A_499 = vector.shape_cast %reshape3A_498 : vector<16x1xi32> to vector<16xi32>
      %gather3A_500 = tpu.dynamic_gather %add3A_494[%gather3A_499] in [0] : vector<16xf32>, vector<16xi32> -> vector<16xf32>
      %add3A_501 = arith.addf %add3A_494, %gather3A_500 : vector<16xf32>
      %xor3A_502 = arith.constant 1 : i32
      %xor3A_503 = vector.broadcast %xor3A_502 : i32 to vector<16xi32>
      %xor3A_504 = arith.xori %iota3A, %xor3A_503 : vector<16xi32>
      %reshape3A_505 = vector.shape_cast %xor3A_504 : vector<16xi32> to vector<16x1xi32>
      %gather3A_506 = vector.shape_cast %reshape3A_505 : vector<16x1xi32> to vector<16xi32>
      %gather3A_507 = tpu.dynamic_gather %add3A_501[%gather3A_506] in [0] : vector<16xf32>, vector<16xi32> -> vector<16xf32>
      %add3A_508 = arith.addf %add3A_501, %gather3A_507 : vector<16xf32>
      %eq3A_509 = arith.constant 13 : i32
      %eq3A_510 = vector.broadcast %eq3A_509 : i32 to vector<16xi32>
      %eq3A_511 = arith.cmpi eq, %iota3A, %eq3A_510 : vector<16xi32>
      %select_n3A_512 = arith.select %eq3A_511, %add3A_508, %select_n3A_480 : vector<16xi1>, vector<16xf32>
      %xor3A_513 = arith.constant 8 : i32
      %xor3A_514 = vector.broadcast %xor3A_513 : i32 to vector<16xi32>
      %xor3A_515 = arith.xori %iota3A, %xor3A_514 : vector<16xi32>
      %reshape3A_516 = vector.shape_cast %xor3A_515 : vector<16xi32> to vector<16x1xi32>
      %gather3A_517 = vector.shape_cast %reshape3A_516 : vector<16x1xi32> to vector<16xi32>
      %gather3A_518 = tpu.dynamic_gather %scan3A_66#14[%gather3A_517] in [0] : vector<16xf32>, vector<16xi32> -> vector<16xf32>
      %add3A_519 = arith.addf %scan3A_66#14, %gather3A_518 : vector<16xf32>
      %xor3A_520 = arith.constant 4 : i32
      %xor3A_521 = vector.broadcast %xor3A_520 : i32 to vector<16xi32>
      %xor3A_522 = arith.xori %iota3A, %xor3A_521 : vector<16xi32>
      %reshape3A_523 = vector.shape_cast %xor3A_522 : vector<16xi32> to vector<16x1xi32>
      %gather3A_524 = vector.shape_cast %reshape3A_523 : vector<16x1xi32> to vector<16xi32>
      %gather3A_525 = tpu.dynamic_gather %add3A_519[%gather3A_524] in [0] : vector<16xf32>, vector<16xi32> -> vector<16xf32>
      %add3A_526 = arith.addf %add3A_519, %gather3A_525 : vector<16xf32>
      %xor3A_527 = arith.constant 2 : i32
      %xor3A_528 = vector.broadcast %xor3A_527 : i32 to vector<16xi32>
      %xor3A_529 = arith.xori %iota3A, %xor3A_528 : vector<16xi32>
      %reshape3A_530 = vector.shape_cast %xor3A_529 : vector<16xi32> to vector<16x1xi32>
      %gather3A_531 = vector.shape_cast %reshape3A_530 : vector<16x1xi32> to vector<16xi32>
      %gather3A_532 = tpu.dynamic_gather %add3A_526[%gather3A_531] in [0] : vector<16xf32>, vector<16xi32> -> vector<16xf32>
      %add3A_533 = arith.addf %add3A_526, %gather3A_532 : vector<16xf32>
      %xor3A_534 = arith.constant 1 : i32
      %xor3A_535 = vector.broadcast %xor3A_534 : i32 to vector<16xi32>
      %xor3A_536 = arith.xori %iota3A, %xor3A_535 : vector<16xi32>
      %reshape3A_537 = vector.shape_cast %xor3A_536 : vector<16xi32> to vector<16x1xi32>
      %gather3A_538 = vector.shape_cast %reshape3A_537 : vector<16x1xi32> to vector<16xi32>
      %gather3A_539 = tpu.dynamic_gather %add3A_533[%gather3A_538] in [0] : vector<16xf32>, vector<16xi32> -> vector<16xf32>
      %add3A_540 = arith.addf %add3A_533, %gather3A_539 : vector<16xf32>
      %eq3A_541 = arith.constant 14 : i32
      %eq3A_542 = vector.broadcast %eq3A_541 : i32 to vector<16xi32>
      %eq3A_543 = arith.cmpi eq, %iota3A, %eq3A_542 : vector<16xi32>
      %select_n3A_544 = arith.select %eq3A_543, %add3A_540, %select_n3A_512 : vector<16xi1>, vector<16xf32>
      %xor3A_545 = arith.constant 8 : i32
      %xor3A_546 = vector.broadcast %xor3A_545 : i32 to vector<16xi32>
      %xor3A_547 = arith.xori %iota3A, %xor3A_546 : vector<16xi32>
      %reshape3A_548 = vector.shape_cast %xor3A_547 : vector<16xi32> to vector<16x1xi32>
      %gather3A_549 = vector.shape_cast %reshape3A_548 : vector<16x1xi32> to vector<16xi32>
      %gather3A_550 = tpu.dynamic_gather %scan3A_66#15[%gather3A_549] in [0] : vector<16xf32>, vector<16xi32> -> vector<16xf32>
      %add3A_551 = arith.addf %scan3A_66#15, %gather3A_550 : vector<16xf32>
      %xor3A_552 = arith.constant 4 : i32
      %xor3A_553 = vector.broadcast %xor3A_552 : i32 to vector<16xi32>
      %xor3A_554 = arith.xori %iota3A, %xor3A_553 : vector<16xi32>
      %reshape3A_555 = vector.shape_cast %xor3A_554 : vector<16xi32> to vector<16x1xi32>
      %gather3A_556 = vector.shape_cast %reshape3A_555 : vector<16x1xi32> to vector<16xi32>
      %gather3A_557 = tpu.dynamic_gather %add3A_551[%gather3A_556] in [0] : vector<16xf32>, vector<16xi32> -> vector<16xf32>
      %add3A_558 = arith.addf %add3A_551, %gather3A_557 : vector<16xf32>
      %xor3A_559 = arith.constant 2 : i32
      %xor3A_560 = vector.broadcast %xor3A_559 : i32 to vector<16xi32>
      %xor3A_561 = arith.xori %iota3A, %xor3A_560 : vector<16xi32>
      %reshape3A_562 = vector.shape_cast %xor3A_561 : vector<16xi32> to vector<16x1xi32>
      %gather3A_563 = vector.shape_cast %reshape3A_562 : vector<16x1xi32> to vector<16xi32>
      %gather3A_564 = tpu.dynamic_gather %add3A_558[%gather3A_563] in [0] : vector<16xf32>, vector<16xi32> -> vector<16xf32>
      %add3A_565 = arith.addf %add3A_558, %gather3A_564 : vector<16xf32>
      %xor3A_566 = arith.constant 1 : i32
      %xor3A_567 = vector.broadcast %xor3A_566 : i32 to vector<16xi32>
      %xor3A_568 = arith.xori %iota3A, %xor3A_567 : vector<16xi32>
      %reshape3A_569 = vector.shape_cast %xor3A_568 : vector<16xi32> to vector<16x1xi32>
      %gather3A_570 = vector.shape_cast %reshape3A_569 : vector<16x1xi32> to vector<16xi32>
      %gather3A_571 = tpu.dynamic_gather %add3A_565[%gather3A_570] in [0] : vector<16xf32>, vector<16xi32> -> vector<16xf32>
      %add3A_572 = arith.addf %add3A_565, %gather3A_571 : vector<16xf32>
      %eq3A_573 = arith.constant 15 : i32
      %eq3A_574 = vector.broadcast %eq3A_573 : i32 to vector<16xi32>
      %eq3A_575 = arith.cmpi eq, %iota3A, %eq3A_574 : vector<16xi32>
      %select_n3A_576 = arith.select %eq3A_575, %add3A_572, %select_n3A_544 : vector<16xi1>, vector<16xf32>
      %mul3A_577 = arith.constant 40 : i32
      %mul3A_578 = arith.muli %scan3A_38, %mul3A_577 : i32
      %add3A_579 = arith.constant 0 : i32
      %add3A_580 = arith.addi %mul3A_578, %add3A_579 : i32
      %swap3A = arith.index_cast %add3A_580 : i32 to index
      %swap3A_581 = tpu.vector_load %arg8[%swap3A] {strides = array<i32>} : memref<200xf32, #tpu.memory_space<vmem>>, vector<16xf32>,
      %swap3A_582 = vector.shape_cast %swap3A_581 : vector<16xf32> to vector<16xf32>
      %swap3A_583 = vector.shape_cast %select_n3A_576 : vector<16xf32> to vector<16xf32>
      tpu.vector_store %arg8[%swap3A], %swap3A_583 {strides = array<i32>} : memref<200xf32, #tpu.memory_space<vmem>>, vector<16xf32>,
      %broadcast_in_dim3A_584 = arith.constant 0.000000e+00 : f32
      %broadcast_in_dim3A_585 = vector.broadcast %broadcast_in_dim3A_584 : f32 to vector<16xf32>
      %scan3A_586 = arith.constant 0 : i32
      %scan3A_587 = arith.constant 32 : i32
      %scan3A_588 = arith.addi %scan3A_586, %scan3A_587 : i32
      %scan3A_589 = arith.constant 1 : i32
      %scan3A_590:16 = scf.for %scan3A_1644 = %scan3A_586 to %scan3A_588 step %scan3A_589 iter_args(%scan3A_1645 = %broadcast_in_dim3A_585, %scan3A_1646 = %broadcast_in_dim3A_585, %scan3A_1647 = %broadcast_in_dim3A_585, %scan3A_1648 = %broadcast_in_dim3A_585, %scan3A_1649 = %broadcast_in_dim3A_585, %scan3A_1650 = %broadcast_in_dim3A_585, %scan3A_1651 = %broadcast_in_dim3A_585, %scan3A_1652 = %broadcast_in_dim3A_585, %scan3A_1653 = %broadcast_in_dim3A_585, %scan3A_1654 = %broadcast_in_dim3A_585, %scan3A_1655 = %broadcast_in_dim3A_585, %scan3A_1656 = %broadcast_in_dim3A_585, %scan3A_1657 = %broadcast_in_dim3A_585, %scan3A_1658 = %broadcast_in_dim3A_585, %scan3A_1659 = %broadcast_in_dim3A_585, %scan3A_1660 = %broadcast_in_dim3A_585) -> (vector<16xf32>, vector<16xf32>, vector<16xf32>, vector<16xf32>, vector<16xf32>, vector<16xf32>, vector<16xf32>, vector<16xf32>, vector<16xf32>, vector<16xf32>, vector<16xf32>, vector<16xf32>, vector<16xf32>, vector<16xf32>, vector<16xf32>, vector<16xf32>)  : i32 {
        %mul3A_1661 = arith.constant 16 : i32
        %mul3A_1662 = arith.muli %scan3A_1644, %mul3A_1661 : i32
        %get3A = arith.index_cast %mul3A_1662 : i32 to index
        %get3A_1663 = tpu.vector_load %arg6[%get3A] {strides = array<i32>} : memref<512xf32, #tpu.memory_space<vmem>>, vector<16xf32>,
        %get3A_1664 = vector.shape_cast %get3A_1663 : vector<16xf32> to vector<16xf32>
        %mul3A_1665 = arith.constant 16 : i32
        %mul3A_1666 = arith.muli %scan3A_1644, %mul3A_1665 : i32
        %get3A_1667 = arith.constant 16 : i32
        %get3A_1668 = arith.index_cast %rem3A_39 : i32 to index
        %get3A_1669 = arith.index_cast %get3A_1667 : i32 to index
        %get3A_1670 = arith.index_cast %mul3A_1666 : i32 to index
        %get3A_1671 = tpu.vector_load %arg5[%get3A_1668, %get3A_1669, %get3A_1670] {strides = array<i32>} : memref<2x40x512xf32, #tpu.memory_space<vmem>>, vector<1x1x16xf32>,
        %get3A_1672 = vector.shape_cast %get3A_1671 : vector<1x1x16xf32> to vector<16xf32>
        %max3A = arith.constant 0.000000e+00 : f32
        %max3A_1673 = vector.broadcast %max3A : f32 to vector<16xf32>
        %max3A_1674 = arith.maximumf %get3A_1672, %max3A_1673 : vector<16xf32>
        %mul3A_1675 = arith.mulf %max3A_1674, %get3A_1664 : vector<16xf32>
        %add3A_1676 = arith.addf %scan3A_1645, %mul3A_1675 : vector<16xf32>
        %mul3A_1677 = arith.constant 16 : i32
        %mul3A_1678 = arith.muli %scan3A_1644, %mul3A_1677 : i32
        %get3A_1679 = arith.constant 17 : i32
        %get3A_1680 = arith.index_cast %rem3A_39 : i32 to index
        %get3A_1681 = arith.index_cast %get3A_1679 : i32 to index
        %get3A_1682 = arith.index_cast %mul3A_1678 : i32 to index
        %get3A_1683 = tpu.vector_load %arg5[%get3A_1680, %get3A_1681, %get3A_1682] {strides = array<i32>} : memref<2x40x512xf32, #tpu.memory_space<vmem>>, vector<1x1x16xf32>,
        %get3A_1684 = vector.shape_cast %get3A_1683 : vector<1x1x16xf32> to vector<16xf32>
        %max3A_1685 = arith.constant 0.000000e+00 : f32
        %max3A_1686 = vector.broadcast %max3A_1685 : f32 to vector<16xf32>
        %max3A_1687 = arith.maximumf %get3A_1684, %max3A_1686 : vector<16xf32>
        %mul3A_1688 = arith.mulf %max3A_1687, %get3A_1664 : vector<16xf32>
        %add3A_1689 = arith.addf %scan3A_1646, %mul3A_1688 : vector<16xf32>
        %mul3A_1690 = arith.constant 16 : i32
        %mul3A_1691 = arith.muli %scan3A_1644, %mul3A_1690 : i32
        %get3A_1692 = arith.constant 18 : i32
        %get3A_1693 = arith.index_cast %rem3A_39 : i32 to index
        %get3A_1694 = arith.index_cast %get3A_1692 : i32 to index
        %get3A_1695 = arith.index_cast %mul3A_1691 : i32 to index
        %get3A_1696 = tpu.vector_load %arg5[%get3A_1693, %get3A_1694, %get3A_1695] {strides = array<i32>} : memref<2x40x512xf32, #tpu.memory_space<vmem>>, vector<1x1x16xf32>,
        %get3A_1697 = vector.shape_cast %get3A_1696 : vector<1x1x16xf32> to vector<16xf32>
        %max3A_1698 = arith.constant 0.000000e+00 : f32
        %max3A_1699 = vector.broadcast %max3A_1698 : f32 to vector<16xf32>
        %max3A_1700 = arith.maximumf %get3A_1697, %max3A_1699 : vector<16xf32>
        %mul3A_1701 = arith.mulf %max3A_1700, %get3A_1664 : vector<16xf32>
        %add3A_1702 = arith.addf %scan3A_1647, %mul3A_1701 : vector<16xf32>
        %mul3A_1703 = arith.constant 16 : i32
        %mul3A_1704 = arith.muli %scan3A_1644, %mul3A_1703 : i32
        %get3A_1705 = arith.constant 19 : i32
        %get3A_1706 = arith.index_cast %rem3A_39 : i32 to index
        %get3A_1707 = arith.index_cast %get3A_1705 : i32 to index
        %get3A_1708 = arith.index_cast %mul3A_1704 : i32 to index
        %get3A_1709 = tpu.vector_load %arg5[%get3A_1706, %get3A_1707, %get3A_1708] {strides = array<i32>} : memref<2x40x512xf32, #tpu.memory_space<vmem>>, vector<1x1x16xf32>,
        %get3A_1710 = vector.shape_cast %get3A_1709 : vector<1x1x16xf32> to vector<16xf32>
        %max3A_1711 = arith.constant 0.000000e+00 : f32
        %max3A_1712 = vector.broadcast %max3A_1711 : f32 to vector<16xf32>
        %max3A_1713 = arith.maximumf %get3A_1710, %max3A_1712 : vector<16xf32>
        %mul3A_1714 = arith.mulf %max3A_1713, %get3A_1664 : vector<16xf32>
        %add3A_1715 = arith.addf %scan3A_1648, %mul3A_1714 : vector<16xf32>
        %mul3A_1716 = arith.constant 16 : i32
        %mul3A_1717 = arith.muli %scan3A_1644, %mul3A_1716 : i32
        %get3A_1718 = arith.constant 20 : i32
        %get3A_1719 = arith.index_cast %rem3A_39 : i32 to index
        %get3A_1720 = arith.index_cast %get3A_1718 : i32 to index
        %get3A_1721 = arith.index_cast %mul3A_1717 : i32 to index
        %get3A_1722 = tpu.vector_load %arg5[%get3A_1719, %get3A_1720, %get3A_1721] {strides = array<i32>} : memref<2x40x512xf32, #tpu.memory_space<vmem>>, vector<1x1x16xf32>,
        %get3A_1723 = vector.shape_cast %get3A_1722 : vector<1x1x16xf32> to vector<16xf32>
        %max3A_1724 = arith.constant 0.000000e+00 : f32
        %max3A_1725 = vector.broadcast %max3A_1724 : f32 to vector<16xf32>
        %max3A_1726 = arith.maximumf %get3A_1723, %max3A_1725 : vector<16xf32>
        %mul3A_1727 = arith.mulf %max3A_1726, %get3A_1664 : vector<16xf32>
        %add3A_1728 = arith.addf %scan3A_1649, %mul3A_1727 : vector<16xf32>
        %mul3A_1729 = arith.constant 16 : i32
        %mul3A_1730 = arith.muli %scan3A_1644, %mul3A_1729 : i32
        %get3A_1731 = arith.constant 21 : i32
        %get3A_1732 = arith.index_cast %rem3A_39 : i32 to index
        %get3A_1733 = arith.index_cast %get3A_1731 : i32 to index
        %get3A_1734 = arith.index_cast %mul3A_1730 : i32 to index
        %get3A_1735 = tpu.vector_load %arg5[%get3A_1732, %get3A_1733, %get3A_1734] {strides = array<i32>} : memref<2x40x512xf32, #tpu.memory_space<vmem>>, vector<1x1x16xf32>,
        %get3A_1736 = vector.shape_cast %get3A_1735 : vector<1x1x16xf32> to vector<16xf32>
        %max3A_1737 = arith.constant 0.000000e+00 : f32
        %max3A_1738 = vector.broadcast %max3A_1737 : f32 to vector<16xf32>
        %max3A_1739 = arith.maximumf %get3A_1736, %max3A_1738 : vector<16xf32>
        %mul3A_1740 = arith.mulf %max3A_1739, %get3A_1664 : vector<16xf32>
        %add3A_1741 = arith.addf %scan3A_1650, %mul3A_1740 : vector<16xf32>
        %mul3A_1742 = arith.constant 16 : i32
        %mul3A_1743 = arith.muli %scan3A_1644, %mul3A_1742 : i32
        %get3A_1744 = arith.constant 22 : i32
        %get3A_1745 = arith.index_cast %rem3A_39 : i32 to index
        %get3A_1746 = arith.index_cast %get3A_1744 : i32 to index
        %get3A_1747 = arith.index_cast %mul3A_1743 : i32 to index
        %get3A_1748 = tpu.vector_load %arg5[%get3A_1745, %get3A_1746, %get3A_1747] {strides = array<i32>} : memref<2x40x512xf32, #tpu.memory_space<vmem>>, vector<1x1x16xf32>,
        %get3A_1749 = vector.shape_cast %get3A_1748 : vector<1x1x16xf32> to vector<16xf32>
        %max3A_1750 = arith.constant 0.000000e+00 : f32
        %max3A_1751 = vector.broadcast %max3A_1750 : f32 to vector<16xf32>
        %max3A_1752 = arith.maximumf %get3A_1749, %max3A_1751 : vector<16xf32>
        %mul3A_1753 = arith.mulf %max3A_1752, %get3A_1664 : vector<16xf32>
        %add3A_1754 = arith.addf %scan3A_1651, %mul3A_1753 : vector<16xf32>
        %mul3A_1755 = arith.constant 16 : i32
        %mul3A_1756 = arith.muli %scan3A_1644, %mul3A_1755 : i32
        %get3A_1757 = arith.constant 23 : i32
        %get3A_1758 = arith.index_cast %rem3A_39 : i32 to index
        %get3A_1759 = arith.index_cast %get3A_1757 : i32 to index
        %get3A_1760 = arith.index_cast %mul3A_1756 : i32 to index
        %get3A_1761 = tpu.vector_load %arg5[%get3A_1758, %get3A_1759, %get3A_1760] {strides = array<i32>} : memref<2x40x512xf32, #tpu.memory_space<vmem>>, vector<1x1x16xf32>,
        %get3A_1762 = vector.shape_cast %get3A_1761 : vector<1x1x16xf32> to vector<16xf32>
        %max3A_1763 = arith.constant 0.000000e+00 : f32
        %max3A_1764 = vector.broadcast %max3A_1763 : f32 to vector<16xf32>
        %max3A_1765 = arith.maximumf %get3A_1762, %max3A_1764 : vector<16xf32>
        %mul3A_1766 = arith.mulf %max3A_1765, %get3A_1664 : vector<16xf32>
        %add3A_1767 = arith.addf %scan3A_1652, %mul3A_1766 : vector<16xf32>
        %mul3A_1768 = arith.constant 16 : i32
        %mul3A_1769 = arith.muli %scan3A_1644, %mul3A_1768 : i32
        %get3A_1770 = arith.constant 24 : i32
        %get3A_1771 = arith.index_cast %rem3A_39 : i32 to index
        %get3A_1772 = arith.index_cast %get3A_1770 : i32 to index
        %get3A_1773 = arith.index_cast %mul3A_1769 : i32 to index
        %get3A_1774 = tpu.vector_load %arg5[%get3A_1771, %get3A_1772, %get3A_1773] {strides = array<i32>} : memref<2x40x512xf32, #tpu.memory_space<vmem>>, vector<1x1x16xf32>,
        %get3A_1775 = vector.shape_cast %get3A_1774 : vector<1x1x16xf32> to vector<16xf32>
        %max3A_1776 = arith.constant 0.000000e+00 : f32
        %max3A_1777 = vector.broadcast %max3A_1776 : f32 to vector<16xf32>
        %max3A_1778 = arith.maximumf %get3A_1775, %max3A_1777 : vector<16xf32>
        %mul3A_1779 = arith.mulf %max3A_1778, %get3A_1664 : vector<16xf32>
        %add3A_1780 = arith.addf %scan3A_1653, %mul3A_1779 : vector<16xf32>
        %mul3A_1781 = arith.constant 16 : i32
        %mul3A_1782 = arith.muli %scan3A_1644, %mul3A_1781 : i32
        %get3A_1783 = arith.constant 25 : i32
        %get3A_1784 = arith.index_cast %rem3A_39 : i32 to index
        %get3A_1785 = arith.index_cast %get3A_1783 : i32 to index
        %get3A_1786 = arith.index_cast %mul3A_1782 : i32 to index
        %get3A_1787 = tpu.vector_load %arg5[%get3A_1784, %get3A_1785, %get3A_1786] {strides = array<i32>} : memref<2x40x512xf32, #tpu.memory_space<vmem>>, vector<1x1x16xf32>,
        %get3A_1788 = vector.shape_cast %get3A_1787 : vector<1x1x16xf32> to vector<16xf32>
        %max3A_1789 = arith.constant 0.000000e+00 : f32
        %max3A_1790 = vector.broadcast %max3A_1789 : f32 to vector<16xf32>
        %max3A_1791 = arith.maximumf %get3A_1788, %max3A_1790 : vector<16xf32>
        %mul3A_1792 = arith.mulf %max3A_1791, %get3A_1664 : vector<16xf32>
        %add3A_1793 = arith.addf %scan3A_1654, %mul3A_1792 : vector<16xf32>
        %mul3A_1794 = arith.constant 16 : i32
        %mul3A_1795 = arith.muli %scan3A_1644, %mul3A_1794 : i32
        %get3A_1796 = arith.constant 26 : i32
        %get3A_1797 = arith.index_cast %rem3A_39 : i32 to index
        %get3A_1798 = arith.index_cast %get3A_1796 : i32 to index
        %get3A_1799 = arith.index_cast %mul3A_1795 : i32 to index
        %get3A_1800 = tpu.vector_load %arg5[%get3A_1797, %get3A_1798, %get3A_1799] {strides = array<i32>} : memref<2x40x512xf32, #tpu.memory_space<vmem>>, vector<1x1x16xf32>,
        %get3A_1801 = vector.shape_cast %get3A_1800 : vector<1x1x16xf32> to vector<16xf32>
        %max3A_1802 = arith.constant 0.000000e+00 : f32
        %max3A_1803 = vector.broadcast %max3A_1802 : f32 to vector<16xf32>
        %max3A_1804 = arith.maximumf %get3A_1801, %max3A_1803 : vector<16xf32>
        %mul3A_1805 = arith.mulf %max3A_1804, %get3A_1664 : vector<16xf32>
        %add3A_1806 = arith.addf %scan3A_1655, %mul3A_1805 : vector<16xf32>
        %mul3A_1807 = arith.constant 16 : i32
        %mul3A_1808 = arith.muli %scan3A_1644, %mul3A_1807 : i32
        %get3A_1809 = arith.constant 27 : i32
        %get3A_1810 = arith.index_cast %rem3A_39 : i32 to index
        %get3A_1811 = arith.index_cast %get3A_1809 : i32 to index
        %get3A_1812 = arith.index_cast %mul3A_1808 : i32 to index
        %get3A_1813 = tpu.vector_load %arg5[%get3A_1810, %get3A_1811, %get3A_1812] {strides = array<i32>} : memref<2x40x512xf32, #tpu.memory_space<vmem>>, vector<1x1x16xf32>,
        %get3A_1814 = vector.shape_cast %get3A_1813 : vector<1x1x16xf32> to vector<16xf32>
        %max3A_1815 = arith.constant 0.000000e+00 : f32
        %max3A_1816 = vector.broadcast %max3A_1815 : f32 to vector<16xf32>
        %max3A_1817 = arith.maximumf %get3A_1814, %max3A_1816 : vector<16xf32>
        %mul3A_1818 = arith.mulf %max3A_1817, %get3A_1664 : vector<16xf32>
        %add3A_1819 = arith.addf %scan3A_1656, %mul3A_1818 : vector<16xf32>
        %mul3A_1820 = arith.constant 16 : i32
        %mul3A_1821 = arith.muli %scan3A_1644, %mul3A_1820 : i32
        %get3A_1822 = arith.constant 28 : i32
        %get3A_1823 = arith.index_cast %rem3A_39 : i32 to index
        %get3A_1824 = arith.index_cast %get3A_1822 : i32 to index
        %get3A_1825 = arith.index_cast %mul3A_1821 : i32 to index
        %get3A_1826 = tpu.vector_load %arg5[%get3A_1823, %get3A_1824, %get3A_1825] {strides = array<i32>} : memref<2x40x512xf32, #tpu.memory_space<vmem>>, vector<1x1x16xf32>,
        %get3A_1827 = vector.shape_cast %get3A_1826 : vector<1x1x16xf32> to vector<16xf32>
        %max3A_1828 = arith.constant 0.000000e+00 : f32
        %max3A_1829 = vector.broadcast %max3A_1828 : f32 to vector<16xf32>
        %max3A_1830 = arith.maximumf %get3A_1827, %max3A_1829 : vector<16xf32>
        %mul3A_1831 = arith.mulf %max3A_1830, %get3A_1664 : vector<16xf32>
        %add3A_1832 = arith.addf %scan3A_1657, %mul3A_1831 : vector<16xf32>
        %mul3A_1833 = arith.constant 16 : i32
        %mul3A_1834 = arith.muli %scan3A_1644, %mul3A_1833 : i32
        %get3A_1835 = arith.constant 29 : i32
        %get3A_1836 = arith.index_cast %rem3A_39 : i32 to index
        %get3A_1837 = arith.index_cast %get3A_1835 : i32 to index
        %get3A_1838 = arith.index_cast %mul3A_1834 : i32 to index
        %get3A_1839 = tpu.vector_load %arg5[%get3A_1836, %get3A_1837, %get3A_1838] {strides = array<i32>} : memref<2x40x512xf32, #tpu.memory_space<vmem>>, vector<1x1x16xf32>,
        %get3A_1840 = vector.shape_cast %get3A_1839 : vector<1x1x16xf32> to vector<16xf32>
        %max3A_1841 = arith.constant 0.000000e+00 : f32
        %max3A_1842 = vector.broadcast %max3A_1841 : f32 to vector<16xf32>
        %max3A_1843 = arith.maximumf %get3A_1840, %max3A_1842 : vector<16xf32>
        %mul3A_1844 = arith.mulf %max3A_1843, %get3A_1664 : vector<16xf32>
        %add3A_1845 = arith.addf %scan3A_1658, %mul3A_1844 : vector<16xf32>
        %mul3A_1846 = arith.constant 16 : i32
        %mul3A_1847 = arith.muli %scan3A_1644, %mul3A_1846 : i32
        %get3A_1848 = arith.constant 30 : i32
        %get3A_1849 = arith.index_cast %rem3A_39 : i32 to index
        %get3A_1850 = arith.index_cast %get3A_1848 : i32 to index
        %get3A_1851 = arith.index_cast %mul3A_1847 : i32 to index
        %get3A_1852 = tpu.vector_load %arg5[%get3A_1849, %get3A_1850, %get3A_1851] {strides = array<i32>} : memref<2x40x512xf32, #tpu.memory_space<vmem>>, vector<1x1x16xf32>,
        %get3A_1853 = vector.shape_cast %get3A_1852 : vector<1x1x16xf32> to vector<16xf32>
        %max3A_1854 = arith.constant 0.000000e+00 : f32
        %max3A_1855 = vector.broadcast %max3A_1854 : f32 to vector<16xf32>
        %max3A_1856 = arith.maximumf %get3A_1853, %max3A_1855 : vector<16xf32>
        %mul3A_1857 = arith.mulf %max3A_1856, %get3A_1664 : vector<16xf32>
        %add3A_1858 = arith.addf %scan3A_1659, %mul3A_1857 : vector<16xf32>
        %mul3A_1859 = arith.constant 16 : i32
        %mul3A_1860 = arith.muli %scan3A_1644, %mul3A_1859 : i32
        %get3A_1861 = arith.constant 31 : i32
        %get3A_1862 = arith.index_cast %rem3A_39 : i32 to index
        %get3A_1863 = arith.index_cast %get3A_1861 : i32 to index
        %get3A_1864 = arith.index_cast %mul3A_1860 : i32 to index
        %get3A_1865 = tpu.vector_load %arg5[%get3A_1862, %get3A_1863, %get3A_1864] {strides = array<i32>} : memref<2x40x512xf32, #tpu.memory_space<vmem>>, vector<1x1x16xf32>,
        %get3A_1866 = vector.shape_cast %get3A_1865 : vector<1x1x16xf32> to vector<16xf32>
        %max3A_1867 = arith.constant 0.000000e+00 : f32
        %max3A_1868 = vector.broadcast %max3A_1867 : f32 to vector<16xf32>
        %max3A_1869 = arith.maximumf %get3A_1866, %max3A_1868 : vector<16xf32>
        %mul3A_1870 = arith.mulf %max3A_1869, %get3A_1664 : vector<16xf32>
        %add3A_1871 = arith.addf %scan3A_1660, %mul3A_1870 : vector<16xf32>
        scf.yield %add3A_1676, %add3A_1689, %add3A_1702, %add3A_1715, %add3A_1728, %add3A_1741, %add3A_1754, %add3A_1767, %add3A_1780, %add3A_1793, %add3A_1806, %add3A_1819, %add3A_1832, %add3A_1845, %add3A_1858, %add3A_1871 : vector<16xf32>, vector<16xf32>, vector<16xf32>, vector<16xf32>, vector<16xf32>, vector<16xf32>, vector<16xf32>, vector<16xf32>, vector<16xf32>, vector<16xf32>, vector<16xf32>, vector<16xf32>, vector<16xf32>, vector<16xf32>, vector<16xf32>, vector<16xf32>
      }
      %scan3A_591 = arith.constant 32 : i32
      %broadcast_in_dim3A_592 = arith.constant 0.000000e+00 : f32
      %broadcast_in_dim3A_593 = vector.broadcast %broadcast_in_dim3A_592 : f32 to vector<16xf32>
      %xor3A_594 = arith.constant 8 : i32
      %xor3A_595 = vector.broadcast %xor3A_594 : i32 to vector<16xi32>
      %xor3A_596 = arith.xori %iota3A, %xor3A_595 : vector<16xi32>
      %reshape3A_597 = vector.shape_cast %xor3A_596 : vector<16xi32> to vector<16x1xi32>
      %gather3A_598 = vector.shape_cast %reshape3A_597 : vector<16x1xi32> to vector<16xi32>
      %gather3A_599 = tpu.dynamic_gather %scan3A_590#0[%gather3A_598] in [0] : vector<16xf32>, vector<16xi32> -> vector<16xf32>
      %add3A_600 = arith.addf %scan3A_590#0, %gather3A_599 : vector<16xf32>
      %xor3A_601 = arith.constant 4 : i32
      %xor3A_602 = vector.broadcast %xor3A_601 : i32 to vector<16xi32>
      %xor3A_603 = arith.xori %iota3A, %xor3A_602 : vector<16xi32>
      %reshape3A_604 = vector.shape_cast %xor3A_603 : vector<16xi32> to vector<16x1xi32>
      %gather3A_605 = vector.shape_cast %reshape3A_604 : vector<16x1xi32> to vector<16xi32>
      %gather3A_606 = tpu.dynamic_gather %add3A_600[%gather3A_605] in [0] : vector<16xf32>, vector<16xi32> -> vector<16xf32>
      %add3A_607 = arith.addf %add3A_600, %gather3A_606 : vector<16xf32>
      %xor3A_608 = arith.constant 2 : i32
      %xor3A_609 = vector.broadcast %xor3A_608 : i32 to vector<16xi32>
      %xor3A_610 = arith.xori %iota3A, %xor3A_609 : vector<16xi32>
      %reshape3A_611 = vector.shape_cast %xor3A_610 : vector<16xi32> to vector<16x1xi32>
      %gather3A_612 = vector.shape_cast %reshape3A_611 : vector<16x1xi32> to vector<16xi32>
      %gather3A_613 = tpu.dynamic_gather %add3A_607[%gather3A_612] in [0] : vector<16xf32>, vector<16xi32> -> vector<16xf32>
      %add3A_614 = arith.addf %add3A_607, %gather3A_613 : vector<16xf32>
      %xor3A_615 = arith.constant 1 : i32
      %xor3A_616 = vector.broadcast %xor3A_615 : i32 to vector<16xi32>
      %xor3A_617 = arith.xori %iota3A, %xor3A_616 : vector<16xi32>
      %reshape3A_618 = vector.shape_cast %xor3A_617 : vector<16xi32> to vector<16x1xi32>
      %gather3A_619 = vector.shape_cast %reshape3A_618 : vector<16x1xi32> to vector<16xi32>
      %gather3A_620 = tpu.dynamic_gather %add3A_614[%gather3A_619] in [0] : vector<16xf32>, vector<16xi32> -> vector<16xf32>
      %add3A_621 = arith.addf %add3A_614, %gather3A_620 : vector<16xf32>
      %eq3A_622 = arith.constant 0 : i32
      %eq3A_623 = vector.broadcast %eq3A_622 : i32 to vector<16xi32>
      %eq3A_624 = arith.cmpi eq, %iota3A, %eq3A_623 : vector<16xi32>
      %select_n3A_625 = arith.select %eq3A_624, %add3A_621, %broadcast_in_dim3A_593 : vector<16xi1>, vector<16xf32>
      %xor3A_626 = arith.constant 8 : i32
      %xor3A_627 = vector.broadcast %xor3A_626 : i32 to vector<16xi32>
      %xor3A_628 = arith.xori %iota3A, %xor3A_627 : vector<16xi32>
      %reshape3A_629 = vector.shape_cast %xor3A_628 : vector<16xi32> to vector<16x1xi32>
      %gather3A_630 = vector.shape_cast %reshape3A_629 : vector<16x1xi32> to vector<16xi32>
      %gather3A_631 = tpu.dynamic_gather %scan3A_590#1[%gather3A_630] in [0] : vector<16xf32>, vector<16xi32> -> vector<16xf32>
      %add3A_632 = arith.addf %scan3A_590#1, %gather3A_631 : vector<16xf32>
      %xor3A_633 = arith.constant 4 : i32
      %xor3A_634 = vector.broadcast %xor3A_633 : i32 to vector<16xi32>
      %xor3A_635 = arith.xori %iota3A, %xor3A_634 : vector<16xi32>
      %reshape3A_636 = vector.shape_cast %xor3A_635 : vector<16xi32> to vector<16x1xi32>
      %gather3A_637 = vector.shape_cast %reshape3A_636 : vector<16x1xi32> to vector<16xi32>
      %gather3A_638 = tpu.dynamic_gather %add3A_632[%gather3A_637] in [0] : vector<16xf32>, vector<16xi32> -> vector<16xf32>
      %add3A_639 = arith.addf %add3A_632, %gather3A_638 : vector<16xf32>
      %xor3A_640 = arith.constant 2 : i32
      %xor3A_641 = vector.broadcast %xor3A_640 : i32 to vector<16xi32>
      %xor3A_642 = arith.xori %iota3A, %xor3A_641 : vector<16xi32>
      %reshape3A_643 = vector.shape_cast %xor3A_642 : vector<16xi32> to vector<16x1xi32>
      %gather3A_644 = vector.shape_cast %reshape3A_643 : vector<16x1xi32> to vector<16xi32>
      %gather3A_645 = tpu.dynamic_gather %add3A_639[%gather3A_644] in [0] : vector<16xf32>, vector<16xi32> -> vector<16xf32>
      %add3A_646 = arith.addf %add3A_639, %gather3A_645 : vector<16xf32>
      %xor3A_647 = arith.constant 1 : i32
      %xor3A_648 = vector.broadcast %xor3A_647 : i32 to vector<16xi32>
      %xor3A_649 = arith.xori %iota3A, %xor3A_648 : vector<16xi32>
      %reshape3A_650 = vector.shape_cast %xor3A_649 : vector<16xi32> to vector<16x1xi32>
      %gather3A_651 = vector.shape_cast %reshape3A_650 : vector<16x1xi32> to vector<16xi32>
      %gather3A_652 = tpu.dynamic_gather %add3A_646[%gather3A_651] in [0] : vector<16xf32>, vector<16xi32> -> vector<16xf32>
      %add3A_653 = arith.addf %add3A_646, %gather3A_652 : vector<16xf32>
      %eq3A_654 = arith.constant 1 : i32
      %eq3A_655 = vector.broadcast %eq3A_654 : i32 to vector<16xi32>
      %eq3A_656 = arith.cmpi eq, %iota3A, %eq3A_655 : vector<16xi32>
      %select_n3A_657 = arith.select %eq3A_656, %add3A_653, %select_n3A_625 : vector<16xi1>, vector<16xf32>
      %xor3A_658 = arith.constant 8 : i32
      %xor3A_659 = vector.broadcast %xor3A_658 : i32 to vector<16xi32>
      %xor3A_660 = arith.xori %iota3A, %xor3A_659 : vector<16xi32>
      %reshape3A_661 = vector.shape_cast %xor3A_660 : vector<16xi32> to vector<16x1xi32>
      %gather3A_662 = vector.shape_cast %reshape3A_661 : vector<16x1xi32> to vector<16xi32>
      %gather3A_663 = tpu.dynamic_gather %scan3A_590#2[%gather3A_662] in [0] : vector<16xf32>, vector<16xi32> -> vector<16xf32>
      %add3A_664 = arith.addf %scan3A_590#2, %gather3A_663 : vector<16xf32>
      %xor3A_665 = arith.constant 4 : i32
      %xor3A_666 = vector.broadcast %xor3A_665 : i32 to vector<16xi32>
      %xor3A_667 = arith.xori %iota3A, %xor3A_666 : vector<16xi32>
      %reshape3A_668 = vector.shape_cast %xor3A_667 : vector<16xi32> to vector<16x1xi32>
      %gather3A_669 = vector.shape_cast %reshape3A_668 : vector<16x1xi32> to vector<16xi32>
      %gather3A_670 = tpu.dynamic_gather %add3A_664[%gather3A_669] in [0] : vector<16xf32>, vector<16xi32> -> vector<16xf32>
      %add3A_671 = arith.addf %add3A_664, %gather3A_670 : vector<16xf32>
      %xor3A_672 = arith.constant 2 : i32
      %xor3A_673 = vector.broadcast %xor3A_672 : i32 to vector<16xi32>
      %xor3A_674 = arith.xori %iota3A, %xor3A_673 : vector<16xi32>
      %reshape3A_675 = vector.shape_cast %xor3A_674 : vector<16xi32> to vector<16x1xi32>
      %gather3A_676 = vector.shape_cast %reshape3A_675 : vector<16x1xi32> to vector<16xi32>
      %gather3A_677 = tpu.dynamic_gather %add3A_671[%gather3A_676] in [0] : vector<16xf32>, vector<16xi32> -> vector<16xf32>
      %add3A_678 = arith.addf %add3A_671, %gather3A_677 : vector<16xf32>
      %xor3A_679 = arith.constant 1 : i32
      %xor3A_680 = vector.broadcast %xor3A_679 : i32 to vector<16xi32>
      %xor3A_681 = arith.xori %iota3A, %xor3A_680 : vector<16xi32>
      %reshape3A_682 = vector.shape_cast %xor3A_681 : vector<16xi32> to vector<16x1xi32>
      %gather3A_683 = vector.shape_cast %reshape3A_682 : vector<16x1xi32> to vector<16xi32>
      %gather3A_684 = tpu.dynamic_gather %add3A_678[%gather3A_683] in [0] : vector<16xf32>, vector<16xi32> -> vector<16xf32>
      %add3A_685 = arith.addf %add3A_678, %gather3A_684 : vector<16xf32>
      %eq3A_686 = arith.constant 2 : i32
      %eq3A_687 = vector.broadcast %eq3A_686 : i32 to vector<16xi32>
      %eq3A_688 = arith.cmpi eq, %iota3A, %eq3A_687 : vector<16xi32>
      %select_n3A_689 = arith.select %eq3A_688, %add3A_685, %select_n3A_657 : vector<16xi1>, vector<16xf32>
      %xor3A_690 = arith.constant 8 : i32
      %xor3A_691 = vector.broadcast %xor3A_690 : i32 to vector<16xi32>
      %xor3A_692 = arith.xori %iota3A, %xor3A_691 : vector<16xi32>
      %reshape3A_693 = vector.shape_cast %xor3A_692 : vector<16xi32> to vector<16x1xi32>
      %gather3A_694 = vector.shape_cast %reshape3A_693 : vector<16x1xi32> to vector<16xi32>
      %gather3A_695 = tpu.dynamic_gather %scan3A_590#3[%gather3A_694] in [0] : vector<16xf32>, vector<16xi32> -> vector<16xf32>
      %add3A_696 = arith.addf %scan3A_590#3, %gather3A_695 : vector<16xf32>
      %xor3A_697 = arith.constant 4 : i32
      %xor3A_698 = vector.broadcast %xor3A_697 : i32 to vector<16xi32>
      %xor3A_699 = arith.xori %iota3A, %xor3A_698 : vector<16xi32>
      %reshape3A_700 = vector.shape_cast %xor3A_699 : vector<16xi32> to vector<16x1xi32>
      %gather3A_701 = vector.shape_cast %reshape3A_700 : vector<16x1xi32> to vector<16xi32>
      %gather3A_702 = tpu.dynamic_gather %add3A_696[%gather3A_701] in [0] : vector<16xf32>, vector<16xi32> -> vector<16xf32>
      %add3A_703 = arith.addf %add3A_696, %gather3A_702 : vector<16xf32>
      %xor3A_704 = arith.constant 2 : i32
      %xor3A_705 = vector.broadcast %xor3A_704 : i32 to vector<16xi32>
      %xor3A_706 = arith.xori %iota3A, %xor3A_705 : vector<16xi32>
      %reshape3A_707 = vector.shape_cast %xor3A_706 : vector<16xi32> to vector<16x1xi32>
      %gather3A_708 = vector.shape_cast %reshape3A_707 : vector<16x1xi32> to vector<16xi32>
      %gather3A_709 = tpu.dynamic_gather %add3A_703[%gather3A_708] in [0] : vector<16xf32>, vector<16xi32> -> vector<16xf32>
      %add3A_710 = arith.addf %add3A_703, %gather3A_709 : vector<16xf32>
      %xor3A_711 = arith.constant 1 : i32
      %xor3A_712 = vector.broadcast %xor3A_711 : i32 to vector<16xi32>
      %xor3A_713 = arith.xori %iota3A, %xor3A_712 : vector<16xi32>
      %reshape3A_714 = vector.shape_cast %xor3A_713 : vector<16xi32> to vector<16x1xi32>
      %gather3A_715 = vector.shape_cast %reshape3A_714 : vector<16x1xi32> to vector<16xi32>
      %gather3A_716 = tpu.dynamic_gather %add3A_710[%gather3A_715] in [0] : vector<16xf32>, vector<16xi32> -> vector<16xf32>
      %add3A_717 = arith.addf %add3A_710, %gather3A_716 : vector<16xf32>
      %eq3A_718 = arith.constant 3 : i32
      %eq3A_719 = vector.broadcast %eq3A_718 : i32 to vector<16xi32>
      %eq3A_720 = arith.cmpi eq, %iota3A, %eq3A_719 : vector<16xi32>
      %select_n3A_721 = arith.select %eq3A_720, %add3A_717, %select_n3A_689 : vector<16xi1>, vector<16xf32>
      %xor3A_722 = arith.constant 8 : i32
      %xor3A_723 = vector.broadcast %xor3A_722 : i32 to vector<16xi32>
      %xor3A_724 = arith.xori %iota3A, %xor3A_723 : vector<16xi32>
      %reshape3A_725 = vector.shape_cast %xor3A_724 : vector<16xi32> to vector<16x1xi32>
      %gather3A_726 = vector.shape_cast %reshape3A_725 : vector<16x1xi32> to vector<16xi32>
      %gather3A_727 = tpu.dynamic_gather %scan3A_590#4[%gather3A_726] in [0] : vector<16xf32>, vector<16xi32> -> vector<16xf32>
      %add3A_728 = arith.addf %scan3A_590#4, %gather3A_727 : vector<16xf32>
      %xor3A_729 = arith.constant 4 : i32
      %xor3A_730 = vector.broadcast %xor3A_729 : i32 to vector<16xi32>
      %xor3A_731 = arith.xori %iota3A, %xor3A_730 : vector<16xi32>
      %reshape3A_732 = vector.shape_cast %xor3A_731 : vector<16xi32> to vector<16x1xi32>
      %gather3A_733 = vector.shape_cast %reshape3A_732 : vector<16x1xi32> to vector<16xi32>
      %gather3A_734 = tpu.dynamic_gather %add3A_728[%gather3A_733] in [0] : vector<16xf32>, vector<16xi32> -> vector<16xf32>
      %add3A_735 = arith.addf %add3A_728, %gather3A_734 : vector<16xf32>
      %xor3A_736 = arith.constant 2 : i32
      %xor3A_737 = vector.broadcast %xor3A_736 : i32 to vector<16xi32>
      %xor3A_738 = arith.xori %iota3A, %xor3A_737 : vector<16xi32>
      %reshape3A_739 = vector.shape_cast %xor3A_738 : vector<16xi32> to vector<16x1xi32>
      %gather3A_740 = vector.shape_cast %reshape3A_739 : vector<16x1xi32> to vector<16xi32>
      %gather3A_741 = tpu.dynamic_gather %add3A_735[%gather3A_740] in [0] : vector<16xf32>, vector<16xi32> -> vector<16xf32>
      %add3A_742 = arith.addf %add3A_735, %gather3A_741 : vector<16xf32>
      %xor3A_743 = arith.constant 1 : i32
      %xor3A_744 = vector.broadcast %xor3A_743 : i32 to vector<16xi32>
      %xor3A_745 = arith.xori %iota3A, %xor3A_744 : vector<16xi32>
      %reshape3A_746 = vector.shape_cast %xor3A_745 : vector<16xi32> to vector<16x1xi32>
      %gather3A_747 = vector.shape_cast %reshape3A_746 : vector<16x1xi32> to vector<16xi32>
      %gather3A_748 = tpu.dynamic_gather %add3A_742[%gather3A_747] in [0] : vector<16xf32>, vector<16xi32> -> vector<16xf32>
      %add3A_749 = arith.addf %add3A_742, %gather3A_748 : vector<16xf32>
      %eq3A_750 = arith.constant 4 : i32
      %eq3A_751 = vector.broadcast %eq3A_750 : i32 to vector<16xi32>
      %eq3A_752 = arith.cmpi eq, %iota3A, %eq3A_751 : vector<16xi32>
      %select_n3A_753 = arith.select %eq3A_752, %add3A_749, %select_n3A_721 : vector<16xi1>, vector<16xf32>
      %xor3A_754 = arith.constant 8 : i32
      %xor3A_755 = vector.broadcast %xor3A_754 : i32 to vector<16xi32>
      %xor3A_756 = arith.xori %iota3A, %xor3A_755 : vector<16xi32>
      %reshape3A_757 = vector.shape_cast %xor3A_756 : vector<16xi32> to vector<16x1xi32>
      %gather3A_758 = vector.shape_cast %reshape3A_757 : vector<16x1xi32> to vector<16xi32>
      %gather3A_759 = tpu.dynamic_gather %scan3A_590#5[%gather3A_758] in [0] : vector<16xf32>, vector<16xi32> -> vector<16xf32>
      %add3A_760 = arith.addf %scan3A_590#5, %gather3A_759 : vector<16xf32>
      %xor3A_761 = arith.constant 4 : i32
      %xor3A_762 = vector.broadcast %xor3A_761 : i32 to vector<16xi32>
      %xor3A_763 = arith.xori %iota3A, %xor3A_762 : vector<16xi32>
      %reshape3A_764 = vector.shape_cast %xor3A_763 : vector<16xi32> to vector<16x1xi32>
      %gather3A_765 = vector.shape_cast %reshape3A_764 : vector<16x1xi32> to vector<16xi32>
      %gather3A_766 = tpu.dynamic_gather %add3A_760[%gather3A_765] in [0] : vector<16xf32>, vector<16xi32> -> vector<16xf32>
      %add3A_767 = arith.addf %add3A_760, %gather3A_766 : vector<16xf32>
      %xor3A_768 = arith.constant 2 : i32
      %xor3A_769 = vector.broadcast %xor3A_768 : i32 to vector<16xi32>
      %xor3A_770 = arith.xori %iota3A, %xor3A_769 : vector<16xi32>
      %reshape3A_771 = vector.shape_cast %xor3A_770 : vector<16xi32> to vector<16x1xi32>
      %gather3A_772 = vector.shape_cast %reshape3A_771 : vector<16x1xi32> to vector<16xi32>
      %gather3A_773 = tpu.dynamic_gather %add3A_767[%gather3A_772] in [0] : vector<16xf32>, vector<16xi32> -> vector<16xf32>
      %add3A_774 = arith.addf %add3A_767, %gather3A_773 : vector<16xf32>
      %xor3A_775 = arith.constant 1 : i32
      %xor3A_776 = vector.broadcast %xor3A_775 : i32 to vector<16xi32>
      %xor3A_777 = arith.xori %iota3A, %xor3A_776 : vector<16xi32>
      %reshape3A_778 = vector.shape_cast %xor3A_777 : vector<16xi32> to vector<16x1xi32>
      %gather3A_779 = vector.shape_cast %reshape3A_778 : vector<16x1xi32> to vector<16xi32>
      %gather3A_780 = tpu.dynamic_gather %add3A_774[%gather3A_779] in [0] : vector<16xf32>, vector<16xi32> -> vector<16xf32>
      %add3A_781 = arith.addf %add3A_774, %gather3A_780 : vector<16xf32>
      %eq3A_782 = arith.constant 5 : i32
      %eq3A_783 = vector.broadcast %eq3A_782 : i32 to vector<16xi32>
      %eq3A_784 = arith.cmpi eq, %iota3A, %eq3A_783 : vector<16xi32>
      %select_n3A_785 = arith.select %eq3A_784, %add3A_781, %select_n3A_753 : vector<16xi1>, vector<16xf32>
      %xor3A_786 = arith.constant 8 : i32
      %xor3A_787 = vector.broadcast %xor3A_786 : i32 to vector<16xi32>
      %xor3A_788 = arith.xori %iota3A, %xor3A_787 : vector<16xi32>
      %reshape3A_789 = vector.shape_cast %xor3A_788 : vector<16xi32> to vector<16x1xi32>
      %gather3A_790 = vector.shape_cast %reshape3A_789 : vector<16x1xi32> to vector<16xi32>
      %gather3A_791 = tpu.dynamic_gather %scan3A_590#6[%gather3A_790] in [0] : vector<16xf32>, vector<16xi32> -> vector<16xf32>
      %add3A_792 = arith.addf %scan3A_590#6, %gather3A_791 : vector<16xf32>
      %xor3A_793 = arith.constant 4 : i32
      %xor3A_794 = vector.broadcast %xor3A_793 : i32 to vector<16xi32>
      %xor3A_795 = arith.xori %iota3A, %xor3A_794 : vector<16xi32>
      %reshape3A_796 = vector.shape_cast %xor3A_795 : vector<16xi32> to vector<16x1xi32>
      %gather3A_797 = vector.shape_cast %reshape3A_796 : vector<16x1xi32> to vector<16xi32>
      %gather3A_798 = tpu.dynamic_gather %add3A_792[%gather3A_797] in [0] : vector<16xf32>, vector<16xi32> -> vector<16xf32>
      %add3A_799 = arith.addf %add3A_792, %gather3A_798 : vector<16xf32>
      %xor3A_800 = arith.constant 2 : i32
      %xor3A_801 = vector.broadcast %xor3A_800 : i32 to vector<16xi32>
      %xor3A_802 = arith.xori %iota3A, %xor3A_801 : vector<16xi32>
      %reshape3A_803 = vector.shape_cast %xor3A_802 : vector<16xi32> to vector<16x1xi32>
      %gather3A_804 = vector.shape_cast %reshape3A_803 : vector<16x1xi32> to vector<16xi32>
      %gather3A_805 = tpu.dynamic_gather %add3A_799[%gather3A_804] in [0] : vector<16xf32>, vector<16xi32> -> vector<16xf32>
      %add3A_806 = arith.addf %add3A_799, %gather3A_805 : vector<16xf32>
      %xor3A_807 = arith.constant 1 : i32
      %xor3A_808 = vector.broadcast %xor3A_807 : i32 to vector<16xi32>
      %xor3A_809 = arith.xori %iota3A, %xor3A_808 : vector<16xi32>
      %reshape3A_810 = vector.shape_cast %xor3A_809 : vector<16xi32> to vector<16x1xi32>
      %gather3A_811 = vector.shape_cast %reshape3A_810 : vector<16x1xi32> to vector<16xi32>
      %gather3A_812 = tpu.dynamic_gather %add3A_806[%gather3A_811] in [0] : vector<16xf32>, vector<16xi32> -> vector<16xf32>
      %add3A_813 = arith.addf %add3A_806, %gather3A_812 : vector<16xf32>
      %eq3A_814 = arith.constant 6 : i32
      %eq3A_815 = vector.broadcast %eq3A_814 : i32 to vector<16xi32>
      %eq3A_816 = arith.cmpi eq, %iota3A, %eq3A_815 : vector<16xi32>
      %select_n3A_817 = arith.select %eq3A_816, %add3A_813, %select_n3A_785 : vector<16xi1>, vector<16xf32>
      %xor3A_818 = arith.constant 8 : i32
      %xor3A_819 = vector.broadcast %xor3A_818 : i32 to vector<16xi32>
      %xor3A_820 = arith.xori %iota3A, %xor3A_819 : vector<16xi32>
      %reshape3A_821 = vector.shape_cast %xor3A_820 : vector<16xi32> to vector<16x1xi32>
      %gather3A_822 = vector.shape_cast %reshape3A_821 : vector<16x1xi32> to vector<16xi32>
      %gather3A_823 = tpu.dynamic_gather %scan3A_590#7[%gather3A_822] in [0] : vector<16xf32>, vector<16xi32> -> vector<16xf32>
      %add3A_824 = arith.addf %scan3A_590#7, %gather3A_823 : vector<16xf32>
      %xor3A_825 = arith.constant 4 : i32
      %xor3A_826 = vector.broadcast %xor3A_825 : i32 to vector<16xi32>
      %xor3A_827 = arith.xori %iota3A, %xor3A_826 : vector<16xi32>
      %reshape3A_828 = vector.shape_cast %xor3A_827 : vector<16xi32> to vector<16x1xi32>
      %gather3A_829 = vector.shape_cast %reshape3A_828 : vector<16x1xi32> to vector<16xi32>
      %gather3A_830 = tpu.dynamic_gather %add3A_824[%gather3A_829] in [0] : vector<16xf32>, vector<16xi32> -> vector<16xf32>
      %add3A_831 = arith.addf %add3A_824, %gather3A_830 : vector<16xf32>
      %xor3A_832 = arith.constant 2 : i32
      %xor3A_833 = vector.broadcast %xor3A_832 : i32 to vector<16xi32>
      %xor3A_834 = arith.xori %iota3A, %xor3A_833 : vector<16xi32>
      %reshape3A_835 = vector.shape_cast %xor3A_834 : vector<16xi32> to vector<16x1xi32>
      %gather3A_836 = vector.shape_cast %reshape3A_835 : vector<16x1xi32> to vector<16xi32>
      %gather3A_837 = tpu.dynamic_gather %add3A_831[%gather3A_836] in [0] : vector<16xf32>, vector<16xi32> -> vector<16xf32>
      %add3A_838 = arith.addf %add3A_831, %gather3A_837 : vector<16xf32>
      %xor3A_839 = arith.constant 1 : i32
      %xor3A_840 = vector.broadcast %xor3A_839 : i32 to vector<16xi32>
      %xor3A_841 = arith.xori %iota3A, %xor3A_840 : vector<16xi32>
      %reshape3A_842 = vector.shape_cast %xor3A_841 : vector<16xi32> to vector<16x1xi32>
      %gather3A_843 = vector.shape_cast %reshape3A_842 : vector<16x1xi32> to vector<16xi32>
      %gather3A_844 = tpu.dynamic_gather %add3A_838[%gather3A_843] in [0] : vector<16xf32>, vector<16xi32> -> vector<16xf32>
      %add3A_845 = arith.addf %add3A_838, %gather3A_844 : vector<16xf32>
      %eq3A_846 = arith.constant 7 : i32
      %eq3A_847 = vector.broadcast %eq3A_846 : i32 to vector<16xi32>
      %eq3A_848 = arith.cmpi eq, %iota3A, %eq3A_847 : vector<16xi32>
      %select_n3A_849 = arith.select %eq3A_848, %add3A_845, %select_n3A_817 : vector<16xi1>, vector<16xf32>
      %xor3A_850 = arith.constant 8 : i32
      %xor3A_851 = vector.broadcast %xor3A_850 : i32 to vector<16xi32>
      %xor3A_852 = arith.xori %iota3A, %xor3A_851 : vector<16xi32>
      %reshape3A_853 = vector.shape_cast %xor3A_852 : vector<16xi32> to vector<16x1xi32>
      %gather3A_854 = vector.shape_cast %reshape3A_853 : vector<16x1xi32> to vector<16xi32>
      %gather3A_855 = tpu.dynamic_gather %scan3A_590#8[%gather3A_854] in [0] : vector<16xf32>, vector<16xi32> -> vector<16xf32>
      %add3A_856 = arith.addf %scan3A_590#8, %gather3A_855 : vector<16xf32>
      %xor3A_857 = arith.constant 4 : i32
      %xor3A_858 = vector.broadcast %xor3A_857 : i32 to vector<16xi32>
      %xor3A_859 = arith.xori %iota3A, %xor3A_858 : vector<16xi32>
      %reshape3A_860 = vector.shape_cast %xor3A_859 : vector<16xi32> to vector<16x1xi32>
      %gather3A_861 = vector.shape_cast %reshape3A_860 : vector<16x1xi32> to vector<16xi32>
      %gather3A_862 = tpu.dynamic_gather %add3A_856[%gather3A_861] in [0] : vector<16xf32>, vector<16xi32> -> vector<16xf32>
      %add3A_863 = arith.addf %add3A_856, %gather3A_862 : vector<16xf32>
      %xor3A_864 = arith.constant 2 : i32
      %xor3A_865 = vector.broadcast %xor3A_864 : i32 to vector<16xi32>
      %xor3A_866 = arith.xori %iota3A, %xor3A_865 : vector<16xi32>
      %reshape3A_867 = vector.shape_cast %xor3A_866 : vector<16xi32> to vector<16x1xi32>
      %gather3A_868 = vector.shape_cast %reshape3A_867 : vector<16x1xi32> to vector<16xi32>
      %gather3A_869 = tpu.dynamic_gather %add3A_863[%gather3A_868] in [0] : vector<16xf32>, vector<16xi32> -> vector<16xf32>
      %add3A_870 = arith.addf %add3A_863, %gather3A_869 : vector<16xf32>
      %xor3A_871 = arith.constant 1 : i32
      %xor3A_872 = vector.broadcast %xor3A_871 : i32 to vector<16xi32>
      %xor3A_873 = arith.xori %iota3A, %xor3A_872 : vector<16xi32>
      %reshape3A_874 = vector.shape_cast %xor3A_873 : vector<16xi32> to vector<16x1xi32>
      %gather3A_875 = vector.shape_cast %reshape3A_874 : vector<16x1xi32> to vector<16xi32>
      %gather3A_876 = tpu.dynamic_gather %add3A_870[%gather3A_875] in [0] : vector<16xf32>, vector<16xi32> -> vector<16xf32>
      %add3A_877 = arith.addf %add3A_870, %gather3A_876 : vector<16xf32>
      %eq3A_878 = arith.constant 8 : i32
      %eq3A_879 = vector.broadcast %eq3A_878 : i32 to vector<16xi32>
      %eq3A_880 = arith.cmpi eq, %iota3A, %eq3A_879 : vector<16xi32>
      %select_n3A_881 = arith.select %eq3A_880, %add3A_877, %select_n3A_849 : vector<16xi1>, vector<16xf32>
      %xor3A_882 = arith.constant 8 : i32
      %xor3A_883 = vector.broadcast %xor3A_882 : i32 to vector<16xi32>
      %xor3A_884 = arith.xori %iota3A, %xor3A_883 : vector<16xi32>
      %reshape3A_885 = vector.shape_cast %xor3A_884 : vector<16xi32> to vector<16x1xi32>
      %gather3A_886 = vector.shape_cast %reshape3A_885 : vector<16x1xi32> to vector<16xi32>
      %gather3A_887 = tpu.dynamic_gather %scan3A_590#9[%gather3A_886] in [0] : vector<16xf32>, vector<16xi32> -> vector<16xf32>
      %add3A_888 = arith.addf %scan3A_590#9, %gather3A_887 : vector<16xf32>
      %xor3A_889 = arith.constant 4 : i32
      %xor3A_890 = vector.broadcast %xor3A_889 : i32 to vector<16xi32>
      %xor3A_891 = arith.xori %iota3A, %xor3A_890 : vector<16xi32>
      %reshape3A_892 = vector.shape_cast %xor3A_891 : vector<16xi32> to vector<16x1xi32>
      %gather3A_893 = vector.shape_cast %reshape3A_892 : vector<16x1xi32> to vector<16xi32>
      %gather3A_894 = tpu.dynamic_gather %add3A_888[%gather3A_893] in [0] : vector<16xf32>, vector<16xi32> -> vector<16xf32>
      %add3A_895 = arith.addf %add3A_888, %gather3A_894 : vector<16xf32>
      %xor3A_896 = arith.constant 2 : i32
      %xor3A_897 = vector.broadcast %xor3A_896 : i32 to vector<16xi32>
      %xor3A_898 = arith.xori %iota3A, %xor3A_897 : vector<16xi32>
      %reshape3A_899 = vector.shape_cast %xor3A_898 : vector<16xi32> to vector<16x1xi32>
      %gather3A_900 = vector.shape_cast %reshape3A_899 : vector<16x1xi32> to vector<16xi32>
      %gather3A_901 = tpu.dynamic_gather %add3A_895[%gather3A_900] in [0] : vector<16xf32>, vector<16xi32> -> vector<16xf32>
      %add3A_902 = arith.addf %add3A_895, %gather3A_901 : vector<16xf32>
      %xor3A_903 = arith.constant 1 : i32
      %xor3A_904 = vector.broadcast %xor3A_903 : i32 to vector<16xi32>
      %xor3A_905 = arith.xori %iota3A, %xor3A_904 : vector<16xi32>
      %reshape3A_906 = vector.shape_cast %xor3A_905 : vector<16xi32> to vector<16x1xi32>
      %gather3A_907 = vector.shape_cast %reshape3A_906 : vector<16x1xi32> to vector<16xi32>
      %gather3A_908 = tpu.dynamic_gather %add3A_902[%gather3A_907] in [0] : vector<16xf32>, vector<16xi32> -> vector<16xf32>
      %add3A_909 = arith.addf %add3A_902, %gather3A_908 : vector<16xf32>
      %eq3A_910 = arith.constant 9 : i32
      %eq3A_911 = vector.broadcast %eq3A_910 : i32 to vector<16xi32>
      %eq3A_912 = arith.cmpi eq, %iota3A, %eq3A_911 : vector<16xi32>
      %select_n3A_913 = arith.select %eq3A_912, %add3A_909, %select_n3A_881 : vector<16xi1>, vector<16xf32>
      %xor3A_914 = arith.constant 8 : i32
      %xor3A_915 = vector.broadcast %xor3A_914 : i32 to vector<16xi32>
      %xor3A_916 = arith.xori %iota3A, %xor3A_915 : vector<16xi32>
      %reshape3A_917 = vector.shape_cast %xor3A_916 : vector<16xi32> to vector<16x1xi32>
      %gather3A_918 = vector.shape_cast %reshape3A_917 : vector<16x1xi32> to vector<16xi32>
      %gather3A_919 = tpu.dynamic_gather %scan3A_590#10[%gather3A_918] in [0] : vector<16xf32>, vector<16xi32> -> vector<16xf32>
      %add3A_920 = arith.addf %scan3A_590#10, %gather3A_919 : vector<16xf32>
      %xor3A_921 = arith.constant 4 : i32
      %xor3A_922 = vector.broadcast %xor3A_921 : i32 to vector<16xi32>
      %xor3A_923 = arith.xori %iota3A, %xor3A_922 : vector<16xi32>
      %reshape3A_924 = vector.shape_cast %xor3A_923 : vector<16xi32> to vector<16x1xi32>
      %gather3A_925 = vector.shape_cast %reshape3A_924 : vector<16x1xi32> to vector<16xi32>
      %gather3A_926 = tpu.dynamic_gather %add3A_920[%gather3A_925] in [0] : vector<16xf32>, vector<16xi32> -> vector<16xf32>
      %add3A_927 = arith.addf %add3A_920, %gather3A_926 : vector<16xf32>
      %xor3A_928 = arith.constant 2 : i32
      %xor3A_929 = vector.broadcast %xor3A_928 : i32 to vector<16xi32>
      %xor3A_930 = arith.xori %iota3A, %xor3A_929 : vector<16xi32>
      %reshape3A_931 = vector.shape_cast %xor3A_930 : vector<16xi32> to vector<16x1xi32>
      %gather3A_932 = vector.shape_cast %reshape3A_931 : vector<16x1xi32> to vector<16xi32>
      %gather3A_933 = tpu.dynamic_gather %add3A_927[%gather3A_932] in [0] : vector<16xf32>, vector<16xi32> -> vector<16xf32>
      %add3A_934 = arith.addf %add3A_927, %gather3A_933 : vector<16xf32>
      %xor3A_935 = arith.constant 1 : i32
      %xor3A_936 = vector.broadcast %xor3A_935 : i32 to vector<16xi32>
      %xor3A_937 = arith.xori %iota3A, %xor3A_936 : vector<16xi32>
      %reshape3A_938 = vector.shape_cast %xor3A_937 : vector<16xi32> to vector<16x1xi32>
      %gather3A_939 = vector.shape_cast %reshape3A_938 : vector<16x1xi32> to vector<16xi32>
      %gather3A_940 = tpu.dynamic_gather %add3A_934[%gather3A_939] in [0] : vector<16xf32>, vector<16xi32> -> vector<16xf32>
      %add3A_941 = arith.addf %add3A_934, %gather3A_940 : vector<16xf32>
      %eq3A_942 = arith.constant 10 : i32
      %eq3A_943 = vector.broadcast %eq3A_942 : i32 to vector<16xi32>
      %eq3A_944 = arith.cmpi eq, %iota3A, %eq3A_943 : vector<16xi32>
      %select_n3A_945 = arith.select %eq3A_944, %add3A_941, %select_n3A_913 : vector<16xi1>, vector<16xf32>
      %xor3A_946 = arith.constant 8 : i32
      %xor3A_947 = vector.broadcast %xor3A_946 : i32 to vector<16xi32>
      %xor3A_948 = arith.xori %iota3A, %xor3A_947 : vector<16xi32>
      %reshape3A_949 = vector.shape_cast %xor3A_948 : vector<16xi32> to vector<16x1xi32>
      %gather3A_950 = vector.shape_cast %reshape3A_949 : vector<16x1xi32> to vector<16xi32>
      %gather3A_951 = tpu.dynamic_gather %scan3A_590#11[%gather3A_950] in [0] : vector<16xf32>, vector<16xi32> -> vector<16xf32>
      %add3A_952 = arith.addf %scan3A_590#11, %gather3A_951 : vector<16xf32>
      %xor3A_953 = arith.constant 4 : i32
      %xor3A_954 = vector.broadcast %xor3A_953 : i32 to vector<16xi32>
      %xor3A_955 = arith.xori %iota3A, %xor3A_954 : vector<16xi32>
      %reshape3A_956 = vector.shape_cast %xor3A_955 : vector<16xi32> to vector<16x1xi32>
      %gather3A_957 = vector.shape_cast %reshape3A_956 : vector<16x1xi32> to vector<16xi32>
      %gather3A_958 = tpu.dynamic_gather %add3A_952[%gather3A_957] in [0] : vector<16xf32>, vector<16xi32> -> vector<16xf32>
      %add3A_959 = arith.addf %add3A_952, %gather3A_958 : vector<16xf32>
      %xor3A_960 = arith.constant 2 : i32
      %xor3A_961 = vector.broadcast %xor3A_960 : i32 to vector<16xi32>
      %xor3A_962 = arith.xori %iota3A, %xor3A_961 : vector<16xi32>
      %reshape3A_963 = vector.shape_cast %xor3A_962 : vector<16xi32> to vector<16x1xi32>
      %gather3A_964 = vector.shape_cast %reshape3A_963 : vector<16x1xi32> to vector<16xi32>
      %gather3A_965 = tpu.dynamic_gather %add3A_959[%gather3A_964] in [0] : vector<16xf32>, vector<16xi32> -> vector<16xf32>
      %add3A_966 = arith.addf %add3A_959, %gather3A_965 : vector<16xf32>
      %xor3A_967 = arith.constant 1 : i32
      %xor3A_968 = vector.broadcast %xor3A_967 : i32 to vector<16xi32>
      %xor3A_969 = arith.xori %iota3A, %xor3A_968 : vector<16xi32>
      %reshape3A_970 = vector.shape_cast %xor3A_969 : vector<16xi32> to vector<16x1xi32>
      %gather3A_971 = vector.shape_cast %reshape3A_970 : vector<16x1xi32> to vector<16xi32>
      %gather3A_972 = tpu.dynamic_gather %add3A_966[%gather3A_971] in [0] : vector<16xf32>, vector<16xi32> -> vector<16xf32>
      %add3A_973 = arith.addf %add3A_966, %gather3A_972 : vector<16xf32>
      %eq3A_974 = arith.constant 11 : i32
      %eq3A_975 = vector.broadcast %eq3A_974 : i32 to vector<16xi32>
      %eq3A_976 = arith.cmpi eq, %iota3A, %eq3A_975 : vector<16xi32>
      %select_n3A_977 = arith.select %eq3A_976, %add3A_973, %select_n3A_945 : vector<16xi1>, vector<16xf32>
      %xor3A_978 = arith.constant 8 : i32
      %xor3A_979 = vector.broadcast %xor3A_978 : i32 to vector<16xi32>
      %xor3A_980 = arith.xori %iota3A, %xor3A_979 : vector<16xi32>
      %reshape3A_981 = vector.shape_cast %xor3A_980 : vector<16xi32> to vector<16x1xi32>
      %gather3A_982 = vector.shape_cast %reshape3A_981 : vector<16x1xi32> to vector<16xi32>
      %gather3A_983 = tpu.dynamic_gather %scan3A_590#12[%gather3A_982] in [0] : vector<16xf32>, vector<16xi32> -> vector<16xf32>
      %add3A_984 = arith.addf %scan3A_590#12, %gather3A_983 : vector<16xf32>
      %xor3A_985 = arith.constant 4 : i32
      %xor3A_986 = vector.broadcast %xor3A_985 : i32 to vector<16xi32>
      %xor3A_987 = arith.xori %iota3A, %xor3A_986 : vector<16xi32>
      %reshape3A_988 = vector.shape_cast %xor3A_987 : vector<16xi32> to vector<16x1xi32>
      %gather3A_989 = vector.shape_cast %reshape3A_988 : vector<16x1xi32> to vector<16xi32>
      %gather3A_990 = tpu.dynamic_gather %add3A_984[%gather3A_989] in [0] : vector<16xf32>, vector<16xi32> -> vector<16xf32>
      %add3A_991 = arith.addf %add3A_984, %gather3A_990 : vector<16xf32>
      %xor3A_992 = arith.constant 2 : i32
      %xor3A_993 = vector.broadcast %xor3A_992 : i32 to vector<16xi32>
      %xor3A_994 = arith.xori %iota3A, %xor3A_993 : vector<16xi32>
      %reshape3A_995 = vector.shape_cast %xor3A_994 : vector<16xi32> to vector<16x1xi32>
      %gather3A_996 = vector.shape_cast %reshape3A_995 : vector<16x1xi32> to vector<16xi32>
      %gather3A_997 = tpu.dynamic_gather %add3A_991[%gather3A_996] in [0] : vector<16xf32>, vector<16xi32> -> vector<16xf32>
      %add3A_998 = arith.addf %add3A_991, %gather3A_997 : vector<16xf32>
      %xor3A_999 = arith.constant 1 : i32
      %xor3A_1000 = vector.broadcast %xor3A_999 : i32 to vector<16xi32>
      %xor3A_1001 = arith.xori %iota3A, %xor3A_1000 : vector<16xi32>
      %reshape3A_1002 = vector.shape_cast %xor3A_1001 : vector<16xi32> to vector<16x1xi32>
      %gather3A_1003 = vector.shape_cast %reshape3A_1002 : vector<16x1xi32> to vector<16xi32>
      %gather3A_1004 = tpu.dynamic_gather %add3A_998[%gather3A_1003] in [0] : vector<16xf32>, vector<16xi32> -> vector<16xf32>
      %add3A_1005 = arith.addf %add3A_998, %gather3A_1004 : vector<16xf32>
      %eq3A_1006 = arith.constant 12 : i32
      %eq3A_1007 = vector.broadcast %eq3A_1006 : i32 to vector<16xi32>
      %eq3A_1008 = arith.cmpi eq, %iota3A, %eq3A_1007 : vector<16xi32>
      %select_n3A_1009 = arith.select %eq3A_1008, %add3A_1005, %select_n3A_977 : vector<16xi1>, vector<16xf32>
      %xor3A_1010 = arith.constant 8 : i32
      %xor3A_1011 = vector.broadcast %xor3A_1010 : i32 to vector<16xi32>
      %xor3A_1012 = arith.xori %iota3A, %xor3A_1011 : vector<16xi32>
      %reshape3A_1013 = vector.shape_cast %xor3A_1012 : vector<16xi32> to vector<16x1xi32>
      %gather3A_1014 = vector.shape_cast %reshape3A_1013 : vector<16x1xi32> to vector<16xi32>
      %gather3A_1015 = tpu.dynamic_gather %scan3A_590#13[%gather3A_1014] in [0] : vector<16xf32>, vector<16xi32> -> vector<16xf32>
      %add3A_1016 = arith.addf %scan3A_590#13, %gather3A_1015 : vector<16xf32>
      %xor3A_1017 = arith.constant 4 : i32
      %xor3A_1018 = vector.broadcast %xor3A_1017 : i32 to vector<16xi32>
      %xor3A_1019 = arith.xori %iota3A, %xor3A_1018 : vector<16xi32>
      %reshape3A_1020 = vector.shape_cast %xor3A_1019 : vector<16xi32> to vector<16x1xi32>
      %gather3A_1021 = vector.shape_cast %reshape3A_1020 : vector<16x1xi32> to vector<16xi32>
      %gather3A_1022 = tpu.dynamic_gather %add3A_1016[%gather3A_1021] in [0] : vector<16xf32>, vector<16xi32> -> vector<16xf32>
      %add3A_1023 = arith.addf %add3A_1016, %gather3A_1022 : vector<16xf32>
      %xor3A_1024 = arith.constant 2 : i32
      %xor3A_1025 = vector.broadcast %xor3A_1024 : i32 to vector<16xi32>
      %xor3A_1026 = arith.xori %iota3A, %xor3A_1025 : vector<16xi32>
      %reshape3A_1027 = vector.shape_cast %xor3A_1026 : vector<16xi32> to vector<16x1xi32>
      %gather3A_1028 = vector.shape_cast %reshape3A_1027 : vector<16x1xi32> to vector<16xi32>
      %gather3A_1029 = tpu.dynamic_gather %add3A_1023[%gather3A_1028] in [0] : vector<16xf32>, vector<16xi32> -> vector<16xf32>
      %add3A_1030 = arith.addf %add3A_1023, %gather3A_1029 : vector<16xf32>
      %xor3A_1031 = arith.constant 1 : i32
      %xor3A_1032 = vector.broadcast %xor3A_1031 : i32 to vector<16xi32>
      %xor3A_1033 = arith.xori %iota3A, %xor3A_1032 : vector<16xi32>
      %reshape3A_1034 = vector.shape_cast %xor3A_1033 : vector<16xi32> to vector<16x1xi32>
      %gather3A_1035 = vector.shape_cast %reshape3A_1034 : vector<16x1xi32> to vector<16xi32>
      %gather3A_1036 = tpu.dynamic_gather %add3A_1030[%gather3A_1035] in [0] : vector<16xf32>, vector<16xi32> -> vector<16xf32>
      %add3A_1037 = arith.addf %add3A_1030, %gather3A_1036 : vector<16xf32>
      %eq3A_1038 = arith.constant 13 : i32
      %eq3A_1039 = vector.broadcast %eq3A_1038 : i32 to vector<16xi32>
      %eq3A_1040 = arith.cmpi eq, %iota3A, %eq3A_1039 : vector<16xi32>
      %select_n3A_1041 = arith.select %eq3A_1040, %add3A_1037, %select_n3A_1009 : vector<16xi1>, vector<16xf32>
      %xor3A_1042 = arith.constant 8 : i32
      %xor3A_1043 = vector.broadcast %xor3A_1042 : i32 to vector<16xi32>
      %xor3A_1044 = arith.xori %iota3A, %xor3A_1043 : vector<16xi32>
      %reshape3A_1045 = vector.shape_cast %xor3A_1044 : vector<16xi32> to vector<16x1xi32>
      %gather3A_1046 = vector.shape_cast %reshape3A_1045 : vector<16x1xi32> to vector<16xi32>
      %gather3A_1047 = tpu.dynamic_gather %scan3A_590#14[%gather3A_1046] in [0] : vector<16xf32>, vector<16xi32> -> vector<16xf32>
      %add3A_1048 = arith.addf %scan3A_590#14, %gather3A_1047 : vector<16xf32>
      %xor3A_1049 = arith.constant 4 : i32
      %xor3A_1050 = vector.broadcast %xor3A_1049 : i32 to vector<16xi32>
      %xor3A_1051 = arith.xori %iota3A, %xor3A_1050 : vector<16xi32>
      %reshape3A_1052 = vector.shape_cast %xor3A_1051 : vector<16xi32> to vector<16x1xi32>
      %gather3A_1053 = vector.shape_cast %reshape3A_1052 : vector<16x1xi32> to vector<16xi32>
      %gather3A_1054 = tpu.dynamic_gather %add3A_1048[%gather3A_1053] in [0] : vector<16xf32>, vector<16xi32> -> vector<16xf32>
      %add3A_1055 = arith.addf %add3A_1048, %gather3A_1054 : vector<16xf32>
      %xor3A_1056 = arith.constant 2 : i32
      %xor3A_1057 = vector.broadcast %xor3A_1056 : i32 to vector<16xi32>
      %xor3A_1058 = arith.xori %iota3A, %xor3A_1057 : vector<16xi32>
      %reshape3A_1059 = vector.shape_cast %xor3A_1058 : vector<16xi32> to vector<16x1xi32>
      %gather3A_1060 = vector.shape_cast %reshape3A_1059 : vector<16x1xi32> to vector<16xi32>
      %gather3A_1061 = tpu.dynamic_gather %add3A_1055[%gather3A_1060] in [0] : vector<16xf32>, vector<16xi32> -> vector<16xf32>
      %add3A_1062 = arith.addf %add3A_1055, %gather3A_1061 : vector<16xf32>
      %xor3A_1063 = arith.constant 1 : i32
      %xor3A_1064 = vector.broadcast %xor3A_1063 : i32 to vector<16xi32>
      %xor3A_1065 = arith.xori %iota3A, %xor3A_1064 : vector<16xi32>
      %reshape3A_1066 = vector.shape_cast %xor3A_1065 : vector<16xi32> to vector<16x1xi32>
      %gather3A_1067 = vector.shape_cast %reshape3A_1066 : vector<16x1xi32> to vector<16xi32>
      %gather3A_1068 = tpu.dynamic_gather %add3A_1062[%gather3A_1067] in [0] : vector<16xf32>, vector<16xi32> -> vector<16xf32>
      %add3A_1069 = arith.addf %add3A_1062, %gather3A_1068 : vector<16xf32>
      %eq3A_1070 = arith.constant 14 : i32
      %eq3A_1071 = vector.broadcast %eq3A_1070 : i32 to vector<16xi32>
      %eq3A_1072 = arith.cmpi eq, %iota3A, %eq3A_1071 : vector<16xi32>
      %select_n3A_1073 = arith.select %eq3A_1072, %add3A_1069, %select_n3A_1041 : vector<16xi1>, vector<16xf32>
      %xor3A_1074 = arith.constant 8 : i32
      %xor3A_1075 = vector.broadcast %xor3A_1074 : i32 to vector<16xi32>
      %xor3A_1076 = arith.xori %iota3A, %xor3A_1075 : vector<16xi32>
      %reshape3A_1077 = vector.shape_cast %xor3A_1076 : vector<16xi32> to vector<16x1xi32>
      %gather3A_1078 = vector.shape_cast %reshape3A_1077 : vector<16x1xi32> to vector<16xi32>
      %gather3A_1079 = tpu.dynamic_gather %scan3A_590#15[%gather3A_1078] in [0] : vector<16xf32>, vector<16xi32> -> vector<16xf32>
      %add3A_1080 = arith.addf %scan3A_590#15, %gather3A_1079 : vector<16xf32>
      %xor3A_1081 = arith.constant 4 : i32
      %xor3A_1082 = vector.broadcast %xor3A_1081 : i32 to vector<16xi32>
      %xor3A_1083 = arith.xori %iota3A, %xor3A_1082 : vector<16xi32>
      %reshape3A_1084 = vector.shape_cast %xor3A_1083 : vector<16xi32> to vector<16x1xi32>
      %gather3A_1085 = vector.shape_cast %reshape3A_1084 : vector<16x1xi32> to vector<16xi32>
      %gather3A_1086 = tpu.dynamic_gather %add3A_1080[%gather3A_1085] in [0] : vector<16xf32>, vector<16xi32> -> vector<16xf32>
      %add3A_1087 = arith.addf %add3A_1080, %gather3A_1086 : vector<16xf32>
      %xor3A_1088 = arith.constant 2 : i32
      %xor3A_1089 = vector.broadcast %xor3A_1088 : i32 to vector<16xi32>
      %xor3A_1090 = arith.xori %iota3A, %xor3A_1089 : vector<16xi32>
      %reshape3A_1091 = vector.shape_cast %xor3A_1090 : vector<16xi32> to vector<16x1xi32>
      %gather3A_1092 = vector.shape_cast %reshape3A_1091 : vector<16x1xi32> to vector<16xi32>
      %gather3A_1093 = tpu.dynamic_gather %add3A_1087[%gather3A_1092] in [0] : vector<16xf32>, vector<16xi32> -> vector<16xf32>
      %add3A_1094 = arith.addf %add3A_1087, %gather3A_1093 : vector<16xf32>
      %xor3A_1095 = arith.constant 1 : i32
      %xor3A_1096 = vector.broadcast %xor3A_1095 : i32 to vector<16xi32>
      %xor3A_1097 = arith.xori %iota3A, %xor3A_1096 : vector<16xi32>
      %reshape3A_1098 = vector.shape_cast %xor3A_1097 : vector<16xi32> to vector<16x1xi32>
      %gather3A_1099 = vector.shape_cast %reshape3A_1098 : vector<16x1xi32> to vector<16xi32>
      %gather3A_1100 = tpu.dynamic_gather %add3A_1094[%gather3A_1099] in [0] : vector<16xf32>, vector<16xi32> -> vector<16xf32>
      %add3A_1101 = arith.addf %add3A_1094, %gather3A_1100 : vector<16xf32>
      %eq3A_1102 = arith.constant 15 : i32
      %eq3A_1103 = vector.broadcast %eq3A_1102 : i32 to vector<16xi32>
      %eq3A_1104 = arith.cmpi eq, %iota3A, %eq3A_1103 : vector<16xi32>
      %select_n3A_1105 = arith.select %eq3A_1104, %add3A_1101, %select_n3A_1073 : vector<16xi1>, vector<16xf32>
      %mul3A_1106 = arith.constant 40 : i32
      %mul3A_1107 = arith.muli %scan3A_38, %mul3A_1106 : i32
      %add3A_1108 = arith.constant 16 : i32
      %add3A_1109 = arith.addi %mul3A_1107, %add3A_1108 : i32
      %swap3A_1110 = arith.index_cast %add3A_1109 : i32 to index
      %swap3A_1111 = tpu.vector_load %arg8[%swap3A_1110] {strides = array<i32>} : memref<200xf32, #tpu.memory_space<vmem>>, vector<16xf32>,
      %swap3A_1112 = vector.shape_cast %swap3A_1111 : vector<16xf32> to vector<16xf32>
      %swap3A_1113 = vector.shape_cast %select_n3A_1105 : vector<16xf32> to vector<16xf32>
      tpu.vector_store %arg8[%swap3A_1110], %swap3A_1113 {strides = array<i32>} : memref<200xf32, #tpu.memory_space<vmem>>, vector<16xf32>,
      %broadcast_in_dim3A_1114 = arith.constant 0.000000e+00 : f32
      %broadcast_in_dim3A_1115 = vector.broadcast %broadcast_in_dim3A_1114 : f32 to vector<16xf32>
      %scan3A_1116 = arith.constant 0 : i32
      %scan3A_1117 = arith.constant 32 : i32
      %scan3A_1118 = arith.addi %scan3A_1116, %scan3A_1117 : i32
      %scan3A_1119 = arith.constant 1 : i32
      %scan3A_1120:16 = scf.for %scan3A_1644 = %scan3A_1116 to %scan3A_1118 step %scan3A_1119 iter_args(%scan3A_1645 = %broadcast_in_dim3A_1115, %scan3A_1646 = %broadcast_in_dim3A_1115, %scan3A_1647 = %broadcast_in_dim3A_1115, %scan3A_1648 = %broadcast_in_dim3A_1115, %scan3A_1649 = %broadcast_in_dim3A_1115, %scan3A_1650 = %broadcast_in_dim3A_1115, %scan3A_1651 = %broadcast_in_dim3A_1115, %scan3A_1652 = %broadcast_in_dim3A_1115, %scan3A_1653 = %broadcast_in_dim3A_1115, %scan3A_1654 = %broadcast_in_dim3A_1115, %scan3A_1655 = %broadcast_in_dim3A_1115, %scan3A_1656 = %broadcast_in_dim3A_1115, %scan3A_1657 = %broadcast_in_dim3A_1115, %scan3A_1658 = %broadcast_in_dim3A_1115, %scan3A_1659 = %broadcast_in_dim3A_1115, %scan3A_1660 = %broadcast_in_dim3A_1115) -> (vector<16xf32>, vector<16xf32>, vector<16xf32>, vector<16xf32>, vector<16xf32>, vector<16xf32>, vector<16xf32>, vector<16xf32>, vector<16xf32>, vector<16xf32>, vector<16xf32>, vector<16xf32>, vector<16xf32>, vector<16xf32>, vector<16xf32>, vector<16xf32>)  : i32 {
        %mul3A_1661 = arith.constant 16 : i32
        %mul3A_1662 = arith.muli %scan3A_1644, %mul3A_1661 : i32
        %get3A = arith.index_cast %mul3A_1662 : i32 to index
        %get3A_1663 = tpu.vector_load %arg6[%get3A] {strides = array<i32>} : memref<512xf32, #tpu.memory_space<vmem>>, vector<16xf32>,
        %get3A_1664 = vector.shape_cast %get3A_1663 : vector<16xf32> to vector<16xf32>
        %mul3A_1665 = arith.constant 16 : i32
        %mul3A_1666 = arith.muli %scan3A_1644, %mul3A_1665 : i32
        %get3A_1667 = arith.constant 24 : i32
        %get3A_1668 = arith.index_cast %rem3A_39 : i32 to index
        %get3A_1669 = arith.index_cast %get3A_1667 : i32 to index
        %get3A_1670 = arith.index_cast %mul3A_1666 : i32 to index
        %get3A_1671 = tpu.vector_load %arg5[%get3A_1668, %get3A_1669, %get3A_1670] {strides = array<i32>} : memref<2x40x512xf32, #tpu.memory_space<vmem>>, vector<1x1x16xf32>,
        %get3A_1672 = vector.shape_cast %get3A_1671 : vector<1x1x16xf32> to vector<16xf32>
        %max3A = arith.constant 0.000000e+00 : f32
        %max3A_1673 = vector.broadcast %max3A : f32 to vector<16xf32>
        %max3A_1674 = arith.maximumf %get3A_1672, %max3A_1673 : vector<16xf32>
        %mul3A_1675 = arith.mulf %max3A_1674, %get3A_1664 : vector<16xf32>
        %add3A_1676 = arith.addf %scan3A_1645, %mul3A_1675 : vector<16xf32>
        %mul3A_1677 = arith.constant 16 : i32
        %mul3A_1678 = arith.muli %scan3A_1644, %mul3A_1677 : i32
        %get3A_1679 = arith.constant 25 : i32
        %get3A_1680 = arith.index_cast %rem3A_39 : i32 to index
        %get3A_1681 = arith.index_cast %get3A_1679 : i32 to index
        %get3A_1682 = arith.index_cast %mul3A_1678 : i32 to index
        %get3A_1683 = tpu.vector_load %arg5[%get3A_1680, %get3A_1681, %get3A_1682] {strides = array<i32>} : memref<2x40x512xf32, #tpu.memory_space<vmem>>, vector<1x1x16xf32>,
        %get3A_1684 = vector.shape_cast %get3A_1683 : vector<1x1x16xf32> to vector<16xf32>
        %max3A_1685 = arith.constant 0.000000e+00 : f32
        %max3A_1686 = vector.broadcast %max3A_1685 : f32 to vector<16xf32>
        %max3A_1687 = arith.maximumf %get3A_1684, %max3A_1686 : vector<16xf32>
        %mul3A_1688 = arith.mulf %max3A_1687, %get3A_1664 : vector<16xf32>
        %add3A_1689 = arith.addf %scan3A_1646, %mul3A_1688 : vector<16xf32>
        %mul3A_1690 = arith.constant 16 : i32
        %mul3A_1691 = arith.muli %scan3A_1644, %mul3A_1690 : i32
        %get3A_1692 = arith.constant 26 : i32
        %get3A_1693 = arith.index_cast %rem3A_39 : i32 to index
        %get3A_1694 = arith.index_cast %get3A_1692 : i32 to index
        %get3A_1695 = arith.index_cast %mul3A_1691 : i32 to index
        %get3A_1696 = tpu.vector_load %arg5[%get3A_1693, %get3A_1694, %get3A_1695] {strides = array<i32>} : memref<2x40x512xf32, #tpu.memory_space<vmem>>, vector<1x1x16xf32>,
        %get3A_1697 = vector.shape_cast %get3A_1696 : vector<1x1x16xf32> to vector<16xf32>
        %max3A_1698 = arith.constant 0.000000e+00 : f32
        %max3A_1699 = vector.broadcast %max3A_1698 : f32 to vector<16xf32>
        %max3A_1700 = arith.maximumf %get3A_1697, %max3A_1699 : vector<16xf32>
        %mul3A_1701 = arith.mulf %max3A_1700, %get3A_1664 : vector<16xf32>
        %add3A_1702 = arith.addf %scan3A_1647, %mul3A_1701 : vector<16xf32>
        %mul3A_1703 = arith.constant 16 : i32
        %mul3A_1704 = arith.muli %scan3A_1644, %mul3A_1703 : i32
        %get3A_1705 = arith.constant 27 : i32
        %get3A_1706 = arith.index_cast %rem3A_39 : i32 to index
        %get3A_1707 = arith.index_cast %get3A_1705 : i32 to index
        %get3A_1708 = arith.index_cast %mul3A_1704 : i32 to index
        %get3A_1709 = tpu.vector_load %arg5[%get3A_1706, %get3A_1707, %get3A_1708] {strides = array<i32>} : memref<2x40x512xf32, #tpu.memory_space<vmem>>, vector<1x1x16xf32>,
        %get3A_1710 = vector.shape_cast %get3A_1709 : vector<1x1x16xf32> to vector<16xf32>
        %max3A_1711 = arith.constant 0.000000e+00 : f32
        %max3A_1712 = vector.broadcast %max3A_1711 : f32 to vector<16xf32>
        %max3A_1713 = arith.maximumf %get3A_1710, %max3A_1712 : vector<16xf32>
        %mul3A_1714 = arith.mulf %max3A_1713, %get3A_1664 : vector<16xf32>
        %add3A_1715 = arith.addf %scan3A_1648, %mul3A_1714 : vector<16xf32>
        %mul3A_1716 = arith.constant 16 : i32
        %mul3A_1717 = arith.muli %scan3A_1644, %mul3A_1716 : i32
        %get3A_1718 = arith.constant 28 : i32
        %get3A_1719 = arith.index_cast %rem3A_39 : i32 to index
        %get3A_1720 = arith.index_cast %get3A_1718 : i32 to index
        %get3A_1721 = arith.index_cast %mul3A_1717 : i32 to index
        %get3A_1722 = tpu.vector_load %arg5[%get3A_1719, %get3A_1720, %get3A_1721] {strides = array<i32>} : memref<2x40x512xf32, #tpu.memory_space<vmem>>, vector<1x1x16xf32>,
        %get3A_1723 = vector.shape_cast %get3A_1722 : vector<1x1x16xf32> to vector<16xf32>
        %max3A_1724 = arith.constant 0.000000e+00 : f32
        %max3A_1725 = vector.broadcast %max3A_1724 : f32 to vector<16xf32>
        %max3A_1726 = arith.maximumf %get3A_1723, %max3A_1725 : vector<16xf32>
        %mul3A_1727 = arith.mulf %max3A_1726, %get3A_1664 : vector<16xf32>
        %add3A_1728 = arith.addf %scan3A_1649, %mul3A_1727 : vector<16xf32>
        %mul3A_1729 = arith.constant 16 : i32
        %mul3A_1730 = arith.muli %scan3A_1644, %mul3A_1729 : i32
        %get3A_1731 = arith.constant 29 : i32
        %get3A_1732 = arith.index_cast %rem3A_39 : i32 to index
        %get3A_1733 = arith.index_cast %get3A_1731 : i32 to index
        %get3A_1734 = arith.index_cast %mul3A_1730 : i32 to index
        %get3A_1735 = tpu.vector_load %arg5[%get3A_1732, %get3A_1733, %get3A_1734] {strides = array<i32>} : memref<2x40x512xf32, #tpu.memory_space<vmem>>, vector<1x1x16xf32>,
        %get3A_1736 = vector.shape_cast %get3A_1735 : vector<1x1x16xf32> to vector<16xf32>
        %max3A_1737 = arith.constant 0.000000e+00 : f32
        %max3A_1738 = vector.broadcast %max3A_1737 : f32 to vector<16xf32>
        %max3A_1739 = arith.maximumf %get3A_1736, %max3A_1738 : vector<16xf32>
        %mul3A_1740 = arith.mulf %max3A_1739, %get3A_1664 : vector<16xf32>
        %add3A_1741 = arith.addf %scan3A_1650, %mul3A_1740 : vector<16xf32>
        %mul3A_1742 = arith.constant 16 : i32
        %mul3A_1743 = arith.muli %scan3A_1644, %mul3A_1742 : i32
        %get3A_1744 = arith.constant 30 : i32
        %get3A_1745 = arith.index_cast %rem3A_39 : i32 to index
        %get3A_1746 = arith.index_cast %get3A_1744 : i32 to index
        %get3A_1747 = arith.index_cast %mul3A_1743 : i32 to index
        %get3A_1748 = tpu.vector_load %arg5[%get3A_1745, %get3A_1746, %get3A_1747] {strides = array<i32>} : memref<2x40x512xf32, #tpu.memory_space<vmem>>, vector<1x1x16xf32>,
        %get3A_1749 = vector.shape_cast %get3A_1748 : vector<1x1x16xf32> to vector<16xf32>
        %max3A_1750 = arith.constant 0.000000e+00 : f32
        %max3A_1751 = vector.broadcast %max3A_1750 : f32 to vector<16xf32>
        %max3A_1752 = arith.maximumf %get3A_1749, %max3A_1751 : vector<16xf32>
        %mul3A_1753 = arith.mulf %max3A_1752, %get3A_1664 : vector<16xf32>
        %add3A_1754 = arith.addf %scan3A_1651, %mul3A_1753 : vector<16xf32>
        %mul3A_1755 = arith.constant 16 : i32
        %mul3A_1756 = arith.muli %scan3A_1644, %mul3A_1755 : i32
        %get3A_1757 = arith.constant 31 : i32
        %get3A_1758 = arith.index_cast %rem3A_39 : i32 to index
        %get3A_1759 = arith.index_cast %get3A_1757 : i32 to index
        %get3A_1760 = arith.index_cast %mul3A_1756 : i32 to index
        %get3A_1761 = tpu.vector_load %arg5[%get3A_1758, %get3A_1759, %get3A_1760] {strides = array<i32>} : memref<2x40x512xf32, #tpu.memory_space<vmem>>, vector<1x1x16xf32>,
        %get3A_1762 = vector.shape_cast %get3A_1761 : vector<1x1x16xf32> to vector<16xf32>
        %max3A_1763 = arith.constant 0.000000e+00 : f32
        %max3A_1764 = vector.broadcast %max3A_1763 : f32 to vector<16xf32>
        %max3A_1765 = arith.maximumf %get3A_1762, %max3A_1764 : vector<16xf32>
        %mul3A_1766 = arith.mulf %max3A_1765, %get3A_1664 : vector<16xf32>
        %add3A_1767 = arith.addf %scan3A_1652, %mul3A_1766 : vector<16xf32>
        %mul3A_1768 = arith.constant 16 : i32
        %mul3A_1769 = arith.muli %scan3A_1644, %mul3A_1768 : i32
        %get3A_1770 = arith.constant 32 : i32
        %get3A_1771 = arith.index_cast %rem3A_39 : i32 to index
        %get3A_1772 = arith.index_cast %get3A_1770 : i32 to index
        %get3A_1773 = arith.index_cast %mul3A_1769 : i32 to index
        %get3A_1774 = tpu.vector_load %arg5[%get3A_1771, %get3A_1772, %get3A_1773] {strides = array<i32>} : memref<2x40x512xf32, #tpu.memory_space<vmem>>, vector<1x1x16xf32>,
        %get3A_1775 = vector.shape_cast %get3A_1774 : vector<1x1x16xf32> to vector<16xf32>
        %max3A_1776 = arith.constant 0.000000e+00 : f32
        %max3A_1777 = vector.broadcast %max3A_1776 : f32 to vector<16xf32>
        %max3A_1778 = arith.maximumf %get3A_1775, %max3A_1777 : vector<16xf32>
        %mul3A_1779 = arith.mulf %max3A_1778, %get3A_1664 : vector<16xf32>
        %add3A_1780 = arith.addf %scan3A_1653, %mul3A_1779 : vector<16xf32>
        %mul3A_1781 = arith.constant 16 : i32
        %mul3A_1782 = arith.muli %scan3A_1644, %mul3A_1781 : i32
        %get3A_1783 = arith.constant 33 : i32
        %get3A_1784 = arith.index_cast %rem3A_39 : i32 to index
        %get3A_1785 = arith.index_cast %get3A_1783 : i32 to index
        %get3A_1786 = arith.index_cast %mul3A_1782 : i32 to index
        %get3A_1787 = tpu.vector_load %arg5[%get3A_1784, %get3A_1785, %get3A_1786] {strides = array<i32>} : memref<2x40x512xf32, #tpu.memory_space<vmem>>, vector<1x1x16xf32>,
        %get3A_1788 = vector.shape_cast %get3A_1787 : vector<1x1x16xf32> to vector<16xf32>
        %max3A_1789 = arith.constant 0.000000e+00 : f32
        %max3A_1790 = vector.broadcast %max3A_1789 : f32 to vector<16xf32>
        %max3A_1791 = arith.maximumf %get3A_1788, %max3A_1790 : vector<16xf32>
        %mul3A_1792 = arith.mulf %max3A_1791, %get3A_1664 : vector<16xf32>
        %add3A_1793 = arith.addf %scan3A_1654, %mul3A_1792 : vector<16xf32>
        %mul3A_1794 = arith.constant 16 : i32
        %mul3A_1795 = arith.muli %scan3A_1644, %mul3A_1794 : i32
        %get3A_1796 = arith.constant 34 : i32
        %get3A_1797 = arith.index_cast %rem3A_39 : i32 to index
        %get3A_1798 = arith.index_cast %get3A_1796 : i32 to index
        %get3A_1799 = arith.index_cast %mul3A_1795 : i32 to index
        %get3A_1800 = tpu.vector_load %arg5[%get3A_1797, %get3A_1798, %get3A_1799] {strides = array<i32>} : memref<2x40x512xf32, #tpu.memory_space<vmem>>, vector<1x1x16xf32>,
        %get3A_1801 = vector.shape_cast %get3A_1800 : vector<1x1x16xf32> to vector<16xf32>
        %max3A_1802 = arith.constant 0.000000e+00 : f32
        %max3A_1803 = vector.broadcast %max3A_1802 : f32 to vector<16xf32>
        %max3A_1804 = arith.maximumf %get3A_1801, %max3A_1803 : vector<16xf32>
        %mul3A_1805 = arith.mulf %max3A_1804, %get3A_1664 : vector<16xf32>
        %add3A_1806 = arith.addf %scan3A_1655, %mul3A_1805 : vector<16xf32>
        %mul3A_1807 = arith.constant 16 : i32
        %mul3A_1808 = arith.muli %scan3A_1644, %mul3A_1807 : i32
        %get3A_1809 = arith.constant 35 : i32
        %get3A_1810 = arith.index_cast %rem3A_39 : i32 to index
        %get3A_1811 = arith.index_cast %get3A_1809 : i32 to index
        %get3A_1812 = arith.index_cast %mul3A_1808 : i32 to index
        %get3A_1813 = tpu.vector_load %arg5[%get3A_1810, %get3A_1811, %get3A_1812] {strides = array<i32>} : memref<2x40x512xf32, #tpu.memory_space<vmem>>, vector<1x1x16xf32>,
        %get3A_1814 = vector.shape_cast %get3A_1813 : vector<1x1x16xf32> to vector<16xf32>
        %max3A_1815 = arith.constant 0.000000e+00 : f32
        %max3A_1816 = vector.broadcast %max3A_1815 : f32 to vector<16xf32>
        %max3A_1817 = arith.maximumf %get3A_1814, %max3A_1816 : vector<16xf32>
        %mul3A_1818 = arith.mulf %max3A_1817, %get3A_1664 : vector<16xf32>
        %add3A_1819 = arith.addf %scan3A_1656, %mul3A_1818 : vector<16xf32>
        %mul3A_1820 = arith.constant 16 : i32
        %mul3A_1821 = arith.muli %scan3A_1644, %mul3A_1820 : i32
        %get3A_1822 = arith.constant 36 : i32
        %get3A_1823 = arith.index_cast %rem3A_39 : i32 to index
        %get3A_1824 = arith.index_cast %get3A_1822 : i32 to index
        %get3A_1825 = arith.index_cast %mul3A_1821 : i32 to index
        %get3A_1826 = tpu.vector_load %arg5[%get3A_1823, %get3A_1824, %get3A_1825] {strides = array<i32>} : memref<2x40x512xf32, #tpu.memory_space<vmem>>, vector<1x1x16xf32>,
        %get3A_1827 = vector.shape_cast %get3A_1826 : vector<1x1x16xf32> to vector<16xf32>
        %max3A_1828 = arith.constant 0.000000e+00 : f32
        %max3A_1829 = vector.broadcast %max3A_1828 : f32 to vector<16xf32>
        %max3A_1830 = arith.maximumf %get3A_1827, %max3A_1829 : vector<16xf32>
        %mul3A_1831 = arith.mulf %max3A_1830, %get3A_1664 : vector<16xf32>
        %add3A_1832 = arith.addf %scan3A_1657, %mul3A_1831 : vector<16xf32>
        %mul3A_1833 = arith.constant 16 : i32
        %mul3A_1834 = arith.muli %scan3A_1644, %mul3A_1833 : i32
        %get3A_1835 = arith.constant 37 : i32
        %get3A_1836 = arith.index_cast %rem3A_39 : i32 to index
        %get3A_1837 = arith.index_cast %get3A_1835 : i32 to index
        %get3A_1838 = arith.index_cast %mul3A_1834 : i32 to index
        %get3A_1839 = tpu.vector_load %arg5[%get3A_1836, %get3A_1837, %get3A_1838] {strides = array<i32>} : memref<2x40x512xf32, #tpu.memory_space<vmem>>, vector<1x1x16xf32>,
        %get3A_1840 = vector.shape_cast %get3A_1839 : vector<1x1x16xf32> to vector<16xf32>
        %max3A_1841 = arith.constant 0.000000e+00 : f32
        %max3A_1842 = vector.broadcast %max3A_1841 : f32 to vector<16xf32>
        %max3A_1843 = arith.maximumf %get3A_1840, %max3A_1842 : vector<16xf32>
        %mul3A_1844 = arith.mulf %max3A_1843, %get3A_1664 : vector<16xf32>
        %add3A_1845 = arith.addf %scan3A_1658, %mul3A_1844 : vector<16xf32>
        %mul3A_1846 = arith.constant 16 : i32
        %mul3A_1847 = arith.muli %scan3A_1644, %mul3A_1846 : i32
        %get3A_1848 = arith.constant 38 : i32
        %get3A_1849 = arith.index_cast %rem3A_39 : i32 to index
        %get3A_1850 = arith.index_cast %get3A_1848 : i32 to index
        %get3A_1851 = arith.index_cast %mul3A_1847 : i32 to index
        %get3A_1852 = tpu.vector_load %arg5[%get3A_1849, %get3A_1850, %get3A_1851] {strides = array<i32>} : memref<2x40x512xf32, #tpu.memory_space<vmem>>, vector<1x1x16xf32>,
        %get3A_1853 = vector.shape_cast %get3A_1852 : vector<1x1x16xf32> to vector<16xf32>
        %max3A_1854 = arith.constant 0.000000e+00 : f32
        %max3A_1855 = vector.broadcast %max3A_1854 : f32 to vector<16xf32>
        %max3A_1856 = arith.maximumf %get3A_1853, %max3A_1855 : vector<16xf32>
        %mul3A_1857 = arith.mulf %max3A_1856, %get3A_1664 : vector<16xf32>
        %add3A_1858 = arith.addf %scan3A_1659, %mul3A_1857 : vector<16xf32>
        %mul3A_1859 = arith.constant 16 : i32
        %mul3A_1860 = arith.muli %scan3A_1644, %mul3A_1859 : i32
        %get3A_1861 = arith.constant 39 : i32
        %get3A_1862 = arith.index_cast %rem3A_39 : i32 to index
        %get3A_1863 = arith.index_cast %get3A_1861 : i32 to index
        %get3A_1864 = arith.index_cast %mul3A_1860 : i32 to index
        %get3A_1865 = tpu.vector_load %arg5[%get3A_1862, %get3A_1863, %get3A_1864] {strides = array<i32>} : memref<2x40x512xf32, #tpu.memory_space<vmem>>, vector<1x1x16xf32>,
        %get3A_1866 = vector.shape_cast %get3A_1865 : vector<1x1x16xf32> to vector<16xf32>
        %max3A_1867 = arith.constant 0.000000e+00 : f32
        %max3A_1868 = vector.broadcast %max3A_1867 : f32 to vector<16xf32>
        %max3A_1869 = arith.maximumf %get3A_1866, %max3A_1868 : vector<16xf32>
        %mul3A_1870 = arith.mulf %max3A_1869, %get3A_1664 : vector<16xf32>
        %add3A_1871 = arith.addf %scan3A_1660, %mul3A_1870 : vector<16xf32>
        scf.yield %add3A_1676, %add3A_1689, %add3A_1702, %add3A_1715, %add3A_1728, %add3A_1741, %add3A_1754, %add3A_1767, %add3A_1780, %add3A_1793, %add3A_1806, %add3A_1819, %add3A_1832, %add3A_1845, %add3A_1858, %add3A_1871 : vector<16xf32>, vector<16xf32>, vector<16xf32>, vector<16xf32>, vector<16xf32>, vector<16xf32>, vector<16xf32>, vector<16xf32>, vector<16xf32>, vector<16xf32>, vector<16xf32>, vector<16xf32>, vector<16xf32>, vector<16xf32>, vector<16xf32>, vector<16xf32>
      }
      %scan3A_1121 = arith.constant 32 : i32
      %broadcast_in_dim3A_1122 = arith.constant 0.000000e+00 : f32
      %broadcast_in_dim3A_1123 = vector.broadcast %broadcast_in_dim3A_1122 : f32 to vector<16xf32>
      %xor3A_1124 = arith.constant 8 : i32
      %xor3A_1125 = vector.broadcast %xor3A_1124 : i32 to vector<16xi32>
      %xor3A_1126 = arith.xori %iota3A, %xor3A_1125 : vector<16xi32>
      %reshape3A_1127 = vector.shape_cast %xor3A_1126 : vector<16xi32> to vector<16x1xi32>
      %gather3A_1128 = vector.shape_cast %reshape3A_1127 : vector<16x1xi32> to vector<16xi32>
      %gather3A_1129 = tpu.dynamic_gather %scan3A_1120#0[%gather3A_1128] in [0] : vector<16xf32>, vector<16xi32> -> vector<16xf32>
      %add3A_1130 = arith.addf %scan3A_1120#0, %gather3A_1129 : vector<16xf32>
      %xor3A_1131 = arith.constant 4 : i32
      %xor3A_1132 = vector.broadcast %xor3A_1131 : i32 to vector<16xi32>
      %xor3A_1133 = arith.xori %iota3A, %xor3A_1132 : vector<16xi32>
      %reshape3A_1134 = vector.shape_cast %xor3A_1133 : vector<16xi32> to vector<16x1xi32>
      %gather3A_1135 = vector.shape_cast %reshape3A_1134 : vector<16x1xi32> to vector<16xi32>
      %gather3A_1136 = tpu.dynamic_gather %add3A_1130[%gather3A_1135] in [0] : vector<16xf32>, vector<16xi32> -> vector<16xf32>
      %add3A_1137 = arith.addf %add3A_1130, %gather3A_1136 : vector<16xf32>
      %xor3A_1138 = arith.constant 2 : i32
      %xor3A_1139 = vector.broadcast %xor3A_1138 : i32 to vector<16xi32>
      %xor3A_1140 = arith.xori %iota3A, %xor3A_1139 : vector<16xi32>
      %reshape3A_1141 = vector.shape_cast %xor3A_1140 : vector<16xi32> to vector<16x1xi32>
      %gather3A_1142 = vector.shape_cast %reshape3A_1141 : vector<16x1xi32> to vector<16xi32>
      %gather3A_1143 = tpu.dynamic_gather %add3A_1137[%gather3A_1142] in [0] : vector<16xf32>, vector<16xi32> -> vector<16xf32>
      %add3A_1144 = arith.addf %add3A_1137, %gather3A_1143 : vector<16xf32>
      %xor3A_1145 = arith.constant 1 : i32
      %xor3A_1146 = vector.broadcast %xor3A_1145 : i32 to vector<16xi32>
      %xor3A_1147 = arith.xori %iota3A, %xor3A_1146 : vector<16xi32>
      %reshape3A_1148 = vector.shape_cast %xor3A_1147 : vector<16xi32> to vector<16x1xi32>
      %gather3A_1149 = vector.shape_cast %reshape3A_1148 : vector<16x1xi32> to vector<16xi32>
      %gather3A_1150 = tpu.dynamic_gather %add3A_1144[%gather3A_1149] in [0] : vector<16xf32>, vector<16xi32> -> vector<16xf32>
      %add3A_1151 = arith.addf %add3A_1144, %gather3A_1150 : vector<16xf32>
      %eq3A_1152 = arith.constant 0 : i32
      %eq3A_1153 = vector.broadcast %eq3A_1152 : i32 to vector<16xi32>
      %eq3A_1154 = arith.cmpi eq, %iota3A, %eq3A_1153 : vector<16xi32>
      %select_n3A_1155 = arith.select %eq3A_1154, %add3A_1151, %broadcast_in_dim3A_1123 : vector<16xi1>, vector<16xf32>
      %xor3A_1156 = arith.constant 8 : i32
      %xor3A_1157 = vector.broadcast %xor3A_1156 : i32 to vector<16xi32>
      %xor3A_1158 = arith.xori %iota3A, %xor3A_1157 : vector<16xi32>
      %reshape3A_1159 = vector.shape_cast %xor3A_1158 : vector<16xi32> to vector<16x1xi32>
      %gather3A_1160 = vector.shape_cast %reshape3A_1159 : vector<16x1xi32> to vector<16xi32>
      %gather3A_1161 = tpu.dynamic_gather %scan3A_1120#1[%gather3A_1160] in [0] : vector<16xf32>, vector<16xi32> -> vector<16xf32>
      %add3A_1162 = arith.addf %scan3A_1120#1, %gather3A_1161 : vector<16xf32>
      %xor3A_1163 = arith.constant 4 : i32
      %xor3A_1164 = vector.broadcast %xor3A_1163 : i32 to vector<16xi32>
      %xor3A_1165 = arith.xori %iota3A, %xor3A_1164 : vector<16xi32>
      %reshape3A_1166 = vector.shape_cast %xor3A_1165 : vector<16xi32> to vector<16x1xi32>
      %gather3A_1167 = vector.shape_cast %reshape3A_1166 : vector<16x1xi32> to vector<16xi32>
      %gather3A_1168 = tpu.dynamic_gather %add3A_1162[%gather3A_1167] in [0] : vector<16xf32>, vector<16xi32> -> vector<16xf32>
      %add3A_1169 = arith.addf %add3A_1162, %gather3A_1168 : vector<16xf32>
      %xor3A_1170 = arith.constant 2 : i32
      %xor3A_1171 = vector.broadcast %xor3A_1170 : i32 to vector<16xi32>
      %xor3A_1172 = arith.xori %iota3A, %xor3A_1171 : vector<16xi32>
      %reshape3A_1173 = vector.shape_cast %xor3A_1172 : vector<16xi32> to vector<16x1xi32>
      %gather3A_1174 = vector.shape_cast %reshape3A_1173 : vector<16x1xi32> to vector<16xi32>
      %gather3A_1175 = tpu.dynamic_gather %add3A_1169[%gather3A_1174] in [0] : vector<16xf32>, vector<16xi32> -> vector<16xf32>
      %add3A_1176 = arith.addf %add3A_1169, %gather3A_1175 : vector<16xf32>
      %xor3A_1177 = arith.constant 1 : i32
      %xor3A_1178 = vector.broadcast %xor3A_1177 : i32 to vector<16xi32>
      %xor3A_1179 = arith.xori %iota3A, %xor3A_1178 : vector<16xi32>
      %reshape3A_1180 = vector.shape_cast %xor3A_1179 : vector<16xi32> to vector<16x1xi32>
      %gather3A_1181 = vector.shape_cast %reshape3A_1180 : vector<16x1xi32> to vector<16xi32>
      %gather3A_1182 = tpu.dynamic_gather %add3A_1176[%gather3A_1181] in [0] : vector<16xf32>, vector<16xi32> -> vector<16xf32>
      %add3A_1183 = arith.addf %add3A_1176, %gather3A_1182 : vector<16xf32>
      %eq3A_1184 = arith.constant 1 : i32
      %eq3A_1185 = vector.broadcast %eq3A_1184 : i32 to vector<16xi32>
      %eq3A_1186 = arith.cmpi eq, %iota3A, %eq3A_1185 : vector<16xi32>
      %select_n3A_1187 = arith.select %eq3A_1186, %add3A_1183, %select_n3A_1155 : vector<16xi1>, vector<16xf32>
      %xor3A_1188 = arith.constant 8 : i32
      %xor3A_1189 = vector.broadcast %xor3A_1188 : i32 to vector<16xi32>
      %xor3A_1190 = arith.xori %iota3A, %xor3A_1189 : vector<16xi32>
      %reshape3A_1191 = vector.shape_cast %xor3A_1190 : vector<16xi32> to vector<16x1xi32>
      %gather3A_1192 = vector.shape_cast %reshape3A_1191 : vector<16x1xi32> to vector<16xi32>
      %gather3A_1193 = tpu.dynamic_gather %scan3A_1120#2[%gather3A_1192] in [0] : vector<16xf32>, vector<16xi32> -> vector<16xf32>
      %add3A_1194 = arith.addf %scan3A_1120#2, %gather3A_1193 : vector<16xf32>
      %xor3A_1195 = arith.constant 4 : i32
      %xor3A_1196 = vector.broadcast %xor3A_1195 : i32 to vector<16xi32>
      %xor3A_1197 = arith.xori %iota3A, %xor3A_1196 : vector<16xi32>
      %reshape3A_1198 = vector.shape_cast %xor3A_1197 : vector<16xi32> to vector<16x1xi32>
      %gather3A_1199 = vector.shape_cast %reshape3A_1198 : vector<16x1xi32> to vector<16xi32>
      %gather3A_1200 = tpu.dynamic_gather %add3A_1194[%gather3A_1199] in [0] : vector<16xf32>, vector<16xi32> -> vector<16xf32>
      %add3A_1201 = arith.addf %add3A_1194, %gather3A_1200 : vector<16xf32>
      %xor3A_1202 = arith.constant 2 : i32
      %xor3A_1203 = vector.broadcast %xor3A_1202 : i32 to vector<16xi32>
      %xor3A_1204 = arith.xori %iota3A, %xor3A_1203 : vector<16xi32>
      %reshape3A_1205 = vector.shape_cast %xor3A_1204 : vector<16xi32> to vector<16x1xi32>
      %gather3A_1206 = vector.shape_cast %reshape3A_1205 : vector<16x1xi32> to vector<16xi32>
      %gather3A_1207 = tpu.dynamic_gather %add3A_1201[%gather3A_1206] in [0] : vector<16xf32>, vector<16xi32> -> vector<16xf32>
      %add3A_1208 = arith.addf %add3A_1201, %gather3A_1207 : vector<16xf32>
      %xor3A_1209 = arith.constant 1 : i32
      %xor3A_1210 = vector.broadcast %xor3A_1209 : i32 to vector<16xi32>
      %xor3A_1211 = arith.xori %iota3A, %xor3A_1210 : vector<16xi32>
      %reshape3A_1212 = vector.shape_cast %xor3A_1211 : vector<16xi32> to vector<16x1xi32>
      %gather3A_1213 = vector.shape_cast %reshape3A_1212 : vector<16x1xi32> to vector<16xi32>
      %gather3A_1214 = tpu.dynamic_gather %add3A_1208[%gather3A_1213] in [0] : vector<16xf32>, vector<16xi32> -> vector<16xf32>
      %add3A_1215 = arith.addf %add3A_1208, %gather3A_1214 : vector<16xf32>
      %eq3A_1216 = arith.constant 2 : i32
      %eq3A_1217 = vector.broadcast %eq3A_1216 : i32 to vector<16xi32>
      %eq3A_1218 = arith.cmpi eq, %iota3A, %eq3A_1217 : vector<16xi32>
      %select_n3A_1219 = arith.select %eq3A_1218, %add3A_1215, %select_n3A_1187 : vector<16xi1>, vector<16xf32>
      %xor3A_1220 = arith.constant 8 : i32
      %xor3A_1221 = vector.broadcast %xor3A_1220 : i32 to vector<16xi32>
      %xor3A_1222 = arith.xori %iota3A, %xor3A_1221 : vector<16xi32>
      %reshape3A_1223 = vector.shape_cast %xor3A_1222 : vector<16xi32> to vector<16x1xi32>
      %gather3A_1224 = vector.shape_cast %reshape3A_1223 : vector<16x1xi32> to vector<16xi32>
      %gather3A_1225 = tpu.dynamic_gather %scan3A_1120#3[%gather3A_1224] in [0] : vector<16xf32>, vector<16xi32> -> vector<16xf32>
      %add3A_1226 = arith.addf %scan3A_1120#3, %gather3A_1225 : vector<16xf32>
      %xor3A_1227 = arith.constant 4 : i32
      %xor3A_1228 = vector.broadcast %xor3A_1227 : i32 to vector<16xi32>
      %xor3A_1229 = arith.xori %iota3A, %xor3A_1228 : vector<16xi32>
      %reshape3A_1230 = vector.shape_cast %xor3A_1229 : vector<16xi32> to vector<16x1xi32>
      %gather3A_1231 = vector.shape_cast %reshape3A_1230 : vector<16x1xi32> to vector<16xi32>
      %gather3A_1232 = tpu.dynamic_gather %add3A_1226[%gather3A_1231] in [0] : vector<16xf32>, vector<16xi32> -> vector<16xf32>
      %add3A_1233 = arith.addf %add3A_1226, %gather3A_1232 : vector<16xf32>
      %xor3A_1234 = arith.constant 2 : i32
      %xor3A_1235 = vector.broadcast %xor3A_1234 : i32 to vector<16xi32>
      %xor3A_1236 = arith.xori %iota3A, %xor3A_1235 : vector<16xi32>
      %reshape3A_1237 = vector.shape_cast %xor3A_1236 : vector<16xi32> to vector<16x1xi32>
      %gather3A_1238 = vector.shape_cast %reshape3A_1237 : vector<16x1xi32> to vector<16xi32>
      %gather3A_1239 = tpu.dynamic_gather %add3A_1233[%gather3A_1238] in [0] : vector<16xf32>, vector<16xi32> -> vector<16xf32>
      %add3A_1240 = arith.addf %add3A_1233, %gather3A_1239 : vector<16xf32>
      %xor3A_1241 = arith.constant 1 : i32
      %xor3A_1242 = vector.broadcast %xor3A_1241 : i32 to vector<16xi32>
      %xor3A_1243 = arith.xori %iota3A, %xor3A_1242 : vector<16xi32>
      %reshape3A_1244 = vector.shape_cast %xor3A_1243 : vector<16xi32> to vector<16x1xi32>
      %gather3A_1245 = vector.shape_cast %reshape3A_1244 : vector<16x1xi32> to vector<16xi32>
      %gather3A_1246 = tpu.dynamic_gather %add3A_1240[%gather3A_1245] in [0] : vector<16xf32>, vector<16xi32> -> vector<16xf32>
      %add3A_1247 = arith.addf %add3A_1240, %gather3A_1246 : vector<16xf32>
      %eq3A_1248 = arith.constant 3 : i32
      %eq3A_1249 = vector.broadcast %eq3A_1248 : i32 to vector<16xi32>
      %eq3A_1250 = arith.cmpi eq, %iota3A, %eq3A_1249 : vector<16xi32>
      %select_n3A_1251 = arith.select %eq3A_1250, %add3A_1247, %select_n3A_1219 : vector<16xi1>, vector<16xf32>
      %xor3A_1252 = arith.constant 8 : i32
      %xor3A_1253 = vector.broadcast %xor3A_1252 : i32 to vector<16xi32>
      %xor3A_1254 = arith.xori %iota3A, %xor3A_1253 : vector<16xi32>
      %reshape3A_1255 = vector.shape_cast %xor3A_1254 : vector<16xi32> to vector<16x1xi32>
      %gather3A_1256 = vector.shape_cast %reshape3A_1255 : vector<16x1xi32> to vector<16xi32>
      %gather3A_1257 = tpu.dynamic_gather %scan3A_1120#4[%gather3A_1256] in [0] : vector<16xf32>, vector<16xi32> -> vector<16xf32>
      %add3A_1258 = arith.addf %scan3A_1120#4, %gather3A_1257 : vector<16xf32>
      %xor3A_1259 = arith.constant 4 : i32
      %xor3A_1260 = vector.broadcast %xor3A_1259 : i32 to vector<16xi32>
      %xor3A_1261 = arith.xori %iota3A, %xor3A_1260 : vector<16xi32>
      %reshape3A_1262 = vector.shape_cast %xor3A_1261 : vector<16xi32> to vector<16x1xi32>
      %gather3A_1263 = vector.shape_cast %reshape3A_1262 : vector<16x1xi32> to vector<16xi32>
      %gather3A_1264 = tpu.dynamic_gather %add3A_1258[%gather3A_1263] in [0] : vector<16xf32>, vector<16xi32> -> vector<16xf32>
      %add3A_1265 = arith.addf %add3A_1258, %gather3A_1264 : vector<16xf32>
      %xor3A_1266 = arith.constant 2 : i32
      %xor3A_1267 = vector.broadcast %xor3A_1266 : i32 to vector<16xi32>
      %xor3A_1268 = arith.xori %iota3A, %xor3A_1267 : vector<16xi32>
      %reshape3A_1269 = vector.shape_cast %xor3A_1268 : vector<16xi32> to vector<16x1xi32>
      %gather3A_1270 = vector.shape_cast %reshape3A_1269 : vector<16x1xi32> to vector<16xi32>
      %gather3A_1271 = tpu.dynamic_gather %add3A_1265[%gather3A_1270] in [0] : vector<16xf32>, vector<16xi32> -> vector<16xf32>
      %add3A_1272 = arith.addf %add3A_1265, %gather3A_1271 : vector<16xf32>
      %xor3A_1273 = arith.constant 1 : i32
      %xor3A_1274 = vector.broadcast %xor3A_1273 : i32 to vector<16xi32>
      %xor3A_1275 = arith.xori %iota3A, %xor3A_1274 : vector<16xi32>
      %reshape3A_1276 = vector.shape_cast %xor3A_1275 : vector<16xi32> to vector<16x1xi32>
      %gather3A_1277 = vector.shape_cast %reshape3A_1276 : vector<16x1xi32> to vector<16xi32>
      %gather3A_1278 = tpu.dynamic_gather %add3A_1272[%gather3A_1277] in [0] : vector<16xf32>, vector<16xi32> -> vector<16xf32>
      %add3A_1279 = arith.addf %add3A_1272, %gather3A_1278 : vector<16xf32>
      %eq3A_1280 = arith.constant 4 : i32
      %eq3A_1281 = vector.broadcast %eq3A_1280 : i32 to vector<16xi32>
      %eq3A_1282 = arith.cmpi eq, %iota3A, %eq3A_1281 : vector<16xi32>
      %select_n3A_1283 = arith.select %eq3A_1282, %add3A_1279, %select_n3A_1251 : vector<16xi1>, vector<16xf32>
      %xor3A_1284 = arith.constant 8 : i32
      %xor3A_1285 = vector.broadcast %xor3A_1284 : i32 to vector<16xi32>
      %xor3A_1286 = arith.xori %iota3A, %xor3A_1285 : vector<16xi32>
      %reshape3A_1287 = vector.shape_cast %xor3A_1286 : vector<16xi32> to vector<16x1xi32>
      %gather3A_1288 = vector.shape_cast %reshape3A_1287 : vector<16x1xi32> to vector<16xi32>
      %gather3A_1289 = tpu.dynamic_gather %scan3A_1120#5[%gather3A_1288] in [0] : vector<16xf32>, vector<16xi32> -> vector<16xf32>
      %add3A_1290 = arith.addf %scan3A_1120#5, %gather3A_1289 : vector<16xf32>
      %xor3A_1291 = arith.constant 4 : i32
      %xor3A_1292 = vector.broadcast %xor3A_1291 : i32 to vector<16xi32>
      %xor3A_1293 = arith.xori %iota3A, %xor3A_1292 : vector<16xi32>
      %reshape3A_1294 = vector.shape_cast %xor3A_1293 : vector<16xi32> to vector<16x1xi32>
      %gather3A_1295 = vector.shape_cast %reshape3A_1294 : vector<16x1xi32> to vector<16xi32>
      %gather3A_1296 = tpu.dynamic_gather %add3A_1290[%gather3A_1295] in [0] : vector<16xf32>, vector<16xi32> -> vector<16xf32>
      %add3A_1297 = arith.addf %add3A_1290, %gather3A_1296 : vector<16xf32>
      %xor3A_1298 = arith.constant 2 : i32
      %xor3A_1299 = vector.broadcast %xor3A_1298 : i32 to vector<16xi32>
      %xor3A_1300 = arith.xori %iota3A, %xor3A_1299 : vector<16xi32>
      %reshape3A_1301 = vector.shape_cast %xor3A_1300 : vector<16xi32> to vector<16x1xi32>
      %gather3A_1302 = vector.shape_cast %reshape3A_1301 : vector<16x1xi32> to vector<16xi32>
      %gather3A_1303 = tpu.dynamic_gather %add3A_1297[%gather3A_1302] in [0] : vector<16xf32>, vector<16xi32> -> vector<16xf32>
      %add3A_1304 = arith.addf %add3A_1297, %gather3A_1303 : vector<16xf32>
      %xor3A_1305 = arith.constant 1 : i32
      %xor3A_1306 = vector.broadcast %xor3A_1305 : i32 to vector<16xi32>
      %xor3A_1307 = arith.xori %iota3A, %xor3A_1306 : vector<16xi32>
      %reshape3A_1308 = vector.shape_cast %xor3A_1307 : vector<16xi32> to vector<16x1xi32>
      %gather3A_1309 = vector.shape_cast %reshape3A_1308 : vector<16x1xi32> to vector<16xi32>
      %gather3A_1310 = tpu.dynamic_gather %add3A_1304[%gather3A_1309] in [0] : vector<16xf32>, vector<16xi32> -> vector<16xf32>
      %add3A_1311 = arith.addf %add3A_1304, %gather3A_1310 : vector<16xf32>
      %eq3A_1312 = arith.constant 5 : i32
      %eq3A_1313 = vector.broadcast %eq3A_1312 : i32 to vector<16xi32>
      %eq3A_1314 = arith.cmpi eq, %iota3A, %eq3A_1313 : vector<16xi32>
      %select_n3A_1315 = arith.select %eq3A_1314, %add3A_1311, %select_n3A_1283 : vector<16xi1>, vector<16xf32>
      %xor3A_1316 = arith.constant 8 : i32
      %xor3A_1317 = vector.broadcast %xor3A_1316 : i32 to vector<16xi32>
      %xor3A_1318 = arith.xori %iota3A, %xor3A_1317 : vector<16xi32>
      %reshape3A_1319 = vector.shape_cast %xor3A_1318 : vector<16xi32> to vector<16x1xi32>
      %gather3A_1320 = vector.shape_cast %reshape3A_1319 : vector<16x1xi32> to vector<16xi32>
      %gather3A_1321 = tpu.dynamic_gather %scan3A_1120#6[%gather3A_1320] in [0] : vector<16xf32>, vector<16xi32> -> vector<16xf32>
      %add3A_1322 = arith.addf %scan3A_1120#6, %gather3A_1321 : vector<16xf32>
      %xor3A_1323 = arith.constant 4 : i32
      %xor3A_1324 = vector.broadcast %xor3A_1323 : i32 to vector<16xi32>
      %xor3A_1325 = arith.xori %iota3A, %xor3A_1324 : vector<16xi32>
      %reshape3A_1326 = vector.shape_cast %xor3A_1325 : vector<16xi32> to vector<16x1xi32>
      %gather3A_1327 = vector.shape_cast %reshape3A_1326 : vector<16x1xi32> to vector<16xi32>
      %gather3A_1328 = tpu.dynamic_gather %add3A_1322[%gather3A_1327] in [0] : vector<16xf32>, vector<16xi32> -> vector<16xf32>
      %add3A_1329 = arith.addf %add3A_1322, %gather3A_1328 : vector<16xf32>
      %xor3A_1330 = arith.constant 2 : i32
      %xor3A_1331 = vector.broadcast %xor3A_1330 : i32 to vector<16xi32>
      %xor3A_1332 = arith.xori %iota3A, %xor3A_1331 : vector<16xi32>
      %reshape3A_1333 = vector.shape_cast %xor3A_1332 : vector<16xi32> to vector<16x1xi32>
      %gather3A_1334 = vector.shape_cast %reshape3A_1333 : vector<16x1xi32> to vector<16xi32>
      %gather3A_1335 = tpu.dynamic_gather %add3A_1329[%gather3A_1334] in [0] : vector<16xf32>, vector<16xi32> -> vector<16xf32>
      %add3A_1336 = arith.addf %add3A_1329, %gather3A_1335 : vector<16xf32>
      %xor3A_1337 = arith.constant 1 : i32
      %xor3A_1338 = vector.broadcast %xor3A_1337 : i32 to vector<16xi32>
      %xor3A_1339 = arith.xori %iota3A, %xor3A_1338 : vector<16xi32>
      %reshape3A_1340 = vector.shape_cast %xor3A_1339 : vector<16xi32> to vector<16x1xi32>
      %gather3A_1341 = vector.shape_cast %reshape3A_1340 : vector<16x1xi32> to vector<16xi32>
      %gather3A_1342 = tpu.dynamic_gather %add3A_1336[%gather3A_1341] in [0] : vector<16xf32>, vector<16xi32> -> vector<16xf32>
      %add3A_1343 = arith.addf %add3A_1336, %gather3A_1342 : vector<16xf32>
      %eq3A_1344 = arith.constant 6 : i32
      %eq3A_1345 = vector.broadcast %eq3A_1344 : i32 to vector<16xi32>
      %eq3A_1346 = arith.cmpi eq, %iota3A, %eq3A_1345 : vector<16xi32>
      %select_n3A_1347 = arith.select %eq3A_1346, %add3A_1343, %select_n3A_1315 : vector<16xi1>, vector<16xf32>
      %xor3A_1348 = arith.constant 8 : i32
      %xor3A_1349 = vector.broadcast %xor3A_1348 : i32 to vector<16xi32>
      %xor3A_1350 = arith.xori %iota3A, %xor3A_1349 : vector<16xi32>
      %reshape3A_1351 = vector.shape_cast %xor3A_1350 : vector<16xi32> to vector<16x1xi32>
      %gather3A_1352 = vector.shape_cast %reshape3A_1351 : vector<16x1xi32> to vector<16xi32>
      %gather3A_1353 = tpu.dynamic_gather %scan3A_1120#7[%gather3A_1352] in [0] : vector<16xf32>, vector<16xi32> -> vector<16xf32>
      %add3A_1354 = arith.addf %scan3A_1120#7, %gather3A_1353 : vector<16xf32>
      %xor3A_1355 = arith.constant 4 : i32
      %xor3A_1356 = vector.broadcast %xor3A_1355 : i32 to vector<16xi32>
      %xor3A_1357 = arith.xori %iota3A, %xor3A_1356 : vector<16xi32>
      %reshape3A_1358 = vector.shape_cast %xor3A_1357 : vector<16xi32> to vector<16x1xi32>
      %gather3A_1359 = vector.shape_cast %reshape3A_1358 : vector<16x1xi32> to vector<16xi32>
      %gather3A_1360 = tpu.dynamic_gather %add3A_1354[%gather3A_1359] in [0] : vector<16xf32>, vector<16xi32> -> vector<16xf32>
      %add3A_1361 = arith.addf %add3A_1354, %gather3A_1360 : vector<16xf32>
      %xor3A_1362 = arith.constant 2 : i32
      %xor3A_1363 = vector.broadcast %xor3A_1362 : i32 to vector<16xi32>
      %xor3A_1364 = arith.xori %iota3A, %xor3A_1363 : vector<16xi32>
      %reshape3A_1365 = vector.shape_cast %xor3A_1364 : vector<16xi32> to vector<16x1xi32>
      %gather3A_1366 = vector.shape_cast %reshape3A_1365 : vector<16x1xi32> to vector<16xi32>
      %gather3A_1367 = tpu.dynamic_gather %add3A_1361[%gather3A_1366] in [0] : vector<16xf32>, vector<16xi32> -> vector<16xf32>
      %add3A_1368 = arith.addf %add3A_1361, %gather3A_1367 : vector<16xf32>
      %xor3A_1369 = arith.constant 1 : i32
      %xor3A_1370 = vector.broadcast %xor3A_1369 : i32 to vector<16xi32>
      %xor3A_1371 = arith.xori %iota3A, %xor3A_1370 : vector<16xi32>
      %reshape3A_1372 = vector.shape_cast %xor3A_1371 : vector<16xi32> to vector<16x1xi32>
      %gather3A_1373 = vector.shape_cast %reshape3A_1372 : vector<16x1xi32> to vector<16xi32>
      %gather3A_1374 = tpu.dynamic_gather %add3A_1368[%gather3A_1373] in [0] : vector<16xf32>, vector<16xi32> -> vector<16xf32>
      %add3A_1375 = arith.addf %add3A_1368, %gather3A_1374 : vector<16xf32>
      %eq3A_1376 = arith.constant 7 : i32
      %eq3A_1377 = vector.broadcast %eq3A_1376 : i32 to vector<16xi32>
      %eq3A_1378 = arith.cmpi eq, %iota3A, %eq3A_1377 : vector<16xi32>
      %select_n3A_1379 = arith.select %eq3A_1378, %add3A_1375, %select_n3A_1347 : vector<16xi1>, vector<16xf32>
      %xor3A_1380 = arith.constant 8 : i32
      %xor3A_1381 = vector.broadcast %xor3A_1380 : i32 to vector<16xi32>
      %xor3A_1382 = arith.xori %iota3A, %xor3A_1381 : vector<16xi32>
      %reshape3A_1383 = vector.shape_cast %xor3A_1382 : vector<16xi32> to vector<16x1xi32>
      %gather3A_1384 = vector.shape_cast %reshape3A_1383 : vector<16x1xi32> to vector<16xi32>
      %gather3A_1385 = tpu.dynamic_gather %scan3A_1120#8[%gather3A_1384] in [0] : vector<16xf32>, vector<16xi32> -> vector<16xf32>
      %add3A_1386 = arith.addf %scan3A_1120#8, %gather3A_1385 : vector<16xf32>
      %xor3A_1387 = arith.constant 4 : i32
      %xor3A_1388 = vector.broadcast %xor3A_1387 : i32 to vector<16xi32>
      %xor3A_1389 = arith.xori %iota3A, %xor3A_1388 : vector<16xi32>
      %reshape3A_1390 = vector.shape_cast %xor3A_1389 : vector<16xi32> to vector<16x1xi32>
      %gather3A_1391 = vector.shape_cast %reshape3A_1390 : vector<16x1xi32> to vector<16xi32>
      %gather3A_1392 = tpu.dynamic_gather %add3A_1386[%gather3A_1391] in [0] : vector<16xf32>, vector<16xi32> -> vector<16xf32>
      %add3A_1393 = arith.addf %add3A_1386, %gather3A_1392 : vector<16xf32>
      %xor3A_1394 = arith.constant 2 : i32
      %xor3A_1395 = vector.broadcast %xor3A_1394 : i32 to vector<16xi32>
      %xor3A_1396 = arith.xori %iota3A, %xor3A_1395 : vector<16xi32>
      %reshape3A_1397 = vector.shape_cast %xor3A_1396 : vector<16xi32> to vector<16x1xi32>
      %gather3A_1398 = vector.shape_cast %reshape3A_1397 : vector<16x1xi32> to vector<16xi32>
      %gather3A_1399 = tpu.dynamic_gather %add3A_1393[%gather3A_1398] in [0] : vector<16xf32>, vector<16xi32> -> vector<16xf32>
      %add3A_1400 = arith.addf %add3A_1393, %gather3A_1399 : vector<16xf32>
      %xor3A_1401 = arith.constant 1 : i32
      %xor3A_1402 = vector.broadcast %xor3A_1401 : i32 to vector<16xi32>
      %xor3A_1403 = arith.xori %iota3A, %xor3A_1402 : vector<16xi32>
      %reshape3A_1404 = vector.shape_cast %xor3A_1403 : vector<16xi32> to vector<16x1xi32>
      %gather3A_1405 = vector.shape_cast %reshape3A_1404 : vector<16x1xi32> to vector<16xi32>
      %gather3A_1406 = tpu.dynamic_gather %add3A_1400[%gather3A_1405] in [0] : vector<16xf32>, vector<16xi32> -> vector<16xf32>
      %add3A_1407 = arith.addf %add3A_1400, %gather3A_1406 : vector<16xf32>
      %eq3A_1408 = arith.constant 8 : i32
      %eq3A_1409 = vector.broadcast %eq3A_1408 : i32 to vector<16xi32>
      %eq3A_1410 = arith.cmpi eq, %iota3A, %eq3A_1409 : vector<16xi32>
      %select_n3A_1411 = arith.select %eq3A_1410, %add3A_1407, %select_n3A_1379 : vector<16xi1>, vector<16xf32>
      %xor3A_1412 = arith.constant 8 : i32
      %xor3A_1413 = vector.broadcast %xor3A_1412 : i32 to vector<16xi32>
      %xor3A_1414 = arith.xori %iota3A, %xor3A_1413 : vector<16xi32>
      %reshape3A_1415 = vector.shape_cast %xor3A_1414 : vector<16xi32> to vector<16x1xi32>
      %gather3A_1416 = vector.shape_cast %reshape3A_1415 : vector<16x1xi32> to vector<16xi32>
      %gather3A_1417 = tpu.dynamic_gather %scan3A_1120#9[%gather3A_1416] in [0] : vector<16xf32>, vector<16xi32> -> vector<16xf32>
      %add3A_1418 = arith.addf %scan3A_1120#9, %gather3A_1417 : vector<16xf32>
      %xor3A_1419 = arith.constant 4 : i32
      %xor3A_1420 = vector.broadcast %xor3A_1419 : i32 to vector<16xi32>
      %xor3A_1421 = arith.xori %iota3A, %xor3A_1420 : vector<16xi32>
      %reshape3A_1422 = vector.shape_cast %xor3A_1421 : vector<16xi32> to vector<16x1xi32>
      %gather3A_1423 = vector.shape_cast %reshape3A_1422 : vector<16x1xi32> to vector<16xi32>
      %gather3A_1424 = tpu.dynamic_gather %add3A_1418[%gather3A_1423] in [0] : vector<16xf32>, vector<16xi32> -> vector<16xf32>
      %add3A_1425 = arith.addf %add3A_1418, %gather3A_1424 : vector<16xf32>
      %xor3A_1426 = arith.constant 2 : i32
      %xor3A_1427 = vector.broadcast %xor3A_1426 : i32 to vector<16xi32>
      %xor3A_1428 = arith.xori %iota3A, %xor3A_1427 : vector<16xi32>
      %reshape3A_1429 = vector.shape_cast %xor3A_1428 : vector<16xi32> to vector<16x1xi32>
      %gather3A_1430 = vector.shape_cast %reshape3A_1429 : vector<16x1xi32> to vector<16xi32>
      %gather3A_1431 = tpu.dynamic_gather %add3A_1425[%gather3A_1430] in [0] : vector<16xf32>, vector<16xi32> -> vector<16xf32>
      %add3A_1432 = arith.addf %add3A_1425, %gather3A_1431 : vector<16xf32>
      %xor3A_1433 = arith.constant 1 : i32
      %xor3A_1434 = vector.broadcast %xor3A_1433 : i32 to vector<16xi32>
      %xor3A_1435 = arith.xori %iota3A, %xor3A_1434 : vector<16xi32>
      %reshape3A_1436 = vector.shape_cast %xor3A_1435 : vector<16xi32> to vector<16x1xi32>
      %gather3A_1437 = vector.shape_cast %reshape3A_1436 : vector<16x1xi32> to vector<16xi32>
      %gather3A_1438 = tpu.dynamic_gather %add3A_1432[%gather3A_1437] in [0] : vector<16xf32>, vector<16xi32> -> vector<16xf32>
      %add3A_1439 = arith.addf %add3A_1432, %gather3A_1438 : vector<16xf32>
      %eq3A_1440 = arith.constant 9 : i32
      %eq3A_1441 = vector.broadcast %eq3A_1440 : i32 to vector<16xi32>
      %eq3A_1442 = arith.cmpi eq, %iota3A, %eq3A_1441 : vector<16xi32>
      %select_n3A_1443 = arith.select %eq3A_1442, %add3A_1439, %select_n3A_1411 : vector<16xi1>, vector<16xf32>
      %xor3A_1444 = arith.constant 8 : i32
      %xor3A_1445 = vector.broadcast %xor3A_1444 : i32 to vector<16xi32>
      %xor3A_1446 = arith.xori %iota3A, %xor3A_1445 : vector<16xi32>
      %reshape3A_1447 = vector.shape_cast %xor3A_1446 : vector<16xi32> to vector<16x1xi32>
      %gather3A_1448 = vector.shape_cast %reshape3A_1447 : vector<16x1xi32> to vector<16xi32>
      %gather3A_1449 = tpu.dynamic_gather %scan3A_1120#10[%gather3A_1448] in [0] : vector<16xf32>, vector<16xi32> -> vector<16xf32>
      %add3A_1450 = arith.addf %scan3A_1120#10, %gather3A_1449 : vector<16xf32>
      %xor3A_1451 = arith.constant 4 : i32
      %xor3A_1452 = vector.broadcast %xor3A_1451 : i32 to vector<16xi32>
      %xor3A_1453 = arith.xori %iota3A, %xor3A_1452 : vector<16xi32>
      %reshape3A_1454 = vector.shape_cast %xor3A_1453 : vector<16xi32> to vector<16x1xi32>
      %gather3A_1455 = vector.shape_cast %reshape3A_1454 : vector<16x1xi32> to vector<16xi32>
      %gather3A_1456 = tpu.dynamic_gather %add3A_1450[%gather3A_1455] in [0] : vector<16xf32>, vector<16xi32> -> vector<16xf32>
      %add3A_1457 = arith.addf %add3A_1450, %gather3A_1456 : vector<16xf32>
      %xor3A_1458 = arith.constant 2 : i32
      %xor3A_1459 = vector.broadcast %xor3A_1458 : i32 to vector<16xi32>
      %xor3A_1460 = arith.xori %iota3A, %xor3A_1459 : vector<16xi32>
      %reshape3A_1461 = vector.shape_cast %xor3A_1460 : vector<16xi32> to vector<16x1xi32>
      %gather3A_1462 = vector.shape_cast %reshape3A_1461 : vector<16x1xi32> to vector<16xi32>
      %gather3A_1463 = tpu.dynamic_gather %add3A_1457[%gather3A_1462] in [0] : vector<16xf32>, vector<16xi32> -> vector<16xf32>
      %add3A_1464 = arith.addf %add3A_1457, %gather3A_1463 : vector<16xf32>
      %xor3A_1465 = arith.constant 1 : i32
      %xor3A_1466 = vector.broadcast %xor3A_1465 : i32 to vector<16xi32>
      %xor3A_1467 = arith.xori %iota3A, %xor3A_1466 : vector<16xi32>
      %reshape3A_1468 = vector.shape_cast %xor3A_1467 : vector<16xi32> to vector<16x1xi32>
      %gather3A_1469 = vector.shape_cast %reshape3A_1468 : vector<16x1xi32> to vector<16xi32>
      %gather3A_1470 = tpu.dynamic_gather %add3A_1464[%gather3A_1469] in [0] : vector<16xf32>, vector<16xi32> -> vector<16xf32>
      %add3A_1471 = arith.addf %add3A_1464, %gather3A_1470 : vector<16xf32>
      %eq3A_1472 = arith.constant 10 : i32
      %eq3A_1473 = vector.broadcast %eq3A_1472 : i32 to vector<16xi32>
      %eq3A_1474 = arith.cmpi eq, %iota3A, %eq3A_1473 : vector<16xi32>
      %select_n3A_1475 = arith.select %eq3A_1474, %add3A_1471, %select_n3A_1443 : vector<16xi1>, vector<16xf32>
      %xor3A_1476 = arith.constant 8 : i32
      %xor3A_1477 = vector.broadcast %xor3A_1476 : i32 to vector<16xi32>
      %xor3A_1478 = arith.xori %iota3A, %xor3A_1477 : vector<16xi32>
      %reshape3A_1479 = vector.shape_cast %xor3A_1478 : vector<16xi32> to vector<16x1xi32>
      %gather3A_1480 = vector.shape_cast %reshape3A_1479 : vector<16x1xi32> to vector<16xi32>
      %gather3A_1481 = tpu.dynamic_gather %scan3A_1120#11[%gather3A_1480] in [0] : vector<16xf32>, vector<16xi32> -> vector<16xf32>
      %add3A_1482 = arith.addf %scan3A_1120#11, %gather3A_1481 : vector<16xf32>
      %xor3A_1483 = arith.constant 4 : i32
      %xor3A_1484 = vector.broadcast %xor3A_1483 : i32 to vector<16xi32>
      %xor3A_1485 = arith.xori %iota3A, %xor3A_1484 : vector<16xi32>
      %reshape3A_1486 = vector.shape_cast %xor3A_1485 : vector<16xi32> to vector<16x1xi32>
      %gather3A_1487 = vector.shape_cast %reshape3A_1486 : vector<16x1xi32> to vector<16xi32>
      %gather3A_1488 = tpu.dynamic_gather %add3A_1482[%gather3A_1487] in [0] : vector<16xf32>, vector<16xi32> -> vector<16xf32>
      %add3A_1489 = arith.addf %add3A_1482, %gather3A_1488 : vector<16xf32>
      %xor3A_1490 = arith.constant 2 : i32
      %xor3A_1491 = vector.broadcast %xor3A_1490 : i32 to vector<16xi32>
      %xor3A_1492 = arith.xori %iota3A, %xor3A_1491 : vector<16xi32>
      %reshape3A_1493 = vector.shape_cast %xor3A_1492 : vector<16xi32> to vector<16x1xi32>
      %gather3A_1494 = vector.shape_cast %reshape3A_1493 : vector<16x1xi32> to vector<16xi32>
      %gather3A_1495 = tpu.dynamic_gather %add3A_1489[%gather3A_1494] in [0] : vector<16xf32>, vector<16xi32> -> vector<16xf32>
      %add3A_1496 = arith.addf %add3A_1489, %gather3A_1495 : vector<16xf32>
      %xor3A_1497 = arith.constant 1 : i32
      %xor3A_1498 = vector.broadcast %xor3A_1497 : i32 to vector<16xi32>
      %xor3A_1499 = arith.xori %iota3A, %xor3A_1498 : vector<16xi32>
      %reshape3A_1500 = vector.shape_cast %xor3A_1499 : vector<16xi32> to vector<16x1xi32>
      %gather3A_1501 = vector.shape_cast %reshape3A_1500 : vector<16x1xi32> to vector<16xi32>
      %gather3A_1502 = tpu.dynamic_gather %add3A_1496[%gather3A_1501] in [0] : vector<16xf32>, vector<16xi32> -> vector<16xf32>
      %add3A_1503 = arith.addf %add3A_1496, %gather3A_1502 : vector<16xf32>
      %eq3A_1504 = arith.constant 11 : i32
      %eq3A_1505 = vector.broadcast %eq3A_1504 : i32 to vector<16xi32>
      %eq3A_1506 = arith.cmpi eq, %iota3A, %eq3A_1505 : vector<16xi32>
      %select_n3A_1507 = arith.select %eq3A_1506, %add3A_1503, %select_n3A_1475 : vector<16xi1>, vector<16xf32>
      %xor3A_1508 = arith.constant 8 : i32
      %xor3A_1509 = vector.broadcast %xor3A_1508 : i32 to vector<16xi32>
      %xor3A_1510 = arith.xori %iota3A, %xor3A_1509 : vector<16xi32>
      %reshape3A_1511 = vector.shape_cast %xor3A_1510 : vector<16xi32> to vector<16x1xi32>
      %gather3A_1512 = vector.shape_cast %reshape3A_1511 : vector<16x1xi32> to vector<16xi32>
      %gather3A_1513 = tpu.dynamic_gather %scan3A_1120#12[%gather3A_1512] in [0] : vector<16xf32>, vector<16xi32> -> vector<16xf32>
      %add3A_1514 = arith.addf %scan3A_1120#12, %gather3A_1513 : vector<16xf32>
      %xor3A_1515 = arith.constant 4 : i32
      %xor3A_1516 = vector.broadcast %xor3A_1515 : i32 to vector<16xi32>
      %xor3A_1517 = arith.xori %iota3A, %xor3A_1516 : vector<16xi32>
      %reshape3A_1518 = vector.shape_cast %xor3A_1517 : vector<16xi32> to vector<16x1xi32>
      %gather3A_1519 = vector.shape_cast %reshape3A_1518 : vector<16x1xi32> to vector<16xi32>
      %gather3A_1520 = tpu.dynamic_gather %add3A_1514[%gather3A_1519] in [0] : vector<16xf32>, vector<16xi32> -> vector<16xf32>
      %add3A_1521 = arith.addf %add3A_1514, %gather3A_1520 : vector<16xf32>
      %xor3A_1522 = arith.constant 2 : i32
      %xor3A_1523 = vector.broadcast %xor3A_1522 : i32 to vector<16xi32>
      %xor3A_1524 = arith.xori %iota3A, %xor3A_1523 : vector<16xi32>
      %reshape3A_1525 = vector.shape_cast %xor3A_1524 : vector<16xi32> to vector<16x1xi32>
      %gather3A_1526 = vector.shape_cast %reshape3A_1525 : vector<16x1xi32> to vector<16xi32>
      %gather3A_1527 = tpu.dynamic_gather %add3A_1521[%gather3A_1526] in [0] : vector<16xf32>, vector<16xi32> -> vector<16xf32>
      %add3A_1528 = arith.addf %add3A_1521, %gather3A_1527 : vector<16xf32>
      %xor3A_1529 = arith.constant 1 : i32
      %xor3A_1530 = vector.broadcast %xor3A_1529 : i32 to vector<16xi32>
      %xor3A_1531 = arith.xori %iota3A, %xor3A_1530 : vector<16xi32>
      %reshape3A_1532 = vector.shape_cast %xor3A_1531 : vector<16xi32> to vector<16x1xi32>
      %gather3A_1533 = vector.shape_cast %reshape3A_1532 : vector<16x1xi32> to vector<16xi32>
      %gather3A_1534 = tpu.dynamic_gather %add3A_1528[%gather3A_1533] in [0] : vector<16xf32>, vector<16xi32> -> vector<16xf32>
      %add3A_1535 = arith.addf %add3A_1528, %gather3A_1534 : vector<16xf32>
      %eq3A_1536 = arith.constant 12 : i32
      %eq3A_1537 = vector.broadcast %eq3A_1536 : i32 to vector<16xi32>
      %eq3A_1538 = arith.cmpi eq, %iota3A, %eq3A_1537 : vector<16xi32>
      %select_n3A_1539 = arith.select %eq3A_1538, %add3A_1535, %select_n3A_1507 : vector<16xi1>, vector<16xf32>
      %xor3A_1540 = arith.constant 8 : i32
      %xor3A_1541 = vector.broadcast %xor3A_1540 : i32 to vector<16xi32>
      %xor3A_1542 = arith.xori %iota3A, %xor3A_1541 : vector<16xi32>
      %reshape3A_1543 = vector.shape_cast %xor3A_1542 : vector<16xi32> to vector<16x1xi32>
      %gather3A_1544 = vector.shape_cast %reshape3A_1543 : vector<16x1xi32> to vector<16xi32>
      %gather3A_1545 = tpu.dynamic_gather %scan3A_1120#13[%gather3A_1544] in [0] : vector<16xf32>, vector<16xi32> -> vector<16xf32>
      %add3A_1546 = arith.addf %scan3A_1120#13, %gather3A_1545 : vector<16xf32>
      %xor3A_1547 = arith.constant 4 : i32
      %xor3A_1548 = vector.broadcast %xor3A_1547 : i32 to vector<16xi32>
      %xor3A_1549 = arith.xori %iota3A, %xor3A_1548 : vector<16xi32>
      %reshape3A_1550 = vector.shape_cast %xor3A_1549 : vector<16xi32> to vector<16x1xi32>
      %gather3A_1551 = vector.shape_cast %reshape3A_1550 : vector<16x1xi32> to vector<16xi32>
      %gather3A_1552 = tpu.dynamic_gather %add3A_1546[%gather3A_1551] in [0] : vector<16xf32>, vector<16xi32> -> vector<16xf32>
      %add3A_1553 = arith.addf %add3A_1546, %gather3A_1552 : vector<16xf32>
      %xor3A_1554 = arith.constant 2 : i32
      %xor3A_1555 = vector.broadcast %xor3A_1554 : i32 to vector<16xi32>
      %xor3A_1556 = arith.xori %iota3A, %xor3A_1555 : vector<16xi32>
      %reshape3A_1557 = vector.shape_cast %xor3A_1556 : vector<16xi32> to vector<16x1xi32>
      %gather3A_1558 = vector.shape_cast %reshape3A_1557 : vector<16x1xi32> to vector<16xi32>
      %gather3A_1559 = tpu.dynamic_gather %add3A_1553[%gather3A_1558] in [0] : vector<16xf32>, vector<16xi32> -> vector<16xf32>
      %add3A_1560 = arith.addf %add3A_1553, %gather3A_1559 : vector<16xf32>
      %xor3A_1561 = arith.constant 1 : i32
      %xor3A_1562 = vector.broadcast %xor3A_1561 : i32 to vector<16xi32>
      %xor3A_1563 = arith.xori %iota3A, %xor3A_1562 : vector<16xi32>
      %reshape3A_1564 = vector.shape_cast %xor3A_1563 : vector<16xi32> to vector<16x1xi32>
      %gather3A_1565 = vector.shape_cast %reshape3A_1564 : vector<16x1xi32> to vector<16xi32>
      %gather3A_1566 = tpu.dynamic_gather %add3A_1560[%gather3A_1565] in [0] : vector<16xf32>, vector<16xi32> -> vector<16xf32>
      %add3A_1567 = arith.addf %add3A_1560, %gather3A_1566 : vector<16xf32>
      %eq3A_1568 = arith.constant 13 : i32
      %eq3A_1569 = vector.broadcast %eq3A_1568 : i32 to vector<16xi32>
      %eq3A_1570 = arith.cmpi eq, %iota3A, %eq3A_1569 : vector<16xi32>
      %select_n3A_1571 = arith.select %eq3A_1570, %add3A_1567, %select_n3A_1539 : vector<16xi1>, vector<16xf32>
      %xor3A_1572 = arith.constant 8 : i32
      %xor3A_1573 = vector.broadcast %xor3A_1572 : i32 to vector<16xi32>
      %xor3A_1574 = arith.xori %iota3A, %xor3A_1573 : vector<16xi32>
      %reshape3A_1575 = vector.shape_cast %xor3A_1574 : vector<16xi32> to vector<16x1xi32>
      %gather3A_1576 = vector.shape_cast %reshape3A_1575 : vector<16x1xi32> to vector<16xi32>
      %gather3A_1577 = tpu.dynamic_gather %scan3A_1120#14[%gather3A_1576] in [0] : vector<16xf32>, vector<16xi32> -> vector<16xf32>
      %add3A_1578 = arith.addf %scan3A_1120#14, %gather3A_1577 : vector<16xf32>
      %xor3A_1579 = arith.constant 4 : i32
      %xor3A_1580 = vector.broadcast %xor3A_1579 : i32 to vector<16xi32>
      %xor3A_1581 = arith.xori %iota3A, %xor3A_1580 : vector<16xi32>
      %reshape3A_1582 = vector.shape_cast %xor3A_1581 : vector<16xi32> to vector<16x1xi32>
      %gather3A_1583 = vector.shape_cast %reshape3A_1582 : vector<16x1xi32> to vector<16xi32>
      %gather3A_1584 = tpu.dynamic_gather %add3A_1578[%gather3A_1583] in [0] : vector<16xf32>, vector<16xi32> -> vector<16xf32>
      %add3A_1585 = arith.addf %add3A_1578, %gather3A_1584 : vector<16xf32>
      %xor3A_1586 = arith.constant 2 : i32
      %xor3A_1587 = vector.broadcast %xor3A_1586 : i32 to vector<16xi32>
      %xor3A_1588 = arith.xori %iota3A, %xor3A_1587 : vector<16xi32>
      %reshape3A_1589 = vector.shape_cast %xor3A_1588 : vector<16xi32> to vector<16x1xi32>
      %gather3A_1590 = vector.shape_cast %reshape3A_1589 : vector<16x1xi32> to vector<16xi32>
      %gather3A_1591 = tpu.dynamic_gather %add3A_1585[%gather3A_1590] in [0] : vector<16xf32>, vector<16xi32> -> vector<16xf32>
      %add3A_1592 = arith.addf %add3A_1585, %gather3A_1591 : vector<16xf32>
      %xor3A_1593 = arith.constant 1 : i32
      %xor3A_1594 = vector.broadcast %xor3A_1593 : i32 to vector<16xi32>
      %xor3A_1595 = arith.xori %iota3A, %xor3A_1594 : vector<16xi32>
      %reshape3A_1596 = vector.shape_cast %xor3A_1595 : vector<16xi32> to vector<16x1xi32>
      %gather3A_1597 = vector.shape_cast %reshape3A_1596 : vector<16x1xi32> to vector<16xi32>
      %gather3A_1598 = tpu.dynamic_gather %add3A_1592[%gather3A_1597] in [0] : vector<16xf32>, vector<16xi32> -> vector<16xf32>
      %add3A_1599 = arith.addf %add3A_1592, %gather3A_1598 : vector<16xf32>
      %eq3A_1600 = arith.constant 14 : i32
      %eq3A_1601 = vector.broadcast %eq3A_1600 : i32 to vector<16xi32>
      %eq3A_1602 = arith.cmpi eq, %iota3A, %eq3A_1601 : vector<16xi32>
      %select_n3A_1603 = arith.select %eq3A_1602, %add3A_1599, %select_n3A_1571 : vector<16xi1>, vector<16xf32>
      %xor3A_1604 = arith.constant 8 : i32
      %xor3A_1605 = vector.broadcast %xor3A_1604 : i32 to vector<16xi32>
      %xor3A_1606 = arith.xori %iota3A, %xor3A_1605 : vector<16xi32>
      %reshape3A_1607 = vector.shape_cast %xor3A_1606 : vector<16xi32> to vector<16x1xi32>
      %gather3A_1608 = vector.shape_cast %reshape3A_1607 : vector<16x1xi32> to vector<16xi32>
      %gather3A_1609 = tpu.dynamic_gather %scan3A_1120#15[%gather3A_1608] in [0] : vector<16xf32>, vector<16xi32> -> vector<16xf32>
      %add3A_1610 = arith.addf %scan3A_1120#15, %gather3A_1609 : vector<16xf32>
      %xor3A_1611 = arith.constant 4 : i32
      %xor3A_1612 = vector.broadcast %xor3A_1611 : i32 to vector<16xi32>
      %xor3A_1613 = arith.xori %iota3A, %xor3A_1612 : vector<16xi32>
      %reshape3A_1614 = vector.shape_cast %xor3A_1613 : vector<16xi32> to vector<16x1xi32>
      %gather3A_1615 = vector.shape_cast %reshape3A_1614 : vector<16x1xi32> to vector<16xi32>
      %gather3A_1616 = tpu.dynamic_gather %add3A_1610[%gather3A_1615] in [0] : vector<16xf32>, vector<16xi32> -> vector<16xf32>
      %add3A_1617 = arith.addf %add3A_1610, %gather3A_1616 : vector<16xf32>
      %xor3A_1618 = arith.constant 2 : i32
      %xor3A_1619 = vector.broadcast %xor3A_1618 : i32 to vector<16xi32>
      %xor3A_1620 = arith.xori %iota3A, %xor3A_1619 : vector<16xi32>
      %reshape3A_1621 = vector.shape_cast %xor3A_1620 : vector<16xi32> to vector<16x1xi32>
      %gather3A_1622 = vector.shape_cast %reshape3A_1621 : vector<16x1xi32> to vector<16xi32>
      %gather3A_1623 = tpu.dynamic_gather %add3A_1617[%gather3A_1622] in [0] : vector<16xf32>, vector<16xi32> -> vector<16xf32>
      %add3A_1624 = arith.addf %add3A_1617, %gather3A_1623 : vector<16xf32>
      %xor3A_1625 = arith.constant 1 : i32
      %xor3A_1626 = vector.broadcast %xor3A_1625 : i32 to vector<16xi32>
      %xor3A_1627 = arith.xori %iota3A, %xor3A_1626 : vector<16xi32>
      %reshape3A_1628 = vector.shape_cast %xor3A_1627 : vector<16xi32> to vector<16x1xi32>
      %gather3A_1629 = vector.shape_cast %reshape3A_1628 : vector<16x1xi32> to vector<16xi32>
      %gather3A_1630 = tpu.dynamic_gather %add3A_1624[%gather3A_1629] in [0] : vector<16xf32>, vector<16xi32> -> vector<16xf32>
      %add3A_1631 = arith.addf %add3A_1624, %gather3A_1630 : vector<16xf32>
      %eq3A_1632 = arith.constant 15 : i32
      %eq3A_1633 = vector.broadcast %eq3A_1632 : i32 to vector<16xi32>
      %eq3A_1634 = arith.cmpi eq, %iota3A, %eq3A_1633 : vector<16xi32>
      %select_n3A_1635 = arith.select %eq3A_1634, %add3A_1631, %select_n3A_1603 : vector<16xi1>, vector<16xf32>
      %mul3A_1636 = arith.constant 40 : i32
      %mul3A_1637 = arith.muli %scan3A_38, %mul3A_1636 : i32
      %add3A_1638 = arith.constant 24 : i32
      %add3A_1639 = arith.addi %mul3A_1637, %add3A_1638 : i32
      %swap3A_1640 = arith.index_cast %add3A_1639 : i32 to index
      %swap3A_1641 = tpu.vector_load %arg8[%swap3A_1640] {strides = array<i32>} : memref<200xf32, #tpu.memory_space<vmem>>, vector<16xf32>,
      %swap3A_1642 = vector.shape_cast %swap3A_1641 : vector<16xf32> to vector<16xf32>
      %swap3A_1643 = vector.shape_cast %select_n3A_1635 : vector<16xf32> to vector<16xf32>
      tpu.vector_store %arg8[%swap3A_1640], %swap3A_1643 {strides = array<i32>} : memref<200xf32, #tpu.memory_space<vmem>>, vector<16xf32>,
    }
    %scan3A_26 = arith.constant 5 : i32
    %dma_start3A_27 = arith.constant 0 : i32
    %dma_start3A_28 = tpu.memref_slice %arg4[%add3A, %dma_start3A_27] : memref<32x200xf32, #tpu.memory_space<hbm>> -> memref<1x200xf32, #tpu.memory_space<hbm>>
    %dma_start3A_29 = tpu.memref_squeeze %dma_start3A_28 : memref<1x200xf32, #tpu.memory_space<hbm>> -> memref<200xf32, #tpu.memory_space<hbm>>
    %dma_start3A_30 = arith.constant 0 : i32
    %dma_start3A_31 = tpu.memref_slice %arg4[%add3A, %dma_start3A_30] : memref<32x200xf32, #tpu.memory_space<hbm>> -> memref<1x200xf32, #tpu.memory_space<hbm>>
    %dma_start3A_32 = tpu.memref_squeeze %dma_start3A_31 : memref<1x200xf32, #tpu.memory_space<hbm>> -> memref<200xf32, #tpu.memory_space<hbm>>
    tpu.enqueue_dma source(%arg8 : memref<200xf32, #tpu.memory_space<vmem>>) target(%dma_start3A_32 : memref<200xf32, #tpu.memory_space<hbm>>) target_semaphore(%arg10 : memref<!tpu.dma_semaphore, #tpu.memory_space<semaphore_mem>>)
    %dma_wait3A = arith.constant 0 : i32
    %dma_wait3A_33 = tpu.memref_slice %arg4[%add3A, %dma_wait3A] : memref<32x200xf32, #tpu.memory_space<hbm>> -> memref<1x200xf32, #tpu.memory_space<hbm>>
    %dma_wait3A_34 = tpu.memref_squeeze %dma_wait3A_33 : memref<1x200xf32, #tpu.memory_space<hbm>> -> memref<200xf32, #tpu.memory_space<hbm>>
    %dma_wait3A_35 = arith.constant 0 : i32
    %dma_wait3A_36 = tpu.memref_slice %arg4[%add3A, %dma_wait3A_35] : memref<32x200xf32, #tpu.memory_space<hbm>> -> memref<1x200xf32, #tpu.memory_space<hbm>>
    %dma_wait3A_37 = tpu.memref_squeeze %dma_wait3A_36 : memref<1x200xf32, #tpu.memory_space<hbm>> -> memref<200xf32, #tpu.memory_space<hbm>>
    tpu.wait_dma2 semaphore(%arg10 : memref<!tpu.dma_semaphore, #tpu.memory_space<semaphore_mem>>) src(%arg8 : memref<200xf32, #tpu.memory_space<vmem>>) dst(%dma_wait3A_37 : memref<200xf32, #tpu.memory_space<hbm>>)
    return
  }
}

module attributes {stable_mosaic.version = 14 : i64} {
  func.func @_tc_body(%arg0: i32, %arg1: memref<100000x512xf32, #tpu.memory_space<any>>, %arg2: memref<512x1xf32, #tpu.memory_space<vmem>>, %arg3: memref<1x1xf32, #tpu.memory_space<smem>>, %arg4: memref<1x8x585xf32, #tpu.memory_space<vmem>>, %arg5: memref<3x4680x512xf32, #tpu.memory_space<vmem>>, %arg6: memref<3x!tpu.dma_semaphore, #tpu.memory_space<semaphore_mem>>) attributes {dimension_semantics = [#tpu.dimension_semantics<arbitrary>], iteration_bounds = array<i64: 20>, scalar_prefetch = 0 : i64, scratch_operands = 2 : i64, tpu.core_type = #tpu.core_type<tc>, window_params = [{}, {pipeline_mode = #tpu.pipeline_mode<synchronous>, transform_indices = @transform_1, window_bounds = array<i64: 512, 1>}, {transform_indices = @transform_2, window_bounds = array<i64: 1, 1>}, {transform_indices = @transform_3, window_bounds = array<i64: 1, 8, 585>}]} {
    %eq3A = arith.constant 0 : i32
    %eq3A_0 = arith.cmpi eq, %arg0, %eq3A : i32
    %convert_element_type3A = arith.extui %eq3A_0 : i1 to i32
    %cond3A = arith.constant 0 : i32
    %cond3A_1 = arith.cmpi ne, %convert_element_type3A, %cond3A : i32
    scf.if %cond3A_1 {
      %dma_start3A = arith.constant 0 : i32
      %dma_start3A_34 = arith.constant 0 : i32
      %dma_start3A_35 = tpu.memref_slice %arg6[%dma_start3A_34] : memref<3x!tpu.dma_semaphore, #tpu.memory_space<semaphore_mem>> -> memref<1x!tpu.dma_semaphore, #tpu.memory_space<semaphore_mem>>
      %dma_start3A_36 = tpu.memref_squeeze %dma_start3A_35 : memref<1x!tpu.dma_semaphore, #tpu.memory_space<semaphore_mem>> -> memref<!tpu.dma_semaphore, #tpu.memory_space<semaphore_mem>>
      %dma_start3A_37 = arith.constant 0 : i32
      %dma_start3A_38 = arith.constant 0 : i32
      %dma_start3A_39 = tpu.memref_slice %arg5[%dma_start3A, %dma_start3A_37, %dma_start3A_38] : memref<3x4680x512xf32, #tpu.memory_space<vmem>> -> memref<1x4680x512xf32, #tpu.memory_space<vmem>>
      %dma_start3A_40 = tpu.memref_squeeze %dma_start3A_39 : memref<1x4680x512xf32, #tpu.memory_space<vmem>> -> memref<4680x512xf32, #tpu.memory_space<vmem>>
      %dma_start3A_41 = arith.constant 0 : i32
      %dma_start3A_42 = arith.constant 0 : i32
      %dma_start3A_43 = tpu.memref_slice %arg1[%dma_start3A_41, %dma_start3A_42] : memref<100000x512xf32, #tpu.memory_space<any>> -> memref<4680x512xf32, #tpu.memory_space<any>>
      tpu.enqueue_dma source(%dma_start3A_43 : memref<4680x512xf32, #tpu.memory_space<any>>) target(%dma_start3A_40 : memref<4680x512xf32, #tpu.memory_space<vmem>>) target_semaphore(%dma_start3A_36 : memref<!tpu.dma_semaphore, #tpu.memory_space<semaphore_mem>>)
      %dma_start3A_44 = arith.constant 1 : i32
      %dma_start3A_45 = arith.constant 1 : i32
      %dma_start3A_46 = tpu.memref_slice %arg6[%dma_start3A_45] : memref<3x!tpu.dma_semaphore, #tpu.memory_space<semaphore_mem>> -> memref<1x!tpu.dma_semaphore, #tpu.memory_space<semaphore_mem>>
      %dma_start3A_47 = tpu.memref_squeeze %dma_start3A_46 : memref<1x!tpu.dma_semaphore, #tpu.memory_space<semaphore_mem>> -> memref<!tpu.dma_semaphore, #tpu.memory_space<semaphore_mem>>
      %dma_start3A_48 = arith.constant 0 : i32
      %dma_start3A_49 = arith.constant 0 : i32
      %dma_start3A_50 = tpu.memref_slice %arg5[%dma_start3A_44, %dma_start3A_48, %dma_start3A_49] : memref<3x4680x512xf32, #tpu.memory_space<vmem>> -> memref<1x4680x512xf32, #tpu.memory_space<vmem>>
      %dma_start3A_51 = tpu.memref_squeeze %dma_start3A_50 : memref<1x4680x512xf32, #tpu.memory_space<vmem>> -> memref<4680x512xf32, #tpu.memory_space<vmem>>
      %dma_start3A_52 = arith.constant 4680 : i32
      %dma_start3A_53 = arith.constant 0 : i32
      %dma_start3A_54 = tpu.memref_slice %arg1[%dma_start3A_52, %dma_start3A_53] : memref<100000x512xf32, #tpu.memory_space<any>> -> memref<4680x512xf32, #tpu.memory_space<any>>
      tpu.enqueue_dma source(%dma_start3A_54 : memref<4680x512xf32, #tpu.memory_space<any>>) target(%dma_start3A_51 : memref<4680x512xf32, #tpu.memory_space<vmem>>) target_semaphore(%dma_start3A_47 : memref<!tpu.dma_semaphore, #tpu.memory_space<semaphore_mem>>)
      %dma_start3A_55 = arith.constant 2 : i32
      %dma_start3A_56 = arith.constant 2 : i32
      %dma_start3A_57 = tpu.memref_slice %arg6[%dma_start3A_56] : memref<3x!tpu.dma_semaphore, #tpu.memory_space<semaphore_mem>> -> memref<1x!tpu.dma_semaphore, #tpu.memory_space<semaphore_mem>>
      %dma_start3A_58 = tpu.memref_squeeze %dma_start3A_57 : memref<1x!tpu.dma_semaphore, #tpu.memory_space<semaphore_mem>> -> memref<!tpu.dma_semaphore, #tpu.memory_space<semaphore_mem>>
      %dma_start3A_59 = arith.constant 0 : i32
      %dma_start3A_60 = arith.constant 0 : i32
      %dma_start3A_61 = tpu.memref_slice %arg5[%dma_start3A_55, %dma_start3A_59, %dma_start3A_60] : memref<3x4680x512xf32, #tpu.memory_space<vmem>> -> memref<1x4680x512xf32, #tpu.memory_space<vmem>>
      %dma_start3A_62 = tpu.memref_squeeze %dma_start3A_61 : memref<1x4680x512xf32, #tpu.memory_space<vmem>> -> memref<4680x512xf32, #tpu.memory_space<vmem>>
      %dma_start3A_63 = arith.constant 9360 : i32
      %dma_start3A_64 = arith.constant 0 : i32
      %dma_start3A_65 = tpu.memref_slice %arg1[%dma_start3A_63, %dma_start3A_64] : memref<100000x512xf32, #tpu.memory_space<any>> -> memref<4680x512xf32, #tpu.memory_space<any>>
      tpu.enqueue_dma source(%dma_start3A_65 : memref<4680x512xf32, #tpu.memory_space<any>>) target(%dma_start3A_62 : memref<4680x512xf32, #tpu.memory_space<vmem>>) target_semaphore(%dma_start3A_58 : memref<!tpu.dma_semaphore, #tpu.memory_space<semaphore_mem>>)
    } else {
    }
    %rem3A = arith.constant 3 : i32
    %rem3A_2 = arith.remsi %arg0, %rem3A : i32
    %mul3A = arith.constant 4680 : i32
    %mul3A_3 = arith.muli %arg0, %mul3A : i32
    %dma_wait3A = tpu.memref_slice %arg6[%rem3A_2] : memref<3x!tpu.dma_semaphore, #tpu.memory_space<semaphore_mem>> -> memref<1x!tpu.dma_semaphore, #tpu.memory_space<semaphore_mem>>
    %dma_wait3A_4 = tpu.memref_squeeze %dma_wait3A : memref<1x!tpu.dma_semaphore, #tpu.memory_space<semaphore_mem>> -> memref<!tpu.dma_semaphore, #tpu.memory_space<semaphore_mem>>
    %dma_wait3A_5 = arith.constant 0 : i32
    %dma_wait3A_6 = arith.constant 0 : i32
    %dma_wait3A_7 = tpu.memref_slice %arg5[%rem3A_2, %dma_wait3A_5, %dma_wait3A_6] : memref<3x4680x512xf32, #tpu.memory_space<vmem>> -> memref<1x4680x512xf32, #tpu.memory_space<vmem>>
    %dma_wait3A_8 = tpu.memref_squeeze %dma_wait3A_7 : memref<1x4680x512xf32, #tpu.memory_space<vmem>> -> memref<4680x512xf32, #tpu.memory_space<vmem>>
    %dma_wait3A_9 = arith.constant 0 : i32
    %dma_wait3A_10 = tpu.memref_slice %arg1[%mul3A_3, %dma_wait3A_9] : memref<100000x512xf32, #tpu.memory_space<any>> -> memref<4680x512xf32, #tpu.memory_space<any>>
    tpu.wait_dma2 semaphore(%dma_wait3A_4 : memref<!tpu.dma_semaphore, #tpu.memory_space<semaphore_mem>>) src(%dma_wait3A_10 : memref<4680x512xf32, #tpu.memory_space<any>>) dst(%dma_wait3A_8 : memref<4680x512xf32, #tpu.memory_space<vmem>>)
    %get3A = arith.index_cast %rem3A_2 : i32 to index
    %get3A_11 = arith.constant 0 : index
    %get3A_12 = arith.constant 0 : index
    %get3A_13 = vector.load %arg5[%get3A, %get3A_11, %get3A_12] : memref<3x4680x512xf32, #tpu.memory_space<vmem>>, vector<1x4680x512xf32>
    %get3A_14 = vector.shape_cast %get3A_13 : vector<1x4680x512xf32> to vector<4680x512xf32>
    %max3A = arith.constant 0.000000e+00 : f32
    %max3A_15 = vector.broadcast %max3A : f32 to vector<4680x512xf32>
    %max3A_16 = arith.maximumf %get3A_14, %max3A_15 : vector<4680x512xf32>
    %get3A_17 = arith.constant 0 : index
    %get3A_18 = arith.constant 0 : index
    %get3A_19 = vector.load %arg2[%get3A_17, %get3A_18] : memref<512x1xf32, #tpu.memory_space<vmem>>, vector<512x1xf32>
    %dot_general3A = arith.constant dense<0.000000e+00> : vector<1x4680xf32>
    %dot_general3A_20 = tpu.matmul %get3A_19, %max3A_16, %dot_general3A {dimension_numbers = #tpu.dot_dimension_numbers<[0], [1], [1], [0], [0, 1, 1, 0], [], []>, transpose_lhs_hint = false} : vector<512x1xf32>, vector<4680x512xf32>, vector<1x4680xf32> -> vector<1x4680xf32>
    %get3A_21 = arith.constant 0 : index
    %get3A_22 = arith.constant 0 : index
    %get3A_23 = memref.load %arg3[%get3A_21, %get3A_22] : memref<1x1xf32, #tpu.memory_space<smem>>
    %add3A = vector.broadcast %get3A_23 : f32 to vector<1x4680xf32>
    %add3A_24 = arith.addf %dot_general3A_20, %add3A : vector<1x4680xf32>
    %reshape3A = vector.shape_cast %add3A_24 : vector<1x4680xf32> to vector<1x8x585xf32>
    %swap3A = arith.constant 0 : index
    %swap3A_25 = arith.constant 0 : index
    %swap3A_26 = arith.constant 0 : index
    %swap3A_27 = vector.load %arg4[%swap3A, %swap3A_25, %swap3A_26] : memref<1x8x585xf32, #tpu.memory_space<vmem>>, vector<1x8x585xf32>
    tpu.vector_store %arg4[%swap3A, %swap3A_25, %swap3A_26], %reshape3A {strides = array<i32>} : memref<1x8x585xf32, #tpu.memory_space<vmem>>, vector<1x8x585xf32>,
    %add3A_28 = arith.constant 3 : i32
    %add3A_29 = arith.addi %arg0, %add3A_28 : i32
    %lt3A = arith.constant 20 : i32
    %lt3A_30 = arith.cmpi slt, %add3A_29, %lt3A : i32
    %convert_element_type3A_31 = arith.extui %lt3A_30 : i1 to i32
    %cond3A_32 = arith.constant 0 : i32
    %cond3A_33 = arith.cmpi ne, %convert_element_type3A_31, %cond3A_32 : i32
    scf.if %cond3A_33 {
      %mul3A_34 = arith.constant 4680 : i32
      %mul3A_35 = arith.muli %add3A_29, %mul3A_34 : i32
      %dma_start3A = tpu.memref_slice %arg6[%rem3A_2] : memref<3x!tpu.dma_semaphore, #tpu.memory_space<semaphore_mem>> -> memref<1x!tpu.dma_semaphore, #tpu.memory_space<semaphore_mem>>
      %dma_start3A_36 = tpu.memref_squeeze %dma_start3A : memref<1x!tpu.dma_semaphore, #tpu.memory_space<semaphore_mem>> -> memref<!tpu.dma_semaphore, #tpu.memory_space<semaphore_mem>>
      %dma_start3A_37 = arith.constant 0 : i32
      %dma_start3A_38 = arith.constant 0 : i32
      %dma_start3A_39 = tpu.memref_slice %arg5[%rem3A_2, %dma_start3A_37, %dma_start3A_38] : memref<3x4680x512xf32, #tpu.memory_space<vmem>> -> memref<1x4680x512xf32, #tpu.memory_space<vmem>>
      %dma_start3A_40 = tpu.memref_squeeze %dma_start3A_39 : memref<1x4680x512xf32, #tpu.memory_space<vmem>> -> memref<4680x512xf32, #tpu.memory_space<vmem>>
      %dma_start3A_41 = arith.constant 0 : i32
      %dma_start3A_42 = tpu.memref_slice %arg1[%mul3A_35, %dma_start3A_41] : memref<100000x512xf32, #tpu.memory_space<any>> -> memref<4680x512xf32, #tpu.memory_space<any>>
      tpu.enqueue_dma source(%dma_start3A_42 : memref<4680x512xf32, #tpu.memory_space<any>>) target(%dma_start3A_40 : memref<4680x512xf32, #tpu.memory_space<vmem>>) target_semaphore(%dma_start3A_36 : memref<!tpu.dma_semaphore, #tpu.memory_space<semaphore_mem>>)
    } else {
    }
    return
  }
  func.func @transform_1(%arg0: i32) -> (i32, i32) {
    %c0_i32 = arith.constant 0 : i32
    %c0_i32_0 = arith.constant 0 : i32
    %c0_i32_1 = arith.constant 0 : i32
    return %c0_i32, %c0_i32_0 : i32, i32
  }
  func.func @transform_2(%arg0: i32) -> (i32, i32) {
    %c0_i32 = arith.constant 0 : i32
    %c0_i32_0 = arith.constant 0 : i32
    %c0_i32_1 = arith.constant 0 : i32
    return %c0_i32, %c0_i32_0 : i32, i32
  }
  func.func @transform_3(%arg0: i32) -> (i32, i32, i32) {
    %c0_i32 = arith.constant 0 : i32
    %c0_i32_0 = arith.constant 0 : i32
    %c0_i32_1 = arith.constant 0 : i32
    return %arg0, %c0_i32, %c0_i32_0 : i32, i32, i32
  }
}

</mosaic_0001>

<sc_bundles>
// kernel: kernel.4.cloned.1.call-start
scs
__scs_entry_jumppad:
0x0: {  	(pc) =	sbr.rel $0x88, $3  }
0x1: {  	(tag) =	ssettag $0x0;
	lr =	simm.s32 $0x1  }
0x2: {  	[smem:$0x3F9E] =	sst lr;
	_ =	strace $0xD0000000  }
0x3: {  	_ = 	snop  }
0x4: {  	_ = 	snop  }
0x5: {  	_ = 	snop  }
0x6: {  	_ = 	snop  }
0x7: {  	_ = 	snop  }
__scs_overlays_trampoline_lowered:
0x8: {  	[smem:$0x3FAD] =	sst s0  }
0x9: {  	[smem:$0x3FAE] =	sst s1  }
0xa: {  	[smem:$0x3FAF] =	sst s2  }
0xb: {  	[smem:$0x3FB0] =	sst s3  }
0xc: {  	[smem:$0x3FB1] =	sst s4  }
0xd: {  	[smem:$0x3FB2] =	sst s5  }
0xe: {  	[smem:$0x3FB3] =	sst s6  }
0xf: {  	[smem:$0x3FB4] =	sst s7  }
0x10: {  	[smem:$0x3FB5] =	sst s8  }
0x11: {  	[smem:$0x3FB6] =	sst s9;
	s0 =	simm.s32 @!p0 $0x0  }
0x12: {  	s1 =	sld [smem:$0x3F9C];
	s0 =	simm.s32 @p0 $0x1  }
0x13: {  	[smem:$0x3FB7] =	sst s0;
	s0 =	simm.s32 @!p1 $0x0  }
0x14: {  	s2 =	sld [smem:$0x3F9B];
	s0 =	simm.s32 @p1 $0x1  }
0x15: {  	[smem:$0x3FB8] =	sst s0;
	s0 =	simm.s32 @!p2 $0x0  }
0x16: {  	s3 =	sld [smem:$0x3FDB];
	s0 =	simm.s32 @p2 $0x1  }
0x17: {  	s4 =	simm.s32 $0x1BF5;
	[smem:$0x3FBA] =	sst s0  }
0x18: {  	s0 =	sld [smem:$0x3F9D];
	_ =	swait.ge [sflag:s4], $0x0  }
0x19: {  	s7 =	sld [smem:$0x3F9E]  }
0x1a: {  	s8 =	sadd.s32 $0xFFFFE003, lr  }
0x1b: {  	s9 =	sadd.s32 $0xFFFFFEF7, lr;
	s5 =	simm.s32 $0xFFFFFFFF;
	p2 =	slt.u32 s8, $0xFFFFF086  }
0x1c: {  	p1 =	slt.u32 s9, $0xF7A;
	s5 =	simm.s32 @!p2 $0x0  }
0x1d: {  	s5 =	simm.s32 @p1 $0x1;
	p0 =	seq.s32 s7, s2  }
0x1e: {  	s7 =	smul.u32 @!p0 $0xF7A, s2;
	p2 =	seq.s32 @!p0 s5, $0x0  }
0x1f: {  	s9 =	smul.u32 $0xF7A, s1;
	s8 =	simm.s32 @!p0 $0x1BF5;
	p2 =	por !p2, p0  }
0x20: {  	[sflag:s8] =	ssyncset.s32 @!p0 $0xFFFFF086;
	s6 =	sadd.s32 @!p0 s3, s7;
	s7 =	simm.s32 @!p0 $0x108  }
0x21: {  	s3 =	sadd.s32 s3, s9;
	s6 =	sadd.s32 @!p0 $0x88, s6;
	s7 =	simm.s32 @p2 $0x1082  }
0x22: {  	[simem:s7], [sflag:s8] =	dma.local @!p0 [hbm:s6], $0xF7A  }
0x23: {  	s9 =	sor.u32 $0xD0000000, s2;
	s6 =	simm.s32 $0x108;
	_ =	swait.ge @!p0 [sflag:s8], $0x0  }
0x24: {  	s3 =	sadd.s32 $0x88, s3;
	s6 =	simm.s32 @!p1 $0x1082;
	[sflag:s4] =	ssyncset.s32 $0xFFFFF086  }
0x25: {  	[simem:s6], [sflag:s4] =	dma.local [hbm:s3], $0xF7A  }
0x26: {  	[smem:$0x3F9E] =	sst s1;
	(tag) =	ssettag s2;
	_ =	strace s9  }
0x27: {  	s1 =	sld [smem:$0x3FAE]  }
0x28: {  	s2 =	sld [smem:$0x3FAF]  }
0x29: {  	s4 =	sld [smem:$0x3FB1]  }
0x2a: {  	p0 =	seq.s32 s5, $0x0;
	s5 =	sld [smem:$0x3FB2]  }
0x2b: {  	s6 =	sld [smem:$0x3FB3]  }
0x2c: {  	s7 =	sld [smem:$0x3FB4]  }
0x2d: {  	s3 =	simm.s32 $0x108;
	s8 =	sld [smem:$0x3FB5]  }
0x2e: {  	s3 =	simm.s32 @!p0 $0x1082;
	s9 =	sld [smem:$0x3FB6]  }
0x2f: {  	lr =	sadd.s32 s0, s3;
	s0 =	sld [smem:$0x3FAD]  }
0x30: {  	s3 =	sld [smem:$0x3FB0]  }
0x31: {  	[smem:$0x3FB9] =	sst s10  }
0x32: {  	s10 =	sld [smem:$0x3FB7];
	_ =	sdelay $0x3  }
0x33: {  	p0 =	seq.s32 s10, $0x1;
	s10 =	sld [smem:$0x3FB9];
	_ =	sdelay $0x3  }
0x34: {  	[smem:$0x3FB9] =	sst s10  }
0x35: {  	s10 =	sld [smem:$0x3FB8];
	_ =	sdelay $0x3  }
0x36: {  	p1 =	seq.s32 s10, $0x1;
	s10 =	sld [smem:$0x3FB9];
	_ =	sdelay $0x3  }
0x37: {  	[smem:$0x3FB9] =	sst s10  }
0x38: {  	s10 =	sld [smem:$0x3FBA]  }
0x39: {  	_ = 	snop;
	(pc) =	sbr.ind lr, $3  }
0x3a: {  	_ = 	snop  }
0x3b: {  	_ = 	snop  }
0x3c: {  	p2 =	seq.s32 s10, $0x1;
	s10 =	sld [smem:$0x3FB9]  }
0x3d: {  	_ =	shalt  }
0x3e: {  	_ =	shalt  }
0x3f: {  	_ =	shalt  }
0x40: {  	_ =	shalt  }
0x41: {  	_ =	shalt  }
0x42: {  	_ =	shalt  }
0x43: {  	_ =	shalt  }
0x44: {  	_ =	shalt  }
0x45: {  	_ =	shalt  }
0x46: {  	_ =	shalt  }
0x47: {  	_ =	shalt  }
0x48: {  	_ =	shalt  }
0x49: {  	_ =	shalt  }
0x4a: {  	_ =	shalt  }
0x4b: {  	_ =	shalt  }
0x4c: {  	_ =	shalt  }
0x4d: {  	_ =	shalt  }
0x4e: {  	_ =	shalt  }
0x4f: {  	_ =	shalt  }
0x50: {  	_ =	shalt  }
0x51: {  	_ =	shalt  }
0x52: {  	_ =	shalt  }
0x53: {  	_ =	shalt  }
0x54: {  	_ =	shalt  }
0x55: {  	_ =	shalt  }
0x56: {  	_ =	shalt  }
0x57: {  	_ =	shalt  }
0x58: {  	_ =	shalt  }
0x59: {  	_ =	shalt  }
0x5a: {  	_ =	shalt  }
0x5b: {  	_ =	shalt  }
0x5c: {  	_ =	shalt  }
0x5d: {  	_ =	shalt  }
0x5e: {  	_ =	shalt  }
0x5f: {  	_ =	shalt  }
0x60: {  	_ =	shalt  }
0x61: {  	_ =	shalt  }
0x62: {  	_ =	shalt  }
0x63: {  	_ =	shalt  }
0x64: {  	_ =	shalt  }
0x65: {  	_ =	shalt  }
0x66: {  	_ =	shalt  }
0x67: {  	_ =	shalt  }
0x68: {  	_ =	shalt  }
0x69: {  	_ =	shalt  }
0x6a: {  	_ =	shalt  }
0x6b: {  	_ =	shalt  }
0x6c: {  	_ =	shalt  }
0x6d: {  	_ =	shalt  }
0x6e: {  	_ =	shalt  }
0x6f: {  	_ =	shalt  }
0x70: {  	_ =	shalt  }
0x71: {  	_ =	shalt  }
0x72: {  	_ =	shalt  }
0x73: {  	_ =	shalt  }
0x74: {  	_ =	shalt  }
0x75: {  	_ =	shalt  }
0x76: {  	_ =	shalt  }
0x77: {  	_ =	shalt  }
0x78: {  	_ =	shalt  }
0x79: {  	_ =	shalt  }
0x7a: {  	_ =	shalt  }
0x7b: {  	_ =	shalt  }
0x7c: {  	_ =	shalt  }
0x7d: {  	_ =	shalt  }
0x7e: {  	_ =	shalt  }
0x7f: {  	_ =	shalt  }
0x80: {  	_ =	shalt  }
0x81: {  	_ =	shalt  }
0x82: {  	_ =	shalt  }
0x83: {  	_ =	shalt  }
0x84: {  	_ =	shalt  }
0x85: {  	_ =	shalt  }
0x86: {  	_ =	shalt  }
0x87: {  	_ =	shalt  }
.Lfunc_end0:
.L_simem_size_0:
called_computation_lowered:
.L_overlay_start_0:
0x88: {  	s2 =	sld [smem:$0x3FD9]  }
0x89: {  	s3 =	sld [smem:$0x3FFE];
	_ =	sdelay $0x1  }
0x8a: {  	s1 =	srdreg.scid  }
0x8b: {  	s0 =	sand.u32 $0x1, s1  }
0x8c: {  	s18 =	sshll.u32 s0, $0xA;
	s2 =	sadd.s32 s3, s2  }
0x8d: {  	s2 =	sadd.s32 s2, s18  }
0x8e: {  	[smem:$0x3FC5] =	sst s2  }
0x8f: {  	_ = 	snop  }
0x90: {  	s2 =	sld [smem:$0x3FC9]  }
0x91: {  	s19 =	sld [smem:$0x3FC8]  }
0x92: {  	s4 =	sld [smem:$0x3FD0];
	(tm) =	ssettm $0x1  }
0x93: {  	s5 =	sld [smem:$0x3FFB];
	_ =	sdelay $0x3  }
0x94: {  	_ =	strace s5  }
0x95: {  	s5 =	sld [smem:$0x3FFC];
	_ =	sdelay $0x3  }
0x96: {  	_ =	strace s5  }
0x97: {  	s5 =	sld [smem:$0x3FFD];
	_ =	sdelay $0x3  }
0x98: {  	_ =	strace s5  }
0x99: {  	_ =	strace $0x8FFFFFFF  }
0x9a: {  	s20 =	sld [smem:$0x3FDB];
	_ =	sdelay $0x1  }
0x9b: {  	s6 =	simm.s32 $_scs_section_size  }
0x9c: {  	s7 =	simm.s32 $_size__tile_overlayer_lowered;
	s8 =	simm.s32 $_tile_overlayer_lowered  }
0x9d: {  	s23 =	simm.s32 $0x1BFF;
	s22 =	sshll.u32 s8, $0x1;
	s5 =	sadd.s32 s6, s20  }
0x9e: {  	s9 =	simm.s32 $0x0;
	s21 =	sshll.u32 s7, $0x1;
	s7 =	sadd.s32 s22, s5  }
0x9f: {  	[timem:s9], [sflag:s23] =	dma.local [hbm:s7], s21  }
0xa0: {  	_ =	swait.ge [sflag:s23], s21  }
0xa1: {  	s6 =	ssub.s32 $0x0, s21;
	[sflag:s23] =	ssyncset.done $0x0  }
0xa2: {  	[sflag:s23] =	ssyncadd.s32 s6;
	_ =	sdelay $0x1  }
0xa3: {  	s24 =	simm.s32 $0x1B8B  }
0xa4: {  	_ =	swait.ge [sflag:s24], $0x1  }
0xa5: {  	[sflag:s24] =	ssyncset.done $0x0  }
0xa6: {  	s25 =	simm.s32 $0x1B8E;
	[sflag:s24] =	ssyncadd.s32 $0xFFFFFFFF  }
0xa7: {  	s26 =	simm.s32 $execute0_lowered;
	[smem:$0x3FD2] =	sst s25  }
0xa8: {  	s6 =	sshll.u32 s26, $0x1;
	_ =	strace $0x80000046;
	[dreg:$0x1] =	wrdreg $0xFFFFFFFF  }
0xa9: {  	s28 =	simm.s32 $_size_execute0_lowered;
	s5 =	sadd.s32 s5, s6;
	[dreg:$0x0] =	wrdreg $0x0  }
0xaa: {  	s6 =	sshll.u32 s28, $0x1;
	[dreg:$0x2] =	wrdreg s5  }
0xab: {  	[dreg:$0x3] =	wrdreg s6  }
0xac: {  	[dreg:$0x4] =	wrdreg $0xC0  }
0xad: {  	_ =	task [dreg:s9], $0x5FFFF  }
0xae: {  	[dreg:$0x1] =	wrdreg $0xFFFFFFFF  }
0xaf: {  	[dreg:$0x0] =	wrdreg $0x60  }
0xb0: {  	[dreg:$0x2] =	wrdreg s2  }
0xb1: {  	[dreg:$0x3] =	wrdreg s19  }
0xb2: {  	[dreg:$0x4] =	wrdreg s4  }
0xb3: {  	[dreg:$0x5] =	wrdreg $0x9  }
0xb4: {  	_ =	task.clear_ibuf [dreg:s9], $0x6FFFF;
	_ =	strace $0x90000046  }
0xb5: {  	s29 =	simm.s32 $0x9;
	_ =	strace $0x80000048  }
0xb6: {  	_ =	swait.ge [sflag:s29], $0x1  }
0xb7: {  	[sflag:s29] =	ssyncadd.s32 $0xFFFFFFFF  }
0xb8: {  	_ =	strace $0x90000048  }
0xb9: {  	_ =	sfence  }
0xba: {  	s30 =	sld [smem:$0x0];
	_ =	sdelay $0x2  }
0xbb: {  	s31 =	sshll.u32 s1, $0xD;
	s1 =	sshrl.u32 s1, $0x2  }
0xbc: {  	s3 =	sand.u32 $0x4000, s31;
	s1 =	sadd.s32 s1, s30  }
0xbd: {  	s0 =	sor.u32 s3, s0;
	s1 =	sshll.u32 s1, $0x11  }
0xbe: {  	s0 =	sor.u32 s1, s0  }
0xbf: {  	s0 =	sadd.s32 $0x8F2B, s0  }
0xc0: {  	[sflag:s0] =	ssyncadd.remote.s32 $0x1  }
0xc1: {  	_ =	sfence.sel $0xFFFF  }
0xc2: {  	[dreg:$0x0] =	wrdreg $0xFFFFFFFF;
	(pc) =	sbr.abs _section_cstart, $3  }
0xc3: {  	[dreg:$0x1] =	wrdreg $0xFFFFFFFF  }
0xc4: {  	_ =	task.clear_ibuf [dreg:s9], $0x2FFFF;
	_ =	strace $0x9FFFFFFF  }
0xc5: {  	(tm) =	ssettm $0x7FFFFFFF  }
tec
execute0_lowered:
.L_overlay_start_1:
0x0: {  	(tag) =	ssettag $0x1  }
0x1: {  	v0 =	vimm.s32 $0xFEDCBA98;
	v1 =	vimm.s32 $0x76543210  }
0x2: {  	v2 =	vimm.s32 $0xBA98FEDC;
	v3 =	vimm.s32 $0x32107654;
	v4 =	vimm.s32 $0xDCFE98BA  }
0x3: {  	v5 =	vimm.s32 $0x54761032;
	v6 =	vimm.s32 $0xEFCDAB89;
	v7 =	vimm.s32 $0x67452301  }
0x4: {  	vm0 =	vmmov $0x1;
	vm1 =	vmmov $0x3;
	vm2 =	vmmov $0x7  }
0x5: {  	s0 =	rddreg [dreg:$0x0];
	vm3 =	vmmov $0xf;
	vm4 =	vmmov $0x1f;
	vm5 =	vmmov $0x3f  }
0x6: {  	s1 =	rddreg [dreg:$0x1];
	s3 =	srdreg.scid;
	vm6 =	vmmov $0x7f;
	vm7 =	vmmov $0xff;
	vm8 =	vmmov $0x1ff  }
0x7: {  	s2 =	stileid.u32;
	s7 =	rddreg [dreg:$0x2];
	s4 =	simm.s32 $0x0;
	vm9 =	vmmov $0x3ff;
	vm10 =	vmmov $0x7ff;
	vm11 =	vmmov $0xfff  }
0x8: {  	s12 =	simm.s32 $0x400;
	s13 =	simm.s32 $0xA200;
	s14 =	simm.s32 $0x3;
	v0 =	vunpack.c.l.s4.s8 v0;
	v1 =	vunpack.c.l.s4.s8 v1;
	v2 =	vunpack.c.l.s4.s8 v2  }
0x9: {  	v3 =	vunpack.c.l.s4.s8 v3;
	v4 =	vunpack.c.l.s4.s8 v4;
	v5 =	vunpack.c.l.s4.s8 v5;
	s5 =	sand.u32 $0x1, s3;
	s6 =	sshll.u32 s2, $0x1;
	s3 =	rddreg [dreg:$0x3]  }
0xa: {  	s15 =	simm.s32 $0x0;
	v6 =	vunpack.c.l.s4.s8 v6;
	v7 =	vunpack.c.l.s4.s8 v7;
	[smem:$0x7FF] =	sst s4;
	s6 =	sor.u32 s5, s6;
	v0 =	vunpack.c.0.s8.s32 v0  }
0xb: {  	s30 =	sshll.u32 s2, $0x6;
	s5 =	ssub.s32 $0x2, s5;
	v2 =	vunpack.c.0.s8.s32 v2;
	v3 =	vunpack.c.0.s8.s32 v3;
	v4 =	vunpack.c.0.s8.s32 v4;
	s8 =	smul.u32 $0xC8, s6  }
0xc: {  	_ =	strace $0x80000047;
	v5 =	vunpack.c.0.s8.s32 v5;
	v6 =	vunpack.c.0.s8.s32 v6;
	v7 =	vunpack.c.0.s8.s32 v7;
	s9 =	sshrl.u32 s5, $0x1;
	s11 =	sshll.u32 s6, $0x4  }
0xd: {  	vm12 =	vmmov $0x1fff;
	v1 =	vunpack.c.0.s8.s32 v1;
	s9 =	ssub.s32 s5, s9;
	s31 =	sand.u32 $0x70, s11;
	v2 =	vcombine.low v3, v2;
	s5 =	sadd.s32 $0x16DA0, s8  }
0xe: {  	s11 =	simm.s32 $0x80;
	v3 =	vcombine.low v5, v4;
	v4 =	vcombine.low v7, v6;
	v0 =	vand.u32 $0xF, v0;
	s8 =	sand.u32 $0x300, s30;
	s10 =	sshll.u32 s5, $0x6  }
0xf: {  	vm13 =	vmmov $0x3fff;
	vm14 =	vmmov $0x7fff;
	v0 =	vcombine.low v0, v1;
	s7 =	sadd.s32 s7, s8;
	s8 =	smax.u32 s9, $0x1;
	s9 =	simm.s32 $0xA000  }
0x10: {  	v1 =	vand.u32 $0xF, v2;
	v2 =	vand.u32 $0xF, v3;
	v3 =	vand.u32 $0xF, v4;
	s6 =	sadd.s32 s0, s10;
	s7 =	sadd.s32 s31, s7;
	s10 =	simm.s32 $0x4  }
.LBB2_1:
0x11: {  	[tilespmem:s9], [sflag:$0x4] =	stream.linear.gather [hbm4b:s1+s4], $0x200, $0x38;
	[tilespmem:$0xA300] =	vst v63  }
0x12: {  	_ =	swait.ge [sflag:s10], $0x200  }
0x13: {  	[sflag:s10] =	ssyncset.done $0x0  }
0x14: {  	s18 =	simm.s32 $0x0;
	[sflag:s10] =	ssyncadd.s32 $0xFFFFFE00  }
0x15: {  	[tilespmem:s4], [sflag:$0x1] =	stream.linear.gather [hbm4b:s6+s4], $0x5000, $0x38;
	[tilespmem:$0xA300] =	vst v63  }
.LBB2_2:
0x16: {  	s16 =	sadd.s32 $0x1, s18;
	p0 =	seq.s32 s18, $0x4  }
0x17: {  	s17 =	sand.u32 $0x1, s18;
	s20 =	smul.u32 @!p0 $0x28, s16  }
0x18: {  	s28 =	simm.s32 $0x0;
	s19 =	sxor.u32 @!p0 $0x1, s17;
	s23 =	smul.u32 $0x14000, s17  }
0x19: {  	s22 =	simm.s32 @!p0 $0x0;
	s21 =	smul.u32 @!p0 $0x14000, s19;
	s20 =	sadd.s32 @!p0 s5, s20  }
0x1a: {  	s26 =	sadd.s32 $0x1, s17;
	s19 =	sadd.s32 @!p0 $0x1, s19;
	s20 =	sshll.u32 @!p0 s20, $0x6  }
0x1b: {  	s17 =	sshrl.u32 s23, $0x2;
	s21 =	sshrl.u32 @!p0 s21, $0x2;
	s20 =	sadd.s32 @!p0 s0, s20  }
0x1c: {  	[tilespmem:s21], [sflag:s19] =	stream.linear.gather @!p0 [hbm4b:s20+s22], $0x5000, $0x38;
	[tilespmem:$0xA300] =	vst v63  }
0x1d: {  	s29 =	sand.u32 $0xC00, s28;
	s20 =	sadd.s32 $0x1000, s17;
	_ =	swait.ge [sflag:s26], $0x5000  }
0x1e: {  	s30 =	sand.u32 $0x70, s28;
	s31 =	sadd.s32 s29, s20;
	[sflag:s26] =	ssyncset.done $0x0  }
0x1f: {  	s21 =	sadd.s32 s30, s31;
	[sflag:s26] =	ssyncadd.s32 $0xFFFFB000  }
0x20: {  	s19 =	simm.s32 $0xA000;
	s22 =	sadd.s32 s29, s17;
	v4 =	vld [tilespmem:s21+$0x380]  }
0x21: {  	s22 =	sadd.s32 s30, s22;
	v10 =	vld [tilespmem:s19+$0x0]  }
0x22: {  	v5 =	vld [tilespmem:s22+$0x0]  }
0x23: {  	v6 =	vld [tilespmem:s22+$0x80]  }
0x24: {  	v7 =	vld [tilespmem:s22+$0x100]  }
0x25: {  	v16 =	vld [tilespmem:s22+$0x380]  }
0x26: {  	v12 =	vld [tilespmem:s22+$0x180]  }
0x27: {  	v11 =	vimm.f32 $0.0e+00;
	v20 =	vimm.f32 $0.0e+00;
	v19 =	vimm.f32 $0.0e+00;
	v13 =	vld [tilespmem:s22+$0x200]  }
0x28: {  	v18 =	vimm.f32 $0.0e+00;
	v17 =	vimm.f32 $0.0e+00;
	v14 =	vld [tilespmem:s22+$0x280];
	v4 =	vmax.f32 v4, $0.0e+00  }
0x29: {  	v5 =	vmax.f32 v5, $0.0e+00;
	v6 =	vmax.f32 v6, $0.0e+00;
	v4 =	vmul.f32 v4, v10  }
0x2a: {  	v15 =	vld [tilespmem:s22+$0x300];
	v28 =	vmax.f32 v16, $0.0e+00;
	v16 =	vimm.f32 $0.0e+00;
	v5 =	vmul.f32 v5, v10  }
0x2b: {  	v8 =	vadd.f32 v4, v11;
	v4 =	vmul.f32 v6, v10;
	v6 =	vmax.f32 v7, $0.0e+00  }
0x2c: {  	v9 =	vadd.f32 v5, v11;
	v5 =	vmul.f32 v6, v10;
	v6 =	vmax.f32 v12, $0.0e+00  }
0x2d: {  	v25 =	vld [tilespmem:s21+$0x0];
	v12 =	vmax.f32 v13, $0.0e+00;
	v13 =	vmax.f32 v14, $0.0e+00;
	v14 =	vimm.f32 $0.0e+00  }
0x2e: {  	v23 =	vld [tilespmem:s21+$0x80];
	v7 =	vadd.f32 v4, v11;
	v6 =	vmul.f32 v6, v10;
	v12 =	vmul.f32 v12, v10  }
0x2f: {  	v22 =	vld [tilespmem:s21+$0x100];
	v26 =	vmul.f32 v13, v10;
	v13 =	vmax.f32 v15, $0.0e+00;
	v15 =	vimm.f32 $0.0e+00  }
0x30: {  	v21 =	vld [tilespmem:s21+$0x180];
	s22 =	simm.s32 $0x80;
	v4 =	vadd.f32 v5, v11;
	v27 =	vmul.f32 v13, v10;
	v13 =	vimm.f32 $0.0e+00  }
0x31: {  	s24 =	simm.s32 $0x10;
	s23 =	simm.s32 $0x20;
	v24 =	vld [tilespmem:s21+$0x200];
	s25 =	sand.u32 $0xC00, s22;
	v5 =	vadd.f32 v6, v11;
	v6 =	vadd.f32 v12, v11;
	v12 =	vimm.f32 $0.0e+00  }
.LBB2_3:
0x32: {  	p0 =	sne.s32 s23, $0x1F0;
	s26 =	sand.u32 $0x70, s24;
	s24 =	sadd.s32 s25, s20;
	v11 =	vadd.f32 v26, v11;
	v26 =	vmul.f32 v28, v10;
	v25 =	vmax.f32 v25, $0.0e+00;
	v28 =	vld [tilespmem:s21+$0x280]  }
0x33: {  	s25 =	sadd.s32 s25, s17;
	v20 =	vadd.f32 v27, v20;
	v25 =	vmul.f32 v25, v10;
	v23 =	vmax.f32 v23, $0.0e+00;
	v27 =	vld [tilespmem:s21+$0x300];
	s21 =	sadd.s32 s26, s24;
	s24 =	smov.u32 s23  }
0x34: {  	s19 =	sadd.s32 $0x10, s19;
	s25 =	sadd.s32 s26, s25;
	v29 =	vld [tilespmem:s21+$0x380];
	v19 =	vadd.f32 v26, v19;
	v23 =	vmul.f32 v23, v10;
	v22 =	vmax.f32 v22, $0.0e+00  }
0x35: {  	v26 =	vld [tilespmem:s19+$0x0];
	v18 =	vadd.f32 v25, v18;
	v22 =	vmul.f32 v22, v10;
	v21 =	vmax.f32 v21, $0.0e+00  }
0x36: {  	v25 =	vld [tilespmem:s25+$0x0];
	v17 =	vadd.f32 v23, v17;
	v21 =	vmul.f32 v21, v10;
	v23 =	vmax.f32 v24, $0.0e+00  }
0x37: {  	v24 =	vld [tilespmem:s25+$0x80];
	v16 =	vadd.f32 v22, v16;
	v22 =	vmul.f32 v23, v10;
	v23 =	vmax.f32 v28, $0.0e+00  }
0x38: {  	v28 =	vld [tilespmem:s25+$0x100];
	v14 =	vadd.f32 v21, v14;
	v21 =	vmul.f32 v23, v10;
	v23 =	vmax.f32 v27, $0.0e+00  }
0x39: {  	v27 =	vld [tilespmem:s25+$0x180];
	v29 =	vmax.f32 v29, $0.0e+00;
	v15 =	vadd.f32 v22, v15;
	v22 =	vmul.f32 v23, v10  }
0x3a: {  	v23 =	vld [tilespmem:s25+$0x200];
	v29 =	vmul.f32 v29, v26;
	v13 =	vadd.f32 v21, v13;
	v10 =	vmov v26  }
0x3b: {  	v21 =	vmax.f32 v25, $0.0e+00;
	v26 =	vld [tilespmem:s25+$0x280];
	v12 =	vadd.f32 v22, v12  }
0x3c: {  	v21 =	vmul.f32 v21, v10;
	v22 =	vmax.f32 v24, $0.0e+00;
	v24 =	vld [tilespmem:s25+$0x300];
	v8 =	vadd.f32 v29, v8  }
0x3d: {  	v22 =	vmul.f32 v22, v10;
	v25 =	vmax.f32 v28, $0.0e+00;
	v28 =	vld [tilespmem:s25+$0x380]  }
.Ltmp0:
0x3e: {  	v9 =	vadd.f32 v21, v9;
	v21 =	vmul.f32 v25, v10;
	v27 =	vmax.f32 v27, $0.0e+00;
	v25 =	vld [tilespmem:s21+$0x0];
	(pc) =	sbr.rel @p0 .LBB2_3-.Ltmp0, $4  }
0x3f: {  	v7 =	vadd.f32 v22, v7;
	v27 =	vmul.f32 v27, v10;
	v22 =	vmax.f32 v23, $0.0e+00;
	v23 =	vld [tilespmem:s21+$0x80]  }
0x40: {  	v4 =	vadd.f32 v21, v4;
	v29 =	vmul.f32 v22, v10;
	v21 =	vmax.f32 v26, $0.0e+00;
	v22 =	vld [tilespmem:s21+$0x100]  }
0x41: {  	s22 =	sadd.s32 $0x80, s22;
	v5 =	vadd.f32 v27, v5;
	v26 =	vmul.f32 v21, v10;
	v24 =	vmax.f32 v24, $0.0e+00;
	v21 =	vld [tilespmem:s21+$0x180]  }
0x42: {  	s23 =	sadd.s32 $0x10, s23;
	s25 =	sand.u32 $0xC00, s22;
	v6 =	vadd.f32 v29, v6;
	v27 =	vmul.f32 v24, v10;
	v28 =	vmax.f32 v28, $0.0e+00;
	v24 =	vld [tilespmem:s21+$0x200]  }
0x43: {  	s22 =	sand.u32 $0x70, s24;
	s20 =	sadd.s32 s25, s20;
	v29 =	vld [tilespmem:s21+$0x280]  }
0x44: {  	v11 =	vadd.f32 v26, v11;
	v26 =	vmul.f32 v28, v10;
	v25 =	vmax.f32 v25, $0.0e+00;
	v28 =	vld [tilespmem:s21+$0x300];
	s20 =	sadd.s32 s22, s20  }
0x45: {  	s28 =	sadd.s32 s25, s17;
	s19 =	sadd.s32 $0x10, s19;
	v20 =	vadd.f32 v27, v20;
	v25 =	vmul.f32 v25, v10;
	v23 =	vmax.f32 v23, $0.0e+00;
	v27 =	vld [tilespmem:s20+$0x380]  }
0x46: {  	s21 =	sadd.s32 s22, s28;
	v19 =	vadd.f32 v26, v19;
	v23 =	vmul.f32 v23, v10;
	v22 =	vmax.f32 v22, $0.0e+00;
	v26 =	vld [tilespmem:s19+$0x0]  }
0x47: {  	v18 =	vadd.f32 v25, v18;
	v22 =	vmul.f32 v22, v10;
	v21 =	vmax.f32 v21, $0.0e+00;
	v25 =	vld [tilespmem:s21+$0x0]  }
0x48: {  	v17 =	vadd.f32 v23, v17;
	v21 =	vmul.f32 v21, v10;
	v23 =	vmax.f32 v24, $0.0e+00;
	v24 =	vld [tilespmem:s21+$0x80]  }
0x49: {  	v16 =	vadd.f32 v22, v16;
	v22 =	vmul.f32 v23, v10;
	v23 =	vmax.f32 v29, $0.0e+00;
	v29 =	vld [tilespmem:s21+$0x100]  }
0x4a: {  	v14 =	vadd.f32 v21, v14;
	v21 =	vmul.f32 v23, v10;
	v23 =	vmax.f32 v28, $0.0e+00;
	v28 =	vld [tilespmem:s21+$0x180]  }
0x4b: {  	v27 =	vmax.f32 v27, $0.0e+00;
	v15 =	vadd.f32 v22, v15;
	v10 =	vmul.f32 v23, v10;
	v22 =	vld [tilespmem:s21+$0x200]  }
0x4c: {  	v23 =	vmul.f32 v27, v26;
	v13 =	vadd.f32 v21, v13;
	v21 =	vmax.f32 v25, $0.0e+00  }
0x4d: {  	v25 =	vld [tilespmem:s21+$0x280];
	v10 =	vadd.f32 v10, v12;
	v12 =	vmul.f32 v21, v26;
	v21 =	vmax.f32 v24, $0.0e+00  }
0x4e: {  	v24 =	vld [tilespmem:s21+$0x300];
	v8 =	vadd.f32 v23, v8;
	v21 =	vmul.f32 v21, v26;
	v23 =	vmax.f32 v29, $0.0e+00  }
0x4f: {  	v27 =	vld [tilespmem:s21+$0x380];
	v9 =	vadd.f32 v12, v9;
	v12 =	vmul.f32 v23, v26;
	v23 =	vmax.f32 v28, $0.0e+00  }
0x50: {  	v28 =	vld [tilespmem:s20+$0x0];
	v7 =	vadd.f32 v21, v7;
	v21 =	vmul.f32 v23, v26;
	v22 =	vmax.f32 v22, $0.0e+00  }
0x51: {  	v23 =	vld [tilespmem:s20+$0x80];
	v4 =	vadd.f32 v12, v4;
	v12 =	vmul.f32 v22, v26  }
0x52: {  	v22 =	vmax.f32 v25, $0.0e+00;
	v25 =	vld [tilespmem:s20+$0x100];
	v5 =	vadd.f32 v21, v5  }
0x53: {  	v21 =	vmul.f32 v22, v26;
	v22 =	vmax.f32 v24, $0.0e+00;
	v6 =	vadd.f32 v12, v6  }
0x54: {  	v24 =	vld [tilespmem:s20+$0x180];
	v12 =	vmul.f32 v22, v26;
	v22 =	vmax.f32 v27, $0.0e+00;
	v27 =	vperm.xlane v4, v0  }
0x55: {  	v11 =	vadd.f32 v21, v11;
	v21 =	vmul.f32 v22, v26;
	v22 =	vmax.f32 v28, $0.0e+00  }
0x56: {  	v12 =	vadd.f32 v12, v20;
	v20 =	vmul.f32 v22, v26;
	v22 =	vmax.f32 v23, $0.0e+00  }
0x57: {  	v19 =	vadd.f32 v21, v19;
	v21 =	vmul.f32 v22, v26;
	v22 =	vmax.f32 v25, $0.0e+00  }
0x58: {  	v23 =	vld [tilespmem:s20+$0x200];
	v25 =	vperm.xlane v7, v0;
	v18 =	vadd.f32 v20, v18;
	v20 =	vperm.xlane v9, v0  }
0x59: {  	v4 =	vadd.f32 v27, v4;
	v24 =	vmax.f32 v24, $0.0e+00  }
0x5a: {  	v28 =	vld [tilespmem:s20+$0x280];
	v7 =	vadd.f32 v25, v7;
	v9 =	vadd.f32 v20, v9;
	v20 =	vperm.xlane v5, v0  }
0x5b: {  	v22 =	vmul.f32 v22, v26;
	v17 =	vadd.f32 v21, v17;
	v21 =	vmul.f32 v24, v26  }
0x5c: {  	v25 =	vperm.xlane v7, v1;
	v24 =	vperm.xlane v9, v1;
	v5 =	vadd.f32 v20, v5  }
0x5d: {  	v16 =	vadd.f32 v22, v16;
	v22 =	vperm.xlane v4, v1;
	v20 =	vmax.f32 v23, $0.0e+00  }
0x5e: {  	v23 =	vld [tilespmem:s20+$0x300];
	v7 =	vadd.f32 v25, v7;
	v9 =	vadd.f32 v24, v9;
	v24 =	vperm.xlane v5, v1  }
0x5f: {  	v4 =	vadd.f32 v22, v4;
	v20 =	vmul.f32 v20, v26;
	v25 =	vmax.f32 v28, $0.0e+00  }
0x60: {  	v27 =	vperm.xlane v7, v2;
	v22 =	vperm.xlane v9, v2;
	v5 =	vadd.f32 v24, v5  }
0x61: {  	v14 =	vadd.f32 v21, v14;
	v21 =	vmul.f32 v25, v26;
	v24 =	vperm.xlane v4, v2  }
0x62: {  	v7 =	vadd.f32 v27, v7;
	v9 =	vadd.f32 v22, v9;
	v22 =	vperm.xlane v5, v2  }
0x63: {  	v15 =	vadd.f32 v20, v15;
	v23 =	vmax.f32 v23, $0.0e+00;
	v4 =	vadd.f32 v24, v4  }
0x64: {  	v24 =	vperm.xlane v7, v3;
	v20 =	vperm.xlane v9, v3;
	v5 =	vadd.f32 v22, v5  }
0x65: {  	v13 =	vadd.f32 v21, v13;
	v22 =	vmul.f32 v23, v26;
	v21 =	vperm.xlane v4, v3  }
0x66: {  	v7 =	vadd.f32 v24, v7;
	v9 =	vadd.f32 v20, v9;
	v20 =	vperm.xlane v5, v3  }
0x67: {  	v10 =	vadd.f32 v22, v10;
	v4 =	vadd.f32 v21, v4;
	v21 =	vperm.xlane v6, v0  }
0x68: {  	v7 =	vsel vm0, v9, v7;
	v5 =	vadd.f32 v20, v5;
	v9 =	vperm.xlane v11, v0  }
0x69: {  	v6 =	vadd.f32 v21, v6;
	v4 =	vsel vm1, v7, v4;
	v7 =	vperm.xlane v12, v0  }
0x6a: {  	v4 =	vsel vm2, v4, v5;
	v5 =	vadd.f32 v9, v11;
	v9 =	vperm.xlane v19, v0  }
0x6b: {  	v11 =	vperm.xlane v6, v1;
	v7 =	vadd.f32 v7, v12;
	v12 =	vperm.xlane v18, v0  }
0x6c: {  	v20 =	vperm.xlane v5, v1;
	v9 =	vadd.f32 v9, v19;
	v19 =	vperm.xlane v17, v0  }
0x6d: {  	v6 =	vadd.f32 v11, v6;
	v11 =	vperm.xlane v7, v1;
	v12 =	vadd.f32 v12, v18  }
0x6e: {  	v5 =	vadd.f32 v20, v5;
	v18 =	vperm.xlane v9, v1;
	v17 =	vadd.f32 v19, v17  }
0x6f: {  	v19 =	vperm.xlane v6, v2;
	v7 =	vadd.f32 v11, v7;
	v11 =	vperm.xlane v12, v1  }
0x70: {  	v20 =	vperm.xlane v5, v2;
	v9 =	vadd.f32 v18, v9;
	v18 =	vperm.xlane v17, v1  }
0x71: {  	v6 =	vadd.f32 v19, v6;
	v19 =	vperm.xlane v7, v2;
	v11 =	vadd.f32 v11, v12  }
0x72: {  	v5 =	vadd.f32 v20, v5;
	v12 =	vperm.xlane v9, v2;
	v17 =	vadd.f32 v18, v17  }
0x73: {  	v18 =	vperm.xlane v6, v3;
	v7 =	vadd.f32 v19, v7;
	v19 =	vperm.xlane v11, v2  }
0x74: {  	v20 =	vperm.xlane v5, v3;
	v9 =	vadd.f32 v12, v9;
	v12 =	vperm.xlane v17, v2  }
0x75: {  	v6 =	vadd.f32 v18, v6;
	v18 =	vperm.xlane v7, v3;
	v11 =	vadd.f32 v19, v11  }
0x76: {  	v5 =	vadd.f32 v20, v5;
	v19 =	vperm.xlane v9, v3;
	v12 =	vadd.f32 v12, v17  }
0x77: {  	v4 =	vsel vm3, v4, v6;
	v6 =	vadd.f32 v18, v7;
	v7 =	vperm.xlane v11, v3  }
0x78: {  	v4 =	vsel vm4, v4, v5;
	v5 =	vadd.f32 v19, v9;
	v9 =	vperm.xlane v12, v3  }
0x79: {  	v4 =	vsel vm5, v4, v6;
	v6 =	vadd.f32 v7, v11;
	v7 =	vperm.xlane v16, v0  }
0x7a: {  	v4 =	vsel vm6, v4, v5;
	v5 =	vadd.f32 v9, v12;
	v9 =	vperm.xlane v14, v0  }
0x7b: {  	v4 =	vsel vm7, v4, v6;
	v6 =	vadd.f32 v7, v16;
	v7 =	vperm.xlane v15, v0  }
0x7c: {  	v4 =	vsel vm8, v4, v5;
	v5 =	vadd.f32 v9, v14;
	v9 =	vperm.xlane v13, v0  }
0x7d: {  	v12 =	vperm.xlane v10, v0;
	v11 =	vperm.xlane v6, v1;
	v7 =	vadd.f32 v7, v15  }
0x7e: {  	v14 =	vperm.xlane v5, v1;
	v9 =	vadd.f32 v9, v13;
	v13 =	vperm.xlane v8, v0  }
0x7f: {  	v10 =	vadd.f32 v12, v10;
	v6 =	vadd.f32 v11, v6;
	v11 =	vperm.xlane v7, v1  }
0x80: {  	v5 =	vadd.f32 v14, v5;
	v12 =	vperm.xlane v9, v1;
	v8 =	vadd.f32 v13, v8  }
0x81: {  	v13 =	vperm.xlane v6, v2;
	v7 =	vadd.f32 v11, v7;
	v11 =	vperm.xlane v10, v1  }
0x82: {  	v14 =	vperm.xlane v5, v2;
	v9 =	vadd.f32 v12, v9;
	v12 =	vperm.xlane v8, v1  }
0x83: {  	v6 =	vadd.f32 v13, v6;
	v13 =	vperm.xlane v7, v2;
	v10 =	vadd.f32 v11, v10  }
0x84: {  	v5 =	vadd.f32 v14, v5;
	v11 =	vperm.xlane v9, v2;
	v8 =	vadd.f32 v12, v8  }
0x85: {  	v12 =	vperm.xlane v6, v3;
	v7 =	vadd.f32 v13, v7;
	v13 =	vperm.xlane v10, v2  }
0x86: {  	v14 =	vperm.xlane v5, v3;
	v9 =	vadd.f32 v11, v9;
	v11 =	vperm.xlane v8, v2  }
0x87: {  	v6 =	vadd.f32 v12, v6;
	v12 =	vperm.xlane v7, v3;
	v10 =	vadd.f32 v13, v10  }
0x88: {  	v5 =	vadd.f32 v14, v5;
	v13 =	vperm.xlane v9, v3;
	v8 =	vadd.f32 v11, v8  }
0x89: {  	v4 =	vsel vm9, v4, v6;
	v6 =	vadd.f32 v12, v7;
	v7 =	vperm.xlane v10, v3  }
0x8a: {  	v4 =	vsel vm10, v4, v5;
	v5 =	vadd.f32 v13, v9;
	v9 =	vperm.xlane v8, v3  }
0x8b: {  	v4 =	vsel vm11, v4, v6;
	v6 =	vadd.f32 v7, v10  }
0x8c: {  	s18 =	smul.u32 $0xA0, s18;
	s29 =	simm.s32 $0x0;
	v4 =	vsel vm12, v4, v5;
	v5 =	vadd.f32 v9, v8  }
0x8d: {  	s23 =	sand.u32 $0xC00, s29;
	s19 =	sadd.s32 $0x3000, s17;
	v4 =	vsel vm13, v4, v6  }
0x8e: {  	s30 =	sand.u32 $0x70, s29;
	s18 =	sshra.s32 s18, $0x2;
	s31 =	sadd.s32 s23, s19;
	v4 =	vsel vm14, v4, v5  }
0x8f: {  	s22 =	sadd.s32 s30, s31;
	s21 =	sadd.s32 $0x2000, s17;
	[tilespmem:s18+$0xA200] =	vst v4  }
0x90: {  	s23 =	sadd.s32 s23, s21;
	s20 =	simm.s32 $0xA000;
	v4 =	vld [tilespmem:s22+$0x380]  }
0x91: {  	s23 =	sadd.s32 s30, s23;
	v10 =	vld [tilespmem:s20+$0x0]  }
0x92: {  	v5 =	vld [tilespmem:s23+$0x0]  }
0x93: {  	v6 =	vld [tilespmem:s23+$0x80]  }
0x94: {  	v7 =	vld [tilespmem:s23+$0x100]  }
0x95: {  	v16 =	vld [tilespmem:s23+$0x380]  }
0x96: {  	v12 =	vld [tilespmem:s23+$0x180]  }
0x97: {  	v20 =	vimm.f32 $0.0e+00;
	v17 =	vimm.f32 $0.0e+00;
	v18 =	vimm.f32 $0.0e+00;
	v13 =	vld [tilespmem:s23+$0x200]  }
0x98: {  	v19 =	vimm.f32 $0.0e+00;
	v11 =	vimm.f32 $0.0e+00;
	v14 =	vld [tilespmem:s23+$0x280];
	v4 =	vmax.f32 v4, $0.0e+00  }
0x99: {  	v5 =	vmax.f32 v5, $0.0e+00;
	v6 =	vmax.f32 v6, $0.0e+00;
	v4 =	vmul.f32 v4, v10  }
0x9a: {  	v15 =	vld [tilespmem:s23+$0x300];
	v28 =	vmax.f32 v16, $0.0e+00;
	v16 =	vimm.f32 $0.0e+00;
	v5 =	vmul.f32 v5, v10  }
0x9b: {  	v8 =	vadd.f32 v4, v11;
	v4 =	vmul.f32 v6, v10;
	v6 =	vmax.f32 v7, $0.0e+00  }
0x9c: {  	v9 =	vadd.f32 v5, v11;
	v5 =	vmul.f32 v6, v10;
	v6 =	vmax.f32 v12, $0.0e+00  }
0x9d: {  	v25 =	vld [tilespmem:s22+$0x0];
	v12 =	vmax.f32 v13, $0.0e+00;
	v13 =	vmax.f32 v14, $0.0e+00;
	v14 =	vimm.f32 $0.0e+00  }
0x9e: {  	v23 =	vld [tilespmem:s22+$0x80];
	v7 =	vadd.f32 v4, v11;
	v6 =	vmul.f32 v6, v10;
	v12 =	vmul.f32 v12, v10  }
0x9f: {  	v22 =	vld [tilespmem:s22+$0x100];
	v26 =	vmul.f32 v13, v10;
	v13 =	vmax.f32 v15, $0.0e+00;
	v15 =	vimm.f32 $0.0e+00  }
0xa0: {  	v21 =	vld [tilespmem:s22+$0x180];
	s23 =	simm.s32 $0x80;
	v4 =	vadd.f32 v5, v11;
	v27 =	vmul.f32 v13, v10;
	v13 =	vimm.f32 $0.0e+00  }
0xa1: {  	s25 =	simm.s32 $0x10;
	s24 =	simm.s32 $0x20;
	v24 =	vld [tilespmem:s22+$0x200];
	s26 =	sand.u32 $0xC00, s23;
	v5 =	vadd.f32 v6, v11;
	v6 =	vadd.f32 v12, v11;
	v12 =	vimm.f32 $0.0e+00  }
.LBB2_5:
0xa2: {  	p0 =	sne.s32 s24, $0x1F0;
	s28 =	sand.u32 $0x70, s25;
	s25 =	sadd.s32 s26, s19;
	v11 =	vadd.f32 v26, v11;
	v26 =	vmul.f32 v28, v10;
	v25 =	vmax.f32 v25, $0.0e+00;
	v28 =	vld [tilespmem:s22+$0x280]  }
0xa3: {  	s26 =	sadd.s32 s26, s21;
	v20 =	vadd.f32 v27, v20;
	v25 =	vmul.f32 v25, v10;
	v23 =	vmax.f32 v23, $0.0e+00;
	v27 =	vld [tilespmem:s22+$0x300];
	s22 =	sadd.s32 s28, s25;
	s25 =	smov.u32 s24  }
0xa4: {  	s20 =	sadd.s32 $0x10, s20;
	s26 =	sadd.s32 s28, s26;
	v29 =	vld [tilespmem:s22+$0x380];
	v19 =	vadd.f32 v26, v19;
	v23 =	vmul.f32 v23, v10;
	v22 =	vmax.f32 v22, $0.0e+00  }
0xa5: {  	v26 =	vld [tilespmem:s20+$0x0];
	v18 =	vadd.f32 v25, v18;
	v22 =	vmul.f32 v22, v10;
	v21 =	vmax.f32 v21, $0.0e+00  }
0xa6: {  	v25 =	vld [tilespmem:s26+$0x0];
	v17 =	vadd.f32 v23, v17;
	v21 =	vmul.f32 v21, v10;
	v23 =	vmax.f32 v24, $0.0e+00  }
0xa7: {  	v24 =	vld [tilespmem:s26+$0x80];
	v16 =	vadd.f32 v22, v16;
	v22 =	vmul.f32 v23, v10;
	v23 =	vmax.f32 v28, $0.0e+00  }
0xa8: {  	v28 =	vld [tilespmem:s26+$0x100];
	v14 =	vadd.f32 v21, v14;
	v21 =	vmul.f32 v23, v10;
	v23 =	vmax.f32 v27, $0.0e+00  }
0xa9: {  	v27 =	vld [tilespmem:s26+$0x180];
	v29 =	vmax.f32 v29, $0.0e+00;
	v15 =	vadd.f32 v22, v15;
	v22 =	vmul.f32 v23, v10  }
0xaa: {  	v23 =	vld [tilespmem:s26+$0x200];
	v29 =	vmul.f32 v29, v26;
	v13 =	vadd.f32 v21, v13;
	v10 =	vmov v26  }
0xab: {  	v21 =	vmax.f32 v25, $0.0e+00;
	v26 =	vld [tilespmem:s26+$0x280];
	v12 =	vadd.f32 v22, v12  }
0xac: {  	v21 =	vmul.f32 v21, v10;
	v22 =	vmax.f32 v24, $0.0e+00;
	v24 =	vld [tilespmem:s26+$0x300];
	v8 =	vadd.f32 v29, v8  }
0xad: {  	v22 =	vmul.f32 v22, v10;
	v25 =	vmax.f32 v28, $0.0e+00;
	v28 =	vld [tilespmem:s26+$0x380]  }
.Ltmp1:
0xae: {  	v9 =	vadd.f32 v21, v9;
	v21 =	vmul.f32 v25, v10;
	v27 =	vmax.f32 v27, $0.0e+00;
	v25 =	vld [tilespmem:s22+$0x0];
	(pc) =	sbr.rel @p0 .LBB2_5-.Ltmp1, $4  }
0xaf: {  	v7 =	vadd.f32 v22, v7;
	v27 =	vmul.f32 v27, v10;
	v22 =	vmax.f32 v23, $0.0e+00;
	v23 =	vld [tilespmem:s22+$0x80]  }
0xb0: {  	v4 =	vadd.f32 v21, v4;
	v29 =	vmul.f32 v22, v10;
	v21 =	vmax.f32 v26, $0.0e+00;
	v22 =	vld [tilespmem:s22+$0x100]  }
0xb1: {  	s23 =	sadd.s32 $0x80, s23;
	v5 =	vadd.f32 v27, v5;
	v26 =	vmul.f32 v21, v10;
	v24 =	vmax.f32 v24, $0.0e+00;
	v21 =	vld [tilespmem:s22+$0x180]  }
0xb2: {  	s24 =	sadd.s32 $0x10, s24;
	s26 =	sand.u32 $0xC00, s23;
	v6 =	vadd.f32 v29, v6;
	v27 =	vmul.f32 v24, v10;
	v28 =	vmax.f32 v28, $0.0e+00;
	v24 =	vld [tilespmem:s22+$0x200]  }
0xb3: {  	s24 =	sand.u32 $0x70, s25;
	s23 =	sadd.s32 s26, s19;
	v29 =	vld [tilespmem:s22+$0x280]  }
0xb4: {  	v11 =	vadd.f32 v26, v11;
	v26 =	vmul.f32 v28, v10;
	v25 =	vmax.f32 v25, $0.0e+00;
	v28 =	vld [tilespmem:s22+$0x300];
	s23 =	sadd.s32 s24, s23  }
0xb5: {  	s21 =	sadd.s32 s26, s21;
	s20 =	sadd.s32 $0x10, s20;
	v20 =	vadd.f32 v27, v20;
	v25 =	vmul.f32 v25, v10;
	v23 =	vmax.f32 v23, $0.0e+00;
	v27 =	vld [tilespmem:s23+$0x380]  }
0xb6: {  	s21 =	sadd.s32 s24, s21;
	v19 =	vadd.f32 v26, v19;
	v23 =	vmul.f32 v23, v10;
	v22 =	vmax.f32 v22, $0.0e+00;
	v26 =	vld [tilespmem:s20+$0x0]  }
0xb7: {  	v18 =	vadd.f32 v25, v18;
	v22 =	vmul.f32 v22, v10;
	v21 =	vmax.f32 v21, $0.0e+00;
	v25 =	vld [tilespmem:s21+$0x0]  }
0xb8: {  	v17 =	vadd.f32 v23, v17;
	v21 =	vmul.f32 v21, v10;
	v23 =	vmax.f32 v24, $0.0e+00;
	v24 =	vld [tilespmem:s21+$0x80]  }
0xb9: {  	v16 =	vadd.f32 v22, v16;
	v22 =	vmul.f32 v23, v10;
	v23 =	vmax.f32 v29, $0.0e+00;
	v29 =	vld [tilespmem:s21+$0x100]  }
0xba: {  	v14 =	vadd.f32 v21, v14;
	v21 =	vmul.f32 v23, v10;
	v23 =	vmax.f32 v28, $0.0e+00;
	v28 =	vld [tilespmem:s21+$0x180]  }
0xbb: {  	v27 =	vmax.f32 v27, $0.0e+00;
	v15 =	vadd.f32 v22, v15;
	v10 =	vmul.f32 v23, v10;
	v22 =	vld [tilespmem:s21+$0x200]  }
0xbc: {  	v23 =	vmul.f32 v27, v26;
	v13 =	vadd.f32 v21, v13;
	v21 =	vmax.f32 v25, $0.0e+00  }
0xbd: {  	v25 =	vld [tilespmem:s21+$0x280];
	v10 =	vadd.f32 v10, v12;
	v12 =	vmul.f32 v21, v26;
	v21 =	vmax.f32 v24, $0.0e+00  }
0xbe: {  	v24 =	vld [tilespmem:s21+$0x300];
	v8 =	vadd.f32 v23, v8;
	v21 =	vmul.f32 v21, v26;
	v23 =	vmax.f32 v29, $0.0e+00  }
0xbf: {  	v27 =	vld [tilespmem:s21+$0x380];
	v9 =	vadd.f32 v12, v9;
	v12 =	vmul.f32 v23, v26;
	v23 =	vmax.f32 v28, $0.0e+00  }
0xc0: {  	v28 =	vld [tilespmem:s23+$0x0];
	v7 =	vadd.f32 v21, v7;
	v21 =	vmul.f32 v23, v26;
	v22 =	vmax.f32 v22, $0.0e+00  }
0xc1: {  	v23 =	vld [tilespmem:s23+$0x80];
	v4 =	vadd.f32 v12, v4;
	v12 =	vmul.f32 v22, v26  }
0xc2: {  	v22 =	vmax.f32 v25, $0.0e+00;
	v25 =	vld [tilespmem:s23+$0x100];
	v5 =	vadd.f32 v21, v5  }
0xc3: {  	v21 =	vmul.f32 v22, v26;
	v22 =	vmax.f32 v24, $0.0e+00;
	v6 =	vadd.f32 v12, v6  }
0xc4: {  	v24 =	vld [tilespmem:s23+$0x180];
	v12 =	vmul.f32 v22, v26;
	v22 =	vmax.f32 v27, $0.0e+00;
	v27 =	vperm.xlane v4, v0  }
0xc5: {  	v11 =	vadd.f32 v21, v11;
	v21 =	vmul.f32 v22, v26;
	v22 =	vmax.f32 v28, $0.0e+00  }
0xc6: {  	v12 =	vadd.f32 v12, v20;
	v20 =	vmul.f32 v22, v26;
	v22 =	vmax.f32 v23, $0.0e+00  }
0xc7: {  	v19 =	vadd.f32 v21, v19;
	v21 =	vmul.f32 v22, v26;
	v22 =	vmax.f32 v25, $0.0e+00  }
0xc8: {  	v23 =	vld [tilespmem:s23+$0x200];
	v25 =	vperm.xlane v7, v0;
	v18 =	vadd.f32 v20, v18;
	v20 =	vperm.xlane v9, v0  }
0xc9: {  	v4 =	vadd.f32 v27, v4;
	v24 =	vmax.f32 v24, $0.0e+00  }
0xca: {  	v28 =	vld [tilespmem:s23+$0x280];
	v7 =	vadd.f32 v25, v7;
	v9 =	vadd.f32 v20, v9;
	v20 =	vperm.xlane v5, v0  }
0xcb: {  	v22 =	vmul.f32 v22, v26;
	v17 =	vadd.f32 v21, v17;
	v21 =	vmul.f32 v24, v26  }
0xcc: {  	v25 =	vperm.xlane v7, v1;
	v24 =	vperm.xlane v9, v1;
	v5 =	vadd.f32 v20, v5  }
0xcd: {  	v16 =	vadd.f32 v22, v16;
	v22 =	vperm.xlane v4, v1;
	v20 =	vmax.f32 v23, $0.0e+00  }
0xce: {  	v23 =	vld [tilespmem:s23+$0x300];
	v7 =	vadd.f32 v25, v7;
	v9 =	vadd.f32 v24, v9;
	v24 =	vperm.xlane v5, v1  }
0xcf: {  	v4 =	vadd.f32 v22, v4;
	v20 =	vmul.f32 v20, v26;
	v25 =	vmax.f32 v28, $0.0e+00  }
0xd0: {  	v27 =	vperm.xlane v7, v2;
	v22 =	vperm.xlane v9, v2;
	v5 =	vadd.f32 v24, v5  }
0xd1: {  	v14 =	vadd.f32 v21, v14;
	v21 =	vmul.f32 v25, v26;
	v24 =	vperm.xlane v4, v2  }
0xd2: {  	v7 =	vadd.f32 v27, v7;
	v9 =	vadd.f32 v22, v9;
	v22 =	vperm.xlane v5, v2  }
0xd3: {  	v15 =	vadd.f32 v20, v15;
	v23 =	vmax.f32 v23, $0.0e+00;
	v4 =	vadd.f32 v24, v4  }
0xd4: {  	v24 =	vperm.xlane v7, v3;
	v20 =	vperm.xlane v9, v3;
	v5 =	vadd.f32 v22, v5  }
0xd5: {  	v13 =	vadd.f32 v21, v13;
	v22 =	vmul.f32 v23, v26;
	v21 =	vperm.xlane v4, v3  }
0xd6: {  	v7 =	vadd.f32 v24, v7;
	v9 =	vadd.f32 v20, v9;
	v20 =	vperm.xlane v5, v3  }
0xd7: {  	v10 =	vadd.f32 v22, v10;
	v4 =	vadd.f32 v21, v4;
	v21 =	vperm.xlane v6, v0  }
0xd8: {  	v7 =	vsel vm0, v9, v7;
	v5 =	vadd.f32 v20, v5;
	v9 =	vperm.xlane v11, v0  }
0xd9: {  	v6 =	vadd.f32 v21, v6;
	v4 =	vsel vm1, v7, v4;
	v7 =	vperm.xlane v12, v0  }
0xda: {  	v4 =	vsel vm2, v4, v5;
	v5 =	vadd.f32 v9, v11;
	v9 =	vperm.xlane v19, v0  }
0xdb: {  	v11 =	vperm.xlane v6, v1;
	v7 =	vadd.f32 v7, v12;
	v12 =	vperm.xlane v18, v0  }
0xdc: {  	v20 =	vperm.xlane v5, v1;
	v9 =	vadd.f32 v9, v19;
	v19 =	vperm.xlane v17, v0  }
0xdd: {  	v6 =	vadd.f32 v11, v6;
	v11 =	vperm.xlane v7, v1;
	v12 =	vadd.f32 v12, v18  }
0xde: {  	v5 =	vadd.f32 v20, v5;
	v18 =	vperm.xlane v9, v1;
	v17 =	vadd.f32 v19, v17  }
0xdf: {  	v19 =	vperm.xlane v6, v2;
	v7 =	vadd.f32 v11, v7;
	v11 =	vperm.xlane v12, v1  }
0xe0: {  	v20 =	vperm.xlane v5, v2;
	v9 =	vadd.f32 v18, v9;
	v18 =	vperm.xlane v17, v1  }
0xe1: {  	v6 =	vadd.f32 v19, v6;
	v19 =	vperm.xlane v7, v2;
	v11 =	vadd.f32 v11, v12  }
0xe2: {  	v5 =	vadd.f32 v20, v5;
	v12 =	vperm.xlane v9, v2;
	v17 =	vadd.f32 v18, v17  }
0xe3: {  	v18 =	vperm.xlane v6, v3;
	v7 =	vadd.f32 v19, v7;
	v19 =	vperm.xlane v11, v2  }
0xe4: {  	v20 =	vperm.xlane v5, v3;
	v9 =	vadd.f32 v12, v9;
	v12 =	vperm.xlane v17, v2  }
0xe5: {  	v6 =	vadd.f32 v18, v6;
	v18 =	vperm.xlane v7, v3;
	v11 =	vadd.f32 v19, v11  }
0xe6: {  	v5 =	vadd.f32 v20, v5;
	v19 =	vperm.xlane v9, v3;
	v12 =	vadd.f32 v12, v17  }
0xe7: {  	v4 =	vsel vm3, v4, v6;
	v6 =	vadd.f32 v18, v7;
	v7 =	vperm.xlane v11, v3  }
0xe8: {  	v4 =	vsel vm4, v4, v5;
	v5 =	vadd.f32 v19, v9;
	v9 =	vperm.xlane v12, v3  }
0xe9: {  	v4 =	vsel vm5, v4, v6;
	v6 =	vadd.f32 v7, v11;
	v7 =	vperm.xlane v16, v0  }
0xea: {  	v4 =	vsel vm6, v4, v5;
	v5 =	vadd.f32 v9, v12;
	v9 =	vperm.xlane v14, v0  }
0xeb: {  	v4 =	vsel vm7, v4, v6;
	v6 =	vadd.f32 v7, v16;
	v7 =	vperm.xlane v15, v0  }
0xec: {  	v4 =	vsel vm8, v4, v5;
	v5 =	vadd.f32 v9, v14;
	v9 =	vperm.xlane v13, v0  }
0xed: {  	v12 =	vperm.xlane v10, v0;
	v11 =	vperm.xlane v6, v1;
	v7 =	vadd.f32 v7, v15  }
0xee: {  	v14 =	vperm.xlane v5, v1;
	v9 =	vadd.f32 v9, v13;
	v13 =	vperm.xlane v8, v0  }
0xef: {  	v10 =	vadd.f32 v12, v10;
	v6 =	vadd.f32 v11, v6;
	v11 =	vperm.xlane v7, v1  }
0xf0: {  	v5 =	vadd.f32 v14, v5;
	v12 =	vperm.xlane v9, v1;
	v8 =	vadd.f32 v13, v8  }
0xf1: {  	v13 =	vperm.xlane v6, v2;
	v7 =	vadd.f32 v11, v7;
	v11 =	vperm.xlane v10, v1  }
0xf2: {  	v14 =	vperm.xlane v5, v2;
	v9 =	vadd.f32 v12, v9;
	v12 =	vperm.xlane v8, v1  }
0xf3: {  	v6 =	vadd.f32 v13, v6;
	v13 =	vperm.xlane v7, v2;
	v10 =	vadd.f32 v11, v10  }
0xf4: {  	v5 =	vadd.f32 v14, v5;
	v11 =	vperm.xlane v9, v2;
	v8 =	vadd.f32 v12, v8  }
0xf5: {  	v12 =	vperm.xlane v6, v3;
	v7 =	vadd.f32 v13, v7;
	v13 =	vperm.xlane v10, v2  }
0xf6: {  	v14 =	vperm.xlane v5, v3;
	v9 =	vadd.f32 v11, v9;
	v11 =	vperm.xlane v8, v2  }
0xf7: {  	v6 =	vadd.f32 v12, v6;
	v12 =	vperm.xlane v7, v3;
	v10 =	vadd.f32 v13, v10  }
0xf8: {  	v5 =	vadd.f32 v14, v5;
	v13 =	vperm.xlane v9, v3;
	v8 =	vadd.f32 v11, v8  }
0xf9: {  	v4 =	vsel vm9, v4, v6;
	v6 =	vadd.f32 v12, v7;
	v7 =	vperm.xlane v10, v3  }
0xfa: {  	v4 =	vsel vm10, v4, v5;
	v5 =	vadd.f32 v13, v9;
	v9 =	vperm.xlane v8, v3  }
0xfb: {  	v4 =	vsel vm11, v4, v6;
	v6 =	vadd.f32 v7, v10  }
0xfc: {  	s29 =	simm.s32 $0x0;
	v4 =	vsel vm12, v4, v5;
	v5 =	vadd.f32 v9, v8  }
0xfd: {  	s30 =	sand.u32 $0xC00, s29;
	s20 =	sadd.s32 $0x4000, s17;
	v4 =	vsel vm13, v4, v6  }
0xfe: {  	s31 =	sand.u32 $0x70, s29;
	s17 =	sadd.s32 s30, s20;
	v4 =	vsel vm14, v4, v5  }
0xff: {  	s21 =	sadd.s32 s31, s17;
	[tilespmem:s18+$0xA210] =	vst v4  }
0x100: {  	s22 =	sadd.s32 s30, s19;
	s17 =	simm.s32 $0xA000;
	v4 =	vld [tilespmem:s21+$0x380]  }
0x101: {  	s22 =	sadd.s32 s31, s22;
	v10 =	vld [tilespmem:s17+$0x0]  }
0x102: {  	v5 =	vld [tilespmem:s22+$0x0]  }
0x103: {  	v6 =	vld [tilespmem:s22+$0x80]  }
0x104: {  	v7 =	vld [tilespmem:s22+$0x100]  }
0x105: {  	v16 =	vld [tilespmem:s22+$0x380]  }
0x106: {  	v12 =	vld [tilespmem:s22+$0x180]  }
0x107: {  	v20 =	vimm.f32 $0.0e+00;
	v17 =	vimm.f32 $0.0e+00;
	v18 =	vimm.f32 $0.0e+00;
	v13 =	vld [tilespmem:s22+$0x200]  }
0x108: {  	v19 =	vimm.f32 $0.0e+00;
	v11 =	vimm.f32 $0.0e+00;
	v14 =	vld [tilespmem:s22+$0x280];
	v4 =	vmax.f32 v4, $0.0e+00  }
0x109: {  	v5 =	vmax.f32 v5, $0.0e+00;
	v6 =	vmax.f32 v6, $0.0e+00;
	v4 =	vmul.f32 v4, v10  }
0x10a: {  	v15 =	vld [tilespmem:s22+$0x300];
	v28 =	vmax.f32 v16, $0.0e+00;
	v16 =	vimm.f32 $0.0e+00;
	v5 =	vmul.f32 v5, v10  }
0x10b: {  	v8 =	vadd.f32 v4, v11;
	v4 =	vmul.f32 v6, v10;
	v6 =	vmax.f32 v7, $0.0e+00  }
0x10c: {  	v9 =	vadd.f32 v5, v11;
	v5 =	vmul.f32 v6, v10;
	v6 =	vmax.f32 v12, $0.0e+00  }
0x10d: {  	v25 =	vld [tilespmem:s21+$0x0];
	v12 =	vmax.f32 v13, $0.0e+00;
	v13 =	vmax.f32 v14, $0.0e+00;
	v14 =	vimm.f32 $0.0e+00  }
0x10e: {  	v23 =	vld [tilespmem:s21+$0x80];
	v7 =	vadd.f32 v4, v11;
	v6 =	vmul.f32 v6, v10;
	v12 =	vmul.f32 v12, v10  }
0x10f: {  	v22 =	vld [tilespmem:s21+$0x100];
	v26 =	vmul.f32 v13, v10;
	v13 =	vmax.f32 v15, $0.0e+00;
	v15 =	vimm.f32 $0.0e+00  }
0x110: {  	v21 =	vld [tilespmem:s21+$0x180];
	s22 =	simm.s32 $0x80;
	v4 =	vadd.f32 v5, v11;
	v27 =	vmul.f32 v13, v10;
	v13 =	vimm.f32 $0.0e+00  }
0x111: {  	s24 =	simm.s32 $0x10;
	s23 =	simm.s32 $0x20;
	v24 =	vld [tilespmem:s21+$0x200];
	s25 =	sand.u32 $0xC00, s22;
	v5 =	vadd.f32 v6, v11;
	v6 =	vadd.f32 v12, v11;
	v12 =	vimm.f32 $0.0e+00  }
.LBB2_7:
0x112: {  	p0 =	sne.s32 s23, $0x1F0;
	s26 =	sand.u32 $0x70, s24;
	s24 =	sadd.s32 s25, s20;
	v11 =	vadd.f32 v26, v11;
	v26 =	vmul.f32 v28, v10;
	v25 =	vmax.f32 v25, $0.0e+00;
	v28 =	vld [tilespmem:s21+$0x280]  }
0x113: {  	s25 =	sadd.s32 s25, s19;
	v20 =	vadd.f32 v27, v20;
	v25 =	vmul.f32 v25, v10;
	v23 =	vmax.f32 v23, $0.0e+00;
	v27 =	vld [tilespmem:s21+$0x300];
	s21 =	sadd.s32 s26, s24;
	s24 =	smov.u32 s23  }
0x114: {  	s17 =	sadd.s32 $0x10, s17;
	s25 =	sadd.s32 s26, s25;
	v29 =	vld [tilespmem:s21+$0x380];
	v19 =	vadd.f32 v26, v19;
	v23 =	vmul.f32 v23, v10;
	v22 =	vmax.f32 v22, $0.0e+00  }
0x115: {  	v26 =	vld [tilespmem:s17+$0x0];
	v18 =	vadd.f32 v25, v18;
	v22 =	vmul.f32 v22, v10;
	v21 =	vmax.f32 v21, $0.0e+00  }
0x116: {  	v25 =	vld [tilespmem:s25+$0x0];
	v17 =	vadd.f32 v23, v17;
	v21 =	vmul.f32 v21, v10;
	v23 =	vmax.f32 v24, $0.0e+00  }
0x117: {  	v24 =	vld [tilespmem:s25+$0x80];
	v16 =	vadd.f32 v22, v16;
	v22 =	vmul.f32 v23, v10;
	v23 =	vmax.f32 v28, $0.0e+00  }
0x118: {  	v28 =	vld [tilespmem:s25+$0x100];
	v14 =	vadd.f32 v21, v14;
	v21 =	vmul.f32 v23, v10;
	v23 =	vmax.f32 v27, $0.0e+00  }
0x119: {  	v27 =	vld [tilespmem:s25+$0x180];
	v29 =	vmax.f32 v29, $0.0e+00;
	v15 =	vadd.f32 v22, v15;
	v22 =	vmul.f32 v23, v10  }
0x11a: {  	v23 =	vld [tilespmem:s25+$0x200];
	v29 =	vmul.f32 v29, v26;
	v13 =	vadd.f32 v21, v13;
	v10 =	vmov v26  }
0x11b: {  	v21 =	vmax.f32 v25, $0.0e+00;
	v26 =	vld [tilespmem:s25+$0x280];
	v12 =	vadd.f32 v22, v12  }
0x11c: {  	v21 =	vmul.f32 v21, v10;
	v22 =	vmax.f32 v24, $0.0e+00;
	v24 =	vld [tilespmem:s25+$0x300];
	v8 =	vadd.f32 v29, v8  }
0x11d: {  	v22 =	vmul.f32 v22, v10;
	v25 =	vmax.f32 v28, $0.0e+00;
	v28 =	vld [tilespmem:s25+$0x380]  }
.Ltmp2:
0x11e: {  	v9 =	vadd.f32 v21, v9;
	v21 =	vmul.f32 v25, v10;
	v27 =	vmax.f32 v27, $0.0e+00;
	v25 =	vld [tilespmem:s21+$0x0];
	(pc) =	sbr.rel @p0 .LBB2_7-.Ltmp2, $4  }
0x11f: {  	v7 =	vadd.f32 v22, v7;
	v27 =	vmul.f32 v27, v10;
	v22 =	vmax.f32 v23, $0.0e+00;
	v23 =	vld [tilespmem:s21+$0x80]  }
0x120: {  	v4 =	vadd.f32 v21, v4;
	v29 =	vmul.f32 v22, v10;
	v21 =	vmax.f32 v26, $0.0e+00;
	v22 =	vld [tilespmem:s21+$0x100]  }
0x121: {  	s22 =	sadd.s32 $0x80, s22;
	v5 =	vadd.f32 v27, v5;
	v26 =	vmul.f32 v21, v10;
	v24 =	vmax.f32 v24, $0.0e+00;
	v21 =	vld [tilespmem:s21+$0x180]  }
0x122: {  	s23 =	sadd.s32 $0x10, s23;
	s25 =	sand.u32 $0xC00, s22;
	v6 =	vadd.f32 v29, v6;
	v27 =	vmul.f32 v24, v10;
	v28 =	vmax.f32 v28, $0.0e+00;
	v24 =	vld [tilespmem:s21+$0x200]  }
0x123: {  	v29 =	vld [tilespmem:s21+$0x280]  }
0x124: {  	s22 =	sand.u32 $0x70, s24;
	s20 =	sadd.s32 s25, s20;
	v62 =	vld [tilespmem:s21+$0x300];
	s17 =	sadd.s32 $0x10, s17  }
0x125: {  	v11 =	vadd.f32 v26, v11;
	s19 =	sadd.s32 s25, s19;
	s20 =	sadd.s32 s22, s20;
	v26 =	vld [tilespmem:s17+$0x0]  }
0x126: {  	s19 =	sadd.s32 s22, s19;
	v63 =	vld [tilespmem:s20+$0x380]  }
0x127: {  	v32 =	vld [tilespmem:s19+$0x0]  }
0x128: {  	v34 =	vld [tilespmem:s19+$0x80]  }
0x129: {  	v37 =	vld [tilespmem:s19+$0x100]  }
0x12a: {  	v40 =	vld [tilespmem:s19+$0x180]  }
0x12b: {  	v61 =	vmul.f32 v28, v10;
	v25 =	vmax.f32 v25, $0.0e+00;
	v42 =	vld [tilespmem:s19+$0x200]  }
0x12c: {  	v20 =	vadd.f32 v27, v20;
	v25 =	vmul.f32 v25, v10;
	v23 =	vmax.f32 v23, $0.0e+00;
	v45 =	vld [tilespmem:s19+$0x280]  }
0x12d: {  	v19 =	vadd.f32 v61, v19;
	v23 =	vmul.f32 v23, v10;
	v22 =	vmax.f32 v22, $0.0e+00;
	v48 =	vld [tilespmem:s19+$0x300]  }
0x12e: {  	v50 =	vld [tilespmem:s19+$0x380];
	v18 =	vadd.f32 v25, v18;
	v22 =	vmul.f32 v22, v10;
	v21 =	vmax.f32 v21, $0.0e+00  }
0x12f: {  	v53 =	vld [tilespmem:s20+$0x0];
	v17 =	vadd.f32 v23, v17;
	v21 =	vmul.f32 v21, v10;
	v33 =	vmax.f32 v24, $0.0e+00  }
0x130: {  	v55 =	vld [tilespmem:s20+$0x80];
	v16 =	vadd.f32 v22, v16;
	v35 =	vmul.f32 v33, v10;
	v36 =	vmax.f32 v29, $0.0e+00  }
0x131: {  	v58 =	vld [tilespmem:s20+$0x100];
	v39 =	vmax.f32 v62, $0.0e+00;
	v14 =	vadd.f32 v21, v14;
	v38 =	vmul.f32 v36, v10  }
0x132: {  	v61 =	vld [tilespmem:s20+$0x180];
	v41 =	vmul.f32 v39, v10;
	v27 =	vmax.f32 v63, $0.0e+00;
	v15 =	vadd.f32 v35, v15  }
0x133: {  	v44 =	vmax.f32 v32, $0.0e+00;
	v47 =	vmax.f32 v34, $0.0e+00;
	v49 =	vmax.f32 v37, $0.0e+00  }
0x134: {  	v52 =	vmax.f32 v40, $0.0e+00;
	v22 =	vmax.f32 v42, $0.0e+00;
	v57 =	vmax.f32 v45, $0.0e+00  }
0x135: {  	v60 =	vmax.f32 v48, $0.0e+00;
	v63 =	vmax.f32 v50, $0.0e+00;
	v29 =	vmax.f32 v53, $0.0e+00  }
0x136: {  	v31 =	vmax.f32 v55, $0.0e+00;
	v33 =	vmax.f32 v58, $0.0e+00;
	v43 =	vmul.f32 v27, v26  }
0x137: {  	v24 =	vmax.f32 v61, $0.0e+00;
	v46 =	vmul.f32 v44, v26;
	v21 =	vmul.f32 v47, v26  }
0x138: {  	v13 =	vadd.f32 v38, v13;
	v51 =	vmul.f32 v49, v26;
	v54 =	vmul.f32 v52, v26  }
0x139: {  	v10 =	vadd.f32 v41, v12;
	v56 =	vmul.f32 v22, v26;
	v59 =	vmul.f32 v57, v26  }
0x13a: {  	v62 =	vmul.f32 v60, v26;
	v27 =	vmul.f32 v63, v26;
	v8 =	vadd.f32 v43, v8  }
0x13b: {  	v30 =	vmul.f32 v29, v26;
	v9 =	vadd.f32 v46, v9;
	v7 =	vadd.f32 v21, v7  }
0x13c: {  	v32 =	vmul.f32 v31, v26;
	v4 =	vadd.f32 v51, v4;
	v5 =	vadd.f32 v54, v5  }
0x13d: {  	v22 =	vmul.f32 v33, v26;
	v6 =	vadd.f32 v56, v6;
	v11 =	vadd.f32 v59, v11  }
0x13e: {  	v12 =	vadd.f32 v62, v20;
	v35 =	vperm.xlane v9, v0;
	v36 =	vperm.xlane v7, v0  }
0x13f: {  	v19 =	vadd.f32 v27, v19;
	v18 =	vadd.f32 v30, v18;
	v37 =	vperm.xlane v4, v0  }
0x140: {  	v39 =	vperm.xlane v5, v0;
	v9 =	vadd.f32 v35, v9;
	v7 =	vadd.f32 v36, v7  }
0x141: {  	v40 =	vmul.f32 v24, v26;
	v16 =	vadd.f32 v22, v16;
	v4 =	vadd.f32 v37, v4  }
0x142: {  	v34 =	vld [tilespmem:s20+$0x200];
	v5 =	vadd.f32 v39, v5;
	v41 =	vperm.xlane v9, v1;
	v25 =	vperm.xlane v7, v1  }
0x143: {  	v14 =	vadd.f32 v40, v14;
	v57 =	vperm.xlane v6, v0;
	v43 =	vperm.xlane v4, v1  }
0x144: {  	v45 =	vperm.xlane v5, v1;
	v9 =	vadd.f32 v41, v9;
	v7 =	vadd.f32 v25, v7  }
0x145: {  	v58 =	vperm.xlane v11, v0;
	v59 =	vperm.xlane v12, v0;
	v4 =	vadd.f32 v43, v4  }
0x146: {  	v5 =	vadd.f32 v45, v5;
	v47 =	vperm.xlane v9, v2;
	v48 =	vperm.xlane v7, v2  }
0x147: {  	v38 =	vld [tilespmem:s20+$0x280];
	v42 =	vmax.f32 v34, $0.0e+00;
	v60 =	vperm.xlane v19, v0;
	v50 =	vperm.xlane v4, v2  }
0x148: {  	v44 =	vld [tilespmem:s20+$0x300];
	v51 =	vperm.xlane v5, v2;
	v9 =	vadd.f32 v47, v9;
	v7 =	vadd.f32 v48, v7  }
0x149: {  	v62 =	vperm.xlane v18, v0;
	v40 =	vperm.xlane v16, v0;
	v4 =	vadd.f32 v50, v4  }
0x14a: {  	v5 =	vadd.f32 v51, v5;
	v52 =	vperm.xlane v9, v3;
	v53 =	vperm.xlane v7, v3  }
0x14b: {  	v17 =	vadd.f32 v32, v17;
	v20 =	vmul.f32 v42, v26;
	v55 =	vperm.xlane v4, v3  }
0x14c: {  	v56 =	vperm.xlane v5, v3;
	v9 =	vadd.f32 v52, v9;
	v7 =	vadd.f32 v53, v7  }
0x14d: {  	v46 =	vmax.f32 v38, $0.0e+00;
	v23 =	vmax.f32 v44, $0.0e+00;
	v4 =	vadd.f32 v55, v4  }
0x14e: {  	v49 =	vmul.f32 v46, v26;
	v5 =	vadd.f32 v56, v5;
	v7 =	vsel vm0, v9, v7  }
0x14f: {  	v54 =	vmul.f32 v23, v26;
	v6 =	vadd.f32 v57, v6;
	v4 =	vsel vm1, v7, v4  }
0x150: {  	v23 =	vperm.xlane v17, v0;
	v4 =	vsel vm2, v4, v5;
	v5 =	vadd.f32 v58, v11  }
0x151: {  	v42 =	vadd.f32 v40, v16;
	v61 =	vperm.xlane v6, v1;
	v7 =	vadd.f32 v59, v12  }
0x152: {  	v15 =	vadd.f32 v20, v15;
	v9 =	vadd.f32 v60, v19;
	v63 =	vperm.xlane v5, v1  }
0x153: {  	v6 =	vadd.f32 v61, v6;
	v12 =	vadd.f32 v62, v18;
	v24 =	vperm.xlane v7, v1  }
0x154: {  	v17 =	vadd.f32 v23, v17;
	v25 =	vperm.xlane v9, v1;
	v5 =	vadd.f32 v63, v5  }
0x155: {  	v26 =	vperm.xlane v6, v2;
	v27 =	vperm.xlane v12, v1;
	v7 =	vadd.f32 v24, v7  }
0x156: {  	v28 =	vperm.xlane v17, v1;
	v9 =	vadd.f32 v25, v9;
	v20 =	vperm.xlane v5, v2  }
0x157: {  	v6 =	vadd.f32 v26, v6;
	v11 =	vadd.f32 v27, v12;
	v29 =	vperm.xlane v7, v2  }
0x158: {  	v17 =	vadd.f32 v28, v17;
	v30 =	vperm.xlane v9, v2;
	v5 =	vadd.f32 v20, v5  }
0x159: {  	v31 =	vperm.xlane v6, v3;
	v32 =	vperm.xlane v11, v2;
	v7 =	vadd.f32 v29, v7  }
0x15a: {  	v33 =	vperm.xlane v17, v2;
	v9 =	vadd.f32 v30, v9;
	v20 =	vperm.xlane v5, v3  }
0x15b: {  	v6 =	vadd.f32 v31, v6;
	v11 =	vadd.f32 v32, v11;
	v34 =	vperm.xlane v7, v3  }
0x15c: {  	v12 =	vadd.f32 v33, v17;
	v35 =	vperm.xlane v9, v3;
	v5 =	vadd.f32 v20, v5  }
0x15d: {  	v4 =	vsel vm3, v4, v6;
	v37 =	vperm.xlane v11, v3;
	v36 =	vadd.f32 v34, v7  }
0x15e: {  	v38 =	vperm.xlane v12, v3;
	v4 =	vsel vm4, v4, v5;
	v5 =	vadd.f32 v35, v9  }
0x15f: {  	v13 =	vadd.f32 v49, v13;
	v39 =	vadd.f32 v37, v11;
	v4 =	vsel vm5, v4, v36  }
0x160: {  	v41 =	vperm.xlane v14, v0;
	v4 =	vsel vm6, v4, v5;
	v5 =	vadd.f32 v38, v12  }
0x161: {  	v10 =	vadd.f32 v54, v10;
	v43 =	vperm.xlane v15, v0;
	v4 =	vsel vm7, v4, v39  }
0x162: {  	v44 =	vperm.xlane v13, v0;
	v4 =	vsel vm8, v4, v5;
	v5 =	vadd.f32 v41, v14  }
0x163: {  	v45 =	vperm.xlane v42, v1;
	v46 =	vperm.xlane v10, v0;
	v7 =	vadd.f32 v43, v15  }
0x164: {  	v47 =	vperm.xlane v8, v0;
	v9 =	vadd.f32 v44, v13;
	v14 =	vperm.xlane v5, v1  }
0x165: {  	v10 =	vadd.f32 v46, v10;
	v6 =	vadd.f32 v45, v42;
	v48 =	vperm.xlane v7, v1  }
0x166: {  	v8 =	vadd.f32 v47, v8;
	v49 =	vperm.xlane v9, v1;
	v5 =	vadd.f32 v14, v5  }
0x167: {  	v51 =	vperm.xlane v10, v1;
	v50 =	vperm.xlane v6, v2;
	v7 =	vadd.f32 v48, v7  }
0x168: {  	v52 =	vperm.xlane v8, v1;
	v9 =	vadd.f32 v49, v9;
	v14 =	vperm.xlane v5, v2  }
0x169: {  	v10 =	vadd.f32 v51, v10;
	v6 =	vadd.f32 v50, v6;
	v53 =	vperm.xlane v7, v2  }
0x16a: {  	v8 =	vadd.f32 v52, v8;
	v54 =	vperm.xlane v9, v2;
	v5 =	vadd.f32 v14, v5  }
0x16b: {  	v56 =	vperm.xlane v10, v2;
	v55 =	vperm.xlane v6, v3;
	v7 =	vadd.f32 v53, v7  }
0x16c: {  	v57 =	vperm.xlane v8, v2;
	v9 =	vadd.f32 v54, v9;
	v14 =	vperm.xlane v5, v3  }
0x16d: {  	v10 =	vadd.f32 v56, v10;
	v6 =	vadd.f32 v55, v6;
	v58 =	vperm.xlane v7, v3  }
0x16e: {  	v8 =	vadd.f32 v57, v8;
	v59 =	vperm.xlane v9, v3;
	v5 =	vadd.f32 v14, v5  }
0x16f: {  	v61 =	vperm.xlane v10, v3;
	v4 =	vsel vm9, v4, v6;
	v60 =	vadd.f32 v58, v7  }
0x170: {  	p0 =	sne.s32 s16, $0x5;
	v62 =	vperm.xlane v8, v3;
	v4 =	vsel vm10, v4, v5;
	v5 =	vadd.f32 v59, v9  }
.Ltmp3:
0x171: {  	v63 =	vadd.f32 v61, v10;
	v4 =	vsel vm11, v4, v60;
	(pc) =	sbr.rel @p0 .LBB2_2-.Ltmp3, $4  }
0x172: {  	v4 =	vsel vm12, v4, v5;
	v5 =	vadd.f32 v62, v8  }
0x173: {  	v4 =	vsel vm13, v4, v63  }
0x174: {  	v4 =	vsel vm14, v4, v5  }
0x175: {  	[tilespmem:s18+$0xA218] =	vst v4;
	s18 =	smov.u32 s16  }
0x176: {  	s15 =	sadd.s32 $0x1, s15  }
0x177: {  	p0 =	sne.s32 s15, s8  }
.Ltmp4:
0x178: {  	_ = 	snop;
	(pc) =	sbr.rel @p0 .LBB2_1-.Ltmp4, $4  }
0x179: {  	[hbm4b:s7+s11] =	stream.strided.scatter [tilespmem:s13], [sflag:$0x3], $0x100, s12, s11, $0x38;
	[tilespmem:$0xA300] =	vst v63  }
0x17a: {  	_ =	swait.ge [sflag:s14], $0x100  }
0x17b: {  	[sflag:s14] =	ssyncset.done $0x0  }
0x17c: {  	[sflag:s14] =	ssyncadd.s32 $0xFFFFFF00  }
0x17d: {  	_ =	sfence.sel $0x180000  }
0x17e: {  	[bflag:$0x0] =	sbarrier.arrive $0xFFFF  }
0x17f: {  	p0 =	sne.s32 s2, $0x0;
	_ =	strace $0x90000047  }
0x180: {  	s0 =	sadd.s32 @!p0 $0x100000, s3;
	[bflag:$0x2] =	sbarrier.arrive $0xFFFF  }
0x181: {  	[sflag:s0] =	ssyncadd.tile.s32 @!p0 $0x1;
	_ =	shalt  }
.Lfunc_end2:
_tile_overlayer_lowered:
.L_overlay_start_2:
0x182: {  	(tag) =	ssettag $0x2  }
0x183: {  	s0 =	rddreg [dreg:$0x0];
	s2 =	stileid.u32  }
0x184: {  	s1 =	rddreg [dreg:$0x1];
	p0 =	sne.s32 s2, $0x0  }
0x185: {  	s3 =	rddreg [dreg:$0x2];
	[bflag:$0x3] =	sbarrier.arrive $0xFFFF;
	s2 =	simm.s32 @!p0 $0x1C04  }
0x186: {  	[timem:s3], [sflag:s2] =	dma.local @!p0 [hbm:s0], s1  }
0x187: {  	s0 =	simm.s32 @!p0 $0x4  }
0x188: {  	_ =	swait.ge @!p0 [sflag:s0], s1  }
0x189: {  	s1 =	ssub.s32 @!p0 $0x0, s1;
	[sflag:s0] =	ssyncset.done @!p0 $0x0  }
0x18a: {  	[sflag:s0] =	ssyncadd.s32 @!p0 s1  }
0x18b: {  	[bflag:$0x3] =	sbarrier.arrive $0xFFFF  }
0x18c: {  	_ =	shalt  }

</sc_bundles>
